<compile_context>
chip_gen: v7x
topology: tpu7x:2x2x1
jax: 0.10.2.dev20260603
libtpu: 0.0.44.dev20260713+nightly
codegen_flags: <defaults>
</compile_context>

<pallas_src>
import dataclasses
import functools

import jax
import jax.numpy as jnp
from jax import lax
from jax.experimental import pallas as pl
from jax.experimental.pallas import tpu as pltpu
from jax.experimental.pallas import tpu_sc as plsc

_HARD_RATIO = 0.1
_NBINS = 2048
_SHIFT = 21
_LANES = 16
_ROWBLK = 16


def _sc_row_topk(in3, tgt3, *, rows, h, w, k):
    nchunks = h // _ROWBLK
    mesh = plsc.VectorSubcoreMesh(core_axis_name="c", subcore_axis_name="s")
    kf = jnp.float32(k)

    cp = pltpu.CompilerParams(use_tc_tiling_on_sc=True)
    if "needs_layout_passes" in pltpu.CompilerParams.__dataclass_fields__:
        cp = dataclasses.replace(cp, needs_layout_passes=False)

    @functools.partial(
        pl.kernel,
        out_type=jax.ShapeDtypeStruct((32, _LANES), jnp.float32),
        mesh=mesh,
        compiler_params=cp,
        scratch_types=[
            pltpu.VMEM((_ROWBLK, 512), jnp.float32),
            pltpu.VMEM((_ROWBLK, 512), jnp.float32),
            pltpu.VMEM((_ROWBLK, 512), jnp.float32),
            pltpu.VMEM((_ROWBLK, 512), jnp.float32),
            pltpu.VMEM((_NBINS * _LANES,), jnp.float32),
            pltpu.VMEM((_NBINS * _LANES,), jnp.float32),
            pltpu.VMEM((_LANES,), jnp.float32),
            pltpu.SemaphoreType.DMA,
            pltpu.SemaphoreType.DMA,
        ],
    )
    def sc_kernel(in_hbm, tgt_hbm, out_hbm, abuf0, bbuf0, abuf1, bbuf1,
                  cnt_h, sum_h, ovec, sem0, sem1):
        wid = lax.axis_index("c") * 16 + lax.axis_index("s")

        @pl.when(wid < rows)
        def _active():
            lane = lax.iota(jnp.int32, _LANES)
            ones = jnp.full((_LANES,), 1.0, jnp.float32)
            zvec = jnp.zeros((_LANES,), jnp.float32)

            pairs = ((abuf0, bbuf0, sem0), (abuf1, bbuf1, sem1))

            def issue(c, p):
                a, b, sem = pairs[p]
                r0 = c * _ROWBLK
                pltpu.async_copy(in_hbm.at[wid, pl.ds(r0, _ROWBLK)], a, sem)
                pltpu.async_copy(tgt_hbm.at[wid, pl.ds(r0, _ROWBLK)], b, sem)

            def wait(p):
                a, b, sem = pairs[p]
                src = in_hbm.at[wid, pl.ds(0, _ROWBLK)]
                pltpu.make_async_copy(src, a, sem).wait()
                pltpu.make_async_copy(src, b, sem).wait()

            def process(p):
                a, b, _ = pairs[p]

                @plsc.parallel_loop(0, 512, step=_LANES, unroll=4)
                def _grp(o):
                    for rr in range(_ROWBLK):
                        x = jnp.abs(a[rr, pl.ds(o, _LANES)]
                                    - b[rr, pl.ds(o, _LANES)])
                        xb = lax.bitcast_convert_type(x, jnp.int32)
                        bn = lax.shift_right_logical(xb, _SHIFT)
                        idx = lax.shift_left(bn, 4) + lane
                        plsc.addupdate_scatter(cnt_h, [idx], ones)
                        plsc.addupdate_scatter(sum_h, [idx], x)

            issue(0, 0)
            issue(1, 1)

            @plsc.parallel_loop(0, _NBINS * _LANES, step=_LANES, unroll=8)
            def _zero(o):
                cnt_h[pl.ds(o, _LANES)] = zvec
                sum_h[pl.ds(o, _LANES)] = zvec

            @pl.loop(0, nchunks // 2)
            def _pair(i):
                c0 = 2 * i
                for u in range(2):
                    wait(u)
                    process(u)

                    @pl.when(c0 + u + 2 < nchunks)
                    def _():
                        issue(c0 + u + 2, u)

            ngroups = _NBINS // 16

            def g_cond(carry):
                gi, tot, stot, g_star, cnt_before, sum_before, found = carry
                return jnp.logical_and(gi < ngroups, jnp.logical_not(found))

            def g_body(carry):
                gi, tot, stot, g_star, cnt_before, sum_before, found = carry
                g = ngroups - 1 - gi
                goff = g * 16 * _LANES
                gc = jnp.zeros((_LANES,), jnp.float32)
                gs = jnp.zeros((_LANES,), jnp.float32)
                for t in range(16):
                    gc = gc + cnt_h[pl.ds(goff + t * _LANES, _LANES)]
                    gs = gs + sum_h[pl.ds(goff + t * _LANES, _LANES)]
                tot_after = tot + jnp.sum(gc, axis=0)
                stot_after = stot + jnp.sum(gs, axis=0)
                crossed = tot_after >= kf
                g_star = jnp.where(crossed, g, g_star)
                cnt_before = jnp.where(crossed, tot, cnt_before)
                sum_before = jnp.where(crossed, stot, sum_before)
                return (gi + 1, tot_after, stot_after, g_star, cnt_before,
                        sum_before, crossed)

            tot0 = jnp.float32(0.0)
            init = (jnp.int32(0), tot0, tot0, jnp.int32(0), tot0, tot0,
                    jnp.bool_(False))
            (_, _, _, g_star, cnt_before, sum_before, _) = lax.while_loop(
                g_cond, g_body, init)

            def t_state(t, carry):
                cnt_run, sum_run, b_star, cnt_above, sum_above, c_b, s_b, found2 = carry
                tb = 15 - t
                boff = g_star * 16 * _LANES + tb * _LANES
                cv = cnt_h[pl.ds(boff, _LANES)]
                sv = sum_h[pl.ds(boff, _LANES)]
                bc = jnp.sum(cv, axis=0)
                bs = jnp.sum(sv, axis=0)
                after = cnt_run + bc
                crossed2 = jnp.logical_and(jnp.logical_not(found2), after >= kf)
                b_star = jnp.where(crossed2, g_star * 16 + tb, b_star)
                cnt_above = jnp.where(crossed2, cnt_run, cnt_above)
                sum_above = jnp.where(crossed2, sum_run, sum_above)
                c_b = jnp.where(crossed2, bc, c_b)
                s_b = jnp.where(crossed2, bs, s_b)
                found2 = jnp.logical_or(found2, crossed2)
                return (after, sum_run + bs, b_star, cnt_above, sum_above, c_b, s_b, found2)

            init2 = (cnt_before, sum_before, jnp.int32(0), tot0, tot0,
                     jnp.float32(1.0), tot0, jnp.bool_(False))
            (_, _, b_star, cnt_above, sum_above, c_b, s_b, _) = lax.fori_loop(
                0, 16, t_state, init2)

            t_lo = lax.bitcast_convert_type(lax.shift_left(b_star, _SHIFT),
                                            jnp.float32)
            t_hi = lax.bitcast_convert_type(lax.shift_left(b_star + 1, _SHIFT),
                                            jnp.float32)
            lane_f = lax.iota(jnp.int32, _LANES)
            res = jnp.where(lane_f == 0, sum_above,
                  jnp.where(lane_f == 1, cnt_above,
                  jnp.where(lane_f == 2, c_b,
                  jnp.where(lane_f == 3, s_b,
                  jnp.where(lane_f == 4, t_lo, t_hi)))))
            ovec[...] = res
            pltpu.sync_copy(ovec, out_hbm.at[wid])

    return sc_kernel(in3, tgt3)


def _tc_sums_body(inp_ref, mask_ref, tgt_ref, out_ref, acc_ref, *, n_rows):
    i = pl.program_id(0)
    x = jnp.abs(inp_ref[0] - tgt_ref[0])
    lm = 1.0 - mask_ref[0]

    @pl.when(i == 0)
    def _init():
        acc_ref[0] = 0.0
        acc_ref[1] = 0.0
        acc_ref[2] = 0.0

    acc_ref[0] += jnp.sum(x)
    acc_ref[1] += jnp.sum(lm * x)
    acc_ref[2] += jnp.sum(lm)

    @pl.when(i == n_rows - 1)
    def _finish():
        out_ref[0] = acc_ref[0]
        out_ref[1] = acc_ref[1]
        out_ref[2] = acc_ref[2]


def _tc_sums(inp, msk, tgt, *, rows, h, w):
    spec = pl.BlockSpec((1, h, w), lambda i: (i, 0, 0))
    return pl.pallas_call(
        functools.partial(_tc_sums_body, n_rows=rows),
        grid=(rows,),
        in_specs=[spec, spec, spec],
        out_specs=pl.BlockSpec(memory_space=pltpu.SMEM),
        out_shape=jax.ShapeDtypeStruct((3,), jnp.float32),
        scratch_shapes=[pltpu.SMEM((3,), jnp.float32)],
    )(inp, msk, tgt)


def kernel(input, mask, target):
    n, c, h, w = input.shape
    rows = n * c
    hw = h * w
    k = int(hw * _HARD_RATIO)

    topk = _sc_row_topk(input.reshape(rows, h, w), target.reshape(rows, h, w),
                        rows=rows, h=h, w=w, k=k)
    sums = _tc_sums(input.reshape(rows, h, w), mask.reshape(rows, h, w),
                    target.reshape(rows, h, w), rows=rows, h=h, w=w)

    sum_above = topk[:rows, 0]
    cnt_above = topk[:rows, 1]
    c_b = jnp.maximum(topk[:rows, 2], 1.0)
    s_b = topk[:rows, 3]
    t_hi = topk[:rows, 5]
    w_b = t_hi - topk[:rows, 4]
    j = k - cnt_above
    mean_b = s_b / c_b
    pred = jnp.clip(mean_b + w_b * (c_b - j) / (2.0 * c_b), mean_b, t_hi)
    row_topk = sum_above + j * pred

    basic = sums[0] / jnp.float32(rows * hw)
    lhole = sums[1] / sums[2]
    lhard = jnp.sum(row_topk) / jnp.float32(rows * k)
    return basic + lhole + lhard

# --- scband reference (transcript-rebuilt; emitter-appended) ---
"""Pipeline reference for scband-m-loss-1743756722790 (READ-ONLY COPY).

The authoritative reference and input builder live on the scoring server;
editing this copy changes nothing except your own understanding.
"""

import jax, jax.numpy as jnp
import numpy as np

mLossHoleArgument = 1.0
mLossHardArgument = 1.0
HARD_RATIO = 0.1

def setup_inputs(seed: int = 0) -> dict:
    key = jax.random.key(seed)
    k1, k2, k3 = jax.random.split(key, 3)
    inp = jax.random.normal(k1, (8, 3, 512, 512), dtype=jnp.float32)
    mask = jax.random.uniform(k2, (8, 3, 512, 512), dtype=jnp.float32)
    target = jax.random.normal(k3, (8, 3, 512, 512), dtype=jnp.float32)
    return {"input": inp, "mask": mask, "target": target}

def reference(input, mask, target):
    n, c, h, w = input.shape
    diff = jnp.abs(input - target)
    basicl1 = diff.mean()
    # hole loss
    lossMask = 1.0 - mask[:, :3, :, :]
    lhole = (lossMask * diff).sum() / lossMask.sum()
    basicl1 = basicl1 + lhole * mLossHoleArgument
    # hard loss: top-k of abs diff per (n, c)
    k = int(h * w * HARD_RATIO)
    flat = diff.reshape(n, c, -1)
    val, ind = jax.lax.top_k(flat, k)
    lhard = val.mean()
    basicl1 = basicl1 + lhard * mLossHardArgument
    return basicl1

if __name__ == "__main__":
    import jax
    _d = setup_inputs()
    print(jax.jit(kernel)(*tuple(_d.values())))

</pallas_src>

<mosaic_0001>
#map = affine_map<(d0, d1) -> (0, 0, 0)>
#map1 = affine_map<(d0, d1) -> (0)>
#map2 = affine_map<(d0, d1) -> (0, 0)>
module attributes {stable_mosaic.version = 14 : i64} {
  func.func @_rewritten_body(%arg0: i32, %arg1: i32, %arg2: memref<24x512x512xf32, #tpu.memory_space<hbm>>, %arg3: memref<24x512x512xf32, #tpu.memory_space<hbm>>, %arg4: memref<1xf32, #tpu.memory_space<hbm>>, %arg5: memref<32x16xf32, #tpu.memory_space<hbm>>, %arg6: memref<16x512xf32, #tpu.memory_space<vmem>>, %arg7: memref<16x512xf32, #tpu.memory_space<vmem>>, %arg8: memref<16x512xf32, #tpu.memory_space<vmem>>, %arg9: memref<16x512xf32, #tpu.memory_space<vmem>>, %arg10: memref<32768xf32, #tpu.memory_space<vmem>>, %arg11: memref<32768xf32, #tpu.memory_space<vmem>>, %arg12: memref<16xf32, #tpu.memory_space<vmem>>, %arg13: memref<!tpu.dma_semaphore, #tpu.memory_space<semaphore_mem>>, %arg14: memref<!tpu.dma_semaphore, #tpu.memory_space<semaphore_mem>>) attributes {dimension_semantics = [#tpu.dimension_semantics<core_parallel>, #tpu.dimension_semantics<subcore_parallel>], iteration_bounds = array<i64: 2, 16>, scalar_prefetch = 0 : i64, scratch_operands = 9 : i64, tpu.core_type = #tpu.core_type<sc_vector_subcore>, window_params = [{transform_indices = #map}, {transform_indices = #map}, {transform_indices = #map1}, {transform_indices = #map2}]} {
    %empty_ref3A = memref.alloca() : memref<16xf32, #tpu.memory_space<vmem>>
    "tpu.region"() ({
      %run_scoped3A = tpu.sem_alloc : memref<!tpu.dma_semaphore, #tpu.memory_space<semaphore_mem>>
      %dma_start3A = arith.constant 0 : i32
      %dma_start3A_4 = tpu.memref_slice %empty_ref3A[%dma_start3A] : memref<16xf32, #tpu.memory_space<vmem>> -> memref<1xf32, #tpu.memory_space<vmem>>
      %dma_start3A_5 = arith.constant 0 : i32
      %dma_start3A_6 = tpu.memref_slice %empty_ref3A[%dma_start3A_5] : memref<16xf32, #tpu.memory_space<vmem>> -> memref<1xf32, #tpu.memory_space<vmem>>
      tpu.enqueue_dma source(%arg4 : memref<1xf32, #tpu.memory_space<hbm>>) target(%dma_start3A_6 : memref<1xf32, #tpu.memory_space<vmem>>) target_semaphore(%run_scoped3A : memref<!tpu.dma_semaphore, #tpu.memory_space<semaphore_mem>>)
      %dma_wait3A = arith.constant 0 : i32
      %dma_wait3A_7 = tpu.memref_slice %empty_ref3A[%dma_wait3A] : memref<16xf32, #tpu.memory_space<vmem>> -> memref<1xf32, #tpu.memory_space<vmem>>
      %dma_wait3A_8 = arith.constant 0 : i32
      %dma_wait3A_9 = tpu.memref_slice %empty_ref3A[%dma_wait3A_8] : memref<16xf32, #tpu.memory_space<vmem>> -> memref<1xf32, #tpu.memory_space<vmem>>
      tpu.wait_dma2 semaphore(%run_scoped3A : memref<!tpu.dma_semaphore, #tpu.memory_space<semaphore_mem>>) src(%arg4 : memref<1xf32, #tpu.memory_space<hbm>>) dst(%dma_wait3A_9 : memref<1xf32, #tpu.memory_space<vmem>>)
      tpu.yield
    }) : () -> ()
    %get3A = arith.constant 0 : index
    %get3A_0 = tpu.vector_load %empty_ref3A[%get3A] {strides = array<i32>} : memref<16xf32, #tpu.memory_space<vmem>>, vector<16xf32>,
    %slice3A = vector.extract_strided_slice %get3A_0 {offsets = [0], sizes = [1], strides = [1]} : vector<16xf32> to vector<1xf32>
    %squeeze3A = vector.extract %slice3A[0] : f32 from vector<1xf32>
    %mul3A = arith.constant 16 : i32
    %mul3A_1 = arith.muli %arg0, %mul3A : i32
    %add3A = arith.addi %mul3A_1, %arg1 : i32
    %lt3A = arith.constant 24 : i32
    %lt3A_2 = arith.cmpi slt, %add3A, %lt3A : i32
    %convert_element_type3A = arith.extui %lt3A_2 : i1 to i32
    %cond3A = arith.constant 0 : i32
    %cond3A_3 = arith.cmpi ne, %convert_element_type3A, %cond3A : i32
    scf.if %cond3A_3 {
      %iota3A = tpu.iota {dimensions = array<i32: 0>} : vector<16xi32>
      %broadcast_in_dim3A = arith.constant 1.000000e+00 : f32
      %broadcast_in_dim3A_4 = vector.broadcast %broadcast_in_dim3A : f32 to vector<16xf32>
      %broadcast_in_dim3A_5 = arith.constant 0.000000e+00 : f32
      %broadcast_in_dim3A_6 = vector.broadcast %broadcast_in_dim3A_5 : f32 to vector<16xf32>
      %dma_start3A = arith.constant 0 : i32
      %dma_start3A_7 = arith.constant 0 : i32
      %dma_start3A_8 = tpu.memref_slice %arg2[%add3A, %dma_start3A, %dma_start3A_7] : memref<24x512x512xf32, #tpu.memory_space<hbm>> -> memref<1x16x512xf32, #tpu.memory_space<hbm>>
      %dma_start3A_9 = tpu.memref_squeeze %dma_start3A_8 : memref<1x16x512xf32, #tpu.memory_space<hbm>> -> memref<16x512xf32, #tpu.memory_space<hbm>>
      %dma_start3A_10 = arith.constant 0 : i32
      %dma_start3A_11 = arith.constant 0 : i32
      %dma_start3A_12 = tpu.memref_slice %arg2[%add3A, %dma_start3A_10, %dma_start3A_11] : memref<24x512x512xf32, #tpu.memory_space<hbm>> -> memref<1x16x512xf32, #tpu.memory_space<hbm>>
      %dma_start3A_13 = tpu.memref_squeeze %dma_start3A_12 : memref<1x16x512xf32, #tpu.memory_space<hbm>> -> memref<16x512xf32, #tpu.memory_space<hbm>>
      tpu.enqueue_dma source(%dma_start3A_13 : memref<16x512xf32, #tpu.memory_space<hbm>>) target(%arg6 : memref<16x512xf32, #tpu.memory_space<vmem>>) target_semaphore(%arg13 : memref<!tpu.dma_semaphore, #tpu.memory_space<semaphore_mem>>)
      %dma_start3A_14 = arith.constant 0 : i32
      %dma_start3A_15 = arith.constant 0 : i32
      %dma_start3A_16 = tpu.memref_slice %arg3[%add3A, %dma_start3A_14, %dma_start3A_15] : memref<24x512x512xf32, #tpu.memory_space<hbm>> -> memref<1x16x512xf32, #tpu.memory_space<hbm>>
      %dma_start3A_17 = tpu.memref_squeeze %dma_start3A_16 : memref<1x16x512xf32, #tpu.memory_space<hbm>> -> memref<16x512xf32, #tpu.memory_space<hbm>>
      %dma_start3A_18 = arith.constant 0 : i32
      %dma_start3A_19 = arith.constant 0 : i32
      %dma_start3A_20 = tpu.memref_slice %arg3[%add3A, %dma_start3A_18, %dma_start3A_19] : memref<24x512x512xf32, #tpu.memory_space<hbm>> -> memref<1x16x512xf32, #tpu.memory_space<hbm>>
      %dma_start3A_21 = tpu.memref_squeeze %dma_start3A_20 : memref<1x16x512xf32, #tpu.memory_space<hbm>> -> memref<16x512xf32, #tpu.memory_space<hbm>>
      tpu.enqueue_dma source(%dma_start3A_21 : memref<16x512xf32, #tpu.memory_space<hbm>>) target(%arg7 : memref<16x512xf32, #tpu.memory_space<vmem>>) target_semaphore(%arg13 : memref<!tpu.dma_semaphore, #tpu.memory_space<semaphore_mem>>)
      %dma_start3A_22 = arith.constant 16 : i32
      %dma_start3A_23 = arith.constant 0 : i32
      %dma_start3A_24 = tpu.memref_slice %arg2[%add3A, %dma_start3A_22, %dma_start3A_23] : memref<24x512x512xf32, #tpu.memory_space<hbm>> -> memref<1x16x512xf32, #tpu.memory_space<hbm>>
      %dma_start3A_25 = tpu.memref_squeeze %dma_start3A_24 : memref<1x16x512xf32, #tpu.memory_space<hbm>> -> memref<16x512xf32, #tpu.memory_space<hbm>>
      %dma_start3A_26 = arith.constant 16 : i32
      %dma_start3A_27 = arith.constant 0 : i32
      %dma_start3A_28 = tpu.memref_slice %arg2[%add3A, %dma_start3A_26, %dma_start3A_27] : memref<24x512x512xf32, #tpu.memory_space<hbm>> -> memref<1x16x512xf32, #tpu.memory_space<hbm>>
      %dma_start3A_29 = tpu.memref_squeeze %dma_start3A_28 : memref<1x16x512xf32, #tpu.memory_space<hbm>> -> memref<16x512xf32, #tpu.memory_space<hbm>>
      tpu.enqueue_dma source(%dma_start3A_29 : memref<16x512xf32, #tpu.memory_space<hbm>>) target(%arg8 : memref<16x512xf32, #tpu.memory_space<vmem>>) target_semaphore(%arg14 : memref<!tpu.dma_semaphore, #tpu.memory_space<semaphore_mem>>)
      %dma_start3A_30 = arith.constant 16 : i32
      %dma_start3A_31 = arith.constant 0 : i32
      %dma_start3A_32 = tpu.memref_slice %arg3[%add3A, %dma_start3A_30, %dma_start3A_31] : memref<24x512x512xf32, #tpu.memory_space<hbm>> -> memref<1x16x512xf32, #tpu.memory_space<hbm>>
      %dma_start3A_33 = tpu.memref_squeeze %dma_start3A_32 : memref<1x16x512xf32, #tpu.memory_space<hbm>> -> memref<16x512xf32, #tpu.memory_space<hbm>>
      %dma_start3A_34 = arith.constant 16 : i32
      %dma_start3A_35 = arith.constant 0 : i32
      %dma_start3A_36 = tpu.memref_slice %arg3[%add3A, %dma_start3A_34, %dma_start3A_35] : memref<24x512x512xf32, #tpu.memory_space<hbm>> -> memref<1x16x512xf32, #tpu.memory_space<hbm>>
      %dma_start3A_37 = tpu.memref_squeeze %dma_start3A_36 : memref<1x16x512xf32, #tpu.memory_space<hbm>> -> memref<16x512xf32, #tpu.memory_space<hbm>>
      tpu.enqueue_dma source(%dma_start3A_37 : memref<16x512xf32, #tpu.memory_space<hbm>>) target(%arg9 : memref<16x512xf32, #tpu.memory_space<vmem>>) target_semaphore(%arg14 : memref<!tpu.dma_semaphore, #tpu.memory_space<semaphore_mem>>)
      %parallel_loop3A = arith.constant 0 : i32
      %parallel_loop3A_38 = arith.constant 32768 : i32
      %parallel_loop3A_39 = arith.constant 16 : i32
      scf.for %parallel_loop3A_95 = %parallel_loop3A to %parallel_loop3A_38 step %parallel_loop3A_39  : i32 {
        %parallel_loop3A_96 = arith.index_cast %parallel_loop3A_95 : i32 to index
        %parallel_loop3A_97 = tpu.vector_load %arg10[%parallel_loop3A_96] {strides = array<i32>} : memref<32768xf32, #tpu.memory_space<vmem>>, vector<16xf32>,
        tpu.vector_store %arg10[%parallel_loop3A_96], %broadcast_in_dim3A_6 {strides = array<i32>} : memref<32768xf32, #tpu.memory_space<vmem>>, vector<16xf32>,
        %parallel_loop3A_98 = arith.index_cast %parallel_loop3A_95 : i32 to index
        %parallel_loop3A_99 = tpu.vector_load %arg11[%parallel_loop3A_98] {strides = array<i32>} : memref<32768xf32, #tpu.memory_space<vmem>>, vector<16xf32>,
        tpu.vector_store %arg11[%parallel_loop3A_98], %broadcast_in_dim3A_6 {strides = array<i32>} : memref<32768xf32, #tpu.memory_space<vmem>>, vector<16xf32>,
      } {sc.loop_unroll_factor = 8 : i64, sc.parallel_access}
      %scan3A = arith.constant 0 : i32
      %scan3A_40 = arith.constant 16 : i32
      %scan3A_41 = arith.addi %scan3A, %scan3A_40 : i32
      %scan3A_42 = arith.constant 1 : i32
      scf.for %scan3A_95 = %scan3A to %scan3A_41 step %scan3A_42  : i32 {
        %mul3A_96 = arith.constant 1 : i32
        %mul3A_97 = arith.muli %scan3A_95, %mul3A_96 : i32
        %add3A_98 = arith.constant 0 : i32
        %add3A_99 = arith.addi %add3A_98, %mul3A_97 : i32
        %mul3A_100 = arith.constant 2 : i32
        %mul3A_101 = arith.muli %mul3A_100, %add3A_99 : i32
        %dma_wait3A = arith.constant 0 : i32
        %dma_wait3A_102 = arith.constant 0 : i32
        %dma_wait3A_103 = tpu.memref_slice %arg2[%add3A, %dma_wait3A, %dma_wait3A_102] : memref<24x512x512xf32, #tpu.memory_space<hbm>> -> memref<1x16x512xf32, #tpu.memory_space<hbm>>
        %dma_wait3A_104 = tpu.memref_squeeze %dma_wait3A_103 : memref<1x16x512xf32, #tpu.memory_space<hbm>> -> memref<16x512xf32, #tpu.memory_space<hbm>>
        %dma_wait3A_105 = arith.constant 0 : i32
        %dma_wait3A_106 = arith.constant 0 : i32
        %dma_wait3A_107 = tpu.memref_slice %arg2[%add3A, %dma_wait3A_105, %dma_wait3A_106] : memref<24x512x512xf32, #tpu.memory_space<hbm>> -> memref<1x16x512xf32, #tpu.memory_space<hbm>>
        %dma_wait3A_108 = tpu.memref_squeeze %dma_wait3A_107 : memref<1x16x512xf32, #tpu.memory_space<hbm>> -> memref<16x512xf32, #tpu.memory_space<hbm>>
        tpu.wait_dma2 semaphore(%arg13 : memref<!tpu.dma_semaphore, #tpu.memory_space<semaphore_mem>>) src(%dma_wait3A_108 : memref<16x512xf32, #tpu.memory_space<hbm>>) dst(%arg6 : memref<16x512xf32, #tpu.memory_space<vmem>>)
        %dma_wait3A_109 = arith.constant 0 : i32
        %dma_wait3A_110 = arith.constant 0 : i32
        %dma_wait3A_111 = tpu.memref_slice %arg2[%add3A, %dma_wait3A_109, %dma_wait3A_110] : memref<24x512x512xf32, #tpu.memory_space<hbm>> -> memref<1x16x512xf32, #tpu.memory_space<hbm>>
        %dma_wait3A_112 = tpu.memref_squeeze %dma_wait3A_111 : memref<1x16x512xf32, #tpu.memory_space<hbm>> -> memref<16x512xf32, #tpu.memory_space<hbm>>
        %dma_wait3A_113 = arith.constant 0 : i32
        %dma_wait3A_114 = arith.constant 0 : i32
        %dma_wait3A_115 = tpu.memref_slice %arg2[%add3A, %dma_wait3A_113, %dma_wait3A_114] : memref<24x512x512xf32, #tpu.memory_space<hbm>> -> memref<1x16x512xf32, #tpu.memory_space<hbm>>
        %dma_wait3A_116 = tpu.memref_squeeze %dma_wait3A_115 : memref<1x16x512xf32, #tpu.memory_space<hbm>> -> memref<16x512xf32, #tpu.memory_space<hbm>>
        tpu.wait_dma2 semaphore(%arg13 : memref<!tpu.dma_semaphore, #tpu.memory_space<semaphore_mem>>) src(%dma_wait3A_116 : memref<16x512xf32, #tpu.memory_space<hbm>>) dst(%arg7 : memref<16x512xf32, #tpu.memory_space<vmem>>)
        %parallel_loop3A_117 = arith.constant 0 : i32
        %parallel_loop3A_118 = arith.constant 512 : i32
        %parallel_loop3A_119 = arith.constant 16 : i32
        scf.for %parallel_loop3A_157 = %parallel_loop3A_117 to %parallel_loop3A_118 step %parallel_loop3A_119  : i32 {
          %parallel_loop3A_158 = arith.constant 0 : i32
          %parallel_loop3A_159 = arith.index_cast %parallel_loop3A_158 : i32 to index
          %parallel_loop3A_160 = arith.index_cast %parallel_loop3A_157 : i32 to index
          %parallel_loop3A_161 = tpu.vector_load %arg6[%parallel_loop3A_159, %parallel_loop3A_160] {strides = array<i32>} : memref<16x512xf32, #tpu.memory_space<vmem>>, vector<16xf32>,
          %parallel_loop3A_162 = arith.constant 0 : i32
          %parallel_loop3A_163 = arith.index_cast %parallel_loop3A_162 : i32 to index
          %parallel_loop3A_164 = arith.index_cast %parallel_loop3A_157 : i32 to index
          %parallel_loop3A_165 = tpu.vector_load %arg7[%parallel_loop3A_163, %parallel_loop3A_164] {strides = array<i32>} : memref<16x512xf32, #tpu.memory_space<vmem>>, vector<16xf32>,
          %parallel_loop3A_166 = arith.subf %parallel_loop3A_161, %parallel_loop3A_165 : vector<16xf32>
          %parallel_loop3A_167 = math.absf %parallel_loop3A_166 : vector<16xf32>
          %parallel_loop3A_168 = tpu.bitcast %parallel_loop3A_167 : vector<16xf32> -> vector<16xi32>
          %parallel_loop3A_169 = arith.constant 21 : i32
          %parallel_loop3A_170 = vector.broadcast %parallel_loop3A_169 : i32 to vector<16xi32>
          %parallel_loop3A_171 = arith.shrui %parallel_loop3A_168, %parallel_loop3A_170 : vector<16xi32>
          %parallel_loop3A_172 = arith.constant 4 : i32
          %parallel_loop3A_173 = vector.broadcast %parallel_loop3A_172 : i32 to vector<16xi32>
          %parallel_loop3A_174 = arith.shli %parallel_loop3A_171, %parallel_loop3A_173 : vector<16xi32>
          %parallel_loop3A_175 = arith.addi %parallel_loop3A_174, %iota3A : vector<16xi32>
          tpu.vector_store_idx %arg10[%parallel_loop3A_175], %broadcast_in_dim3A_4 {add = true} : memref<32768xf32, #tpu.memory_space<vmem>>[vector<16xi32>], vector<16xf32>,
          tpu.vector_store_idx %arg11[%parallel_loop3A_175], %parallel_loop3A_167 {add = true} : memref<32768xf32, #tpu.memory_space<vmem>>[vector<16xi32>], vector<16xf32>,
          %parallel_loop3A_176 = arith.constant 1 : i32
          %parallel_loop3A_177 = arith.index_cast %parallel_loop3A_176 : i32 to index
          %parallel_loop3A_178 = arith.index_cast %parallel_loop3A_157 : i32 to index
          %parallel_loop3A_179 = tpu.vector_load %arg6[%parallel_loop3A_177, %parallel_loop3A_178] {strides = array<i32>} : memref<16x512xf32, #tpu.memory_space<vmem>>, vector<16xf32>,
          %parallel_loop3A_180 = arith.constant 1 : i32
          %parallel_loop3A_181 = arith.index_cast %parallel_loop3A_180 : i32 to index
          %parallel_loop3A_182 = arith.index_cast %parallel_loop3A_157 : i32 to index
          %parallel_loop3A_183 = tpu.vector_load %arg7[%parallel_loop3A_181, %parallel_loop3A_182] {strides = array<i32>} : memref<16x512xf32, #tpu.memory_space<vmem>>, vector<16xf32>,
          %parallel_loop3A_184 = arith.subf %parallel_loop3A_179, %parallel_loop3A_183 : vector<16xf32>
          %parallel_loop3A_185 = math.absf %parallel_loop3A_184 : vector<16xf32>
          %parallel_loop3A_186 = tpu.bitcast %parallel_loop3A_185 : vector<16xf32> -> vector<16xi32>
          %parallel_loop3A_187 = arith.constant 21 : i32
          %parallel_loop3A_188 = vector.broadcast %parallel_loop3A_187 : i32 to vector<16xi32>
          %parallel_loop3A_189 = arith.shrui %parallel_loop3A_186, %parallel_loop3A_188 : vector<16xi32>
          %parallel_loop3A_190 = arith.constant 4 : i32
          %parallel_loop3A_191 = vector.broadcast %parallel_loop3A_190 : i32 to vector<16xi32>
          %parallel_loop3A_192 = arith.shli %parallel_loop3A_189, %parallel_loop3A_191 : vector<16xi32>
          %parallel_loop3A_193 = arith.addi %parallel_loop3A_192, %iota3A : vector<16xi32>
          tpu.vector_store_idx %arg10[%parallel_loop3A_193], %broadcast_in_dim3A_4 {add = true} : memref<32768xf32, #tpu.memory_space<vmem>>[vector<16xi32>], vector<16xf32>,
          tpu.vector_store_idx %arg11[%parallel_loop3A_193], %parallel_loop3A_185 {add = true} : memref<32768xf32, #tpu.memory_space<vmem>>[vector<16xi32>], vector<16xf32>,
          %parallel_loop3A_194 = arith.constant 2 : i32
          %parallel_loop3A_195 = arith.index_cast %parallel_loop3A_194 : i32 to index
          %parallel_loop3A_196 = arith.index_cast %parallel_loop3A_157 : i32 to index
          %parallel_loop3A_197 = tpu.vector_load %arg6[%parallel_loop3A_195, %parallel_loop3A_196] {strides = array<i32>} : memref<16x512xf32, #tpu.memory_space<vmem>>, vector<16xf32>,
          %parallel_loop3A_198 = arith.constant 2 : i32
          %parallel_loop3A_199 = arith.index_cast %parallel_loop3A_198 : i32 to index
          %parallel_loop3A_200 = arith.index_cast %parallel_loop3A_157 : i32 to index
          %parallel_loop3A_201 = tpu.vector_load %arg7[%parallel_loop3A_199, %parallel_loop3A_200] {strides = array<i32>} : memref<16x512xf32, #tpu.memory_space<vmem>>, vector<16xf32>,
          %parallel_loop3A_202 = arith.subf %parallel_loop3A_197, %parallel_loop3A_201 : vector<16xf32>
          %parallel_loop3A_203 = math.absf %parallel_loop3A_202 : vector<16xf32>
          %parallel_loop3A_204 = tpu.bitcast %parallel_loop3A_203 : vector<16xf32> -> vector<16xi32>
          %parallel_loop3A_205 = arith.constant 21 : i32
          %parallel_loop3A_206 = vector.broadcast %parallel_loop3A_205 : i32 to vector<16xi32>
          %parallel_loop3A_207 = arith.shrui %parallel_loop3A_204, %parallel_loop3A_206 : vector<16xi32>
          %parallel_loop3A_208 = arith.constant 4 : i32
          %parallel_loop3A_209 = vector.broadcast %parallel_loop3A_208 : i32 to vector<16xi32>
          %parallel_loop3A_210 = arith.shli %parallel_loop3A_207, %parallel_loop3A_209 : vector<16xi32>
          %parallel_loop3A_211 = arith.addi %parallel_loop3A_210, %iota3A : vector<16xi32>
          tpu.vector_store_idx %arg10[%parallel_loop3A_211], %broadcast_in_dim3A_4 {add = true} : memref<32768xf32, #tpu.memory_space<vmem>>[vector<16xi32>], vector<16xf32>,
          tpu.vector_store_idx %arg11[%parallel_loop3A_211], %parallel_loop3A_203 {add = true} : memref<32768xf32, #tpu.memory_space<vmem>>[vector<16xi32>], vector<16xf32>,
          %parallel_loop3A_212 = arith.constant 3 : i32
          %parallel_loop3A_213 = arith.index_cast %parallel_loop3A_212 : i32 to index
          %parallel_loop3A_214 = arith.index_cast %parallel_loop3A_157 : i32 to index
          %parallel_loop3A_215 = tpu.vector_load %arg6[%parallel_loop3A_213, %parallel_loop3A_214] {strides = array<i32>} : memref<16x512xf32, #tpu.memory_space<vmem>>, vector<16xf32>,
          %parallel_loop3A_216 = arith.constant 3 : i32
          %parallel_loop3A_217 = arith.index_cast %parallel_loop3A_216 : i32 to index
          %parallel_loop3A_218 = arith.index_cast %parallel_loop3A_157 : i32 to index
          %parallel_loop3A_219 = tpu.vector_load %arg7[%parallel_loop3A_217, %parallel_loop3A_218] {strides = array<i32>} : memref<16x512xf32, #tpu.memory_space<vmem>>, vector<16xf32>,
          %parallel_loop3A_220 = arith.subf %parallel_loop3A_215, %parallel_loop3A_219 : vector<16xf32>
          %parallel_loop3A_221 = math.absf %parallel_loop3A_220 : vector<16xf32>
          %parallel_loop3A_222 = tpu.bitcast %parallel_loop3A_221 : vector<16xf32> -> vector<16xi32>
          %parallel_loop3A_223 = arith.constant 21 : i32
          %parallel_loop3A_224 = vector.broadcast %parallel_loop3A_223 : i32 to vector<16xi32>
          %parallel_loop3A_225 = arith.shrui %parallel_loop3A_222, %parallel_loop3A_224 : vector<16xi32>
          %parallel_loop3A_226 = arith.constant 4 : i32
          %parallel_loop3A_227 = vector.broadcast %parallel_loop3A_226 : i32 to vector<16xi32>
          %parallel_loop3A_228 = arith.shli %parallel_loop3A_225, %parallel_loop3A_227 : vector<16xi32>
          %parallel_loop3A_229 = arith.addi %parallel_loop3A_228, %iota3A : vector<16xi32>
          tpu.vector_store_idx %arg10[%parallel_loop3A_229], %broadcast_in_dim3A_4 {add = true} : memref<32768xf32, #tpu.memory_space<vmem>>[vector<16xi32>], vector<16xf32>,
          tpu.vector_store_idx %arg11[%parallel_loop3A_229], %parallel_loop3A_221 {add = true} : memref<32768xf32, #tpu.memory_space<vmem>>[vector<16xi32>], vector<16xf32>,
          %parallel_loop3A_230 = arith.constant 4 : i32
          %parallel_loop3A_231 = arith.index_cast %parallel_loop3A_230 : i32 to index
          %parallel_loop3A_232 = arith.index_cast %parallel_loop3A_157 : i32 to index
          %parallel_loop3A_233 = tpu.vector_load %arg6[%parallel_loop3A_231, %parallel_loop3A_232] {strides = array<i32>} : memref<16x512xf32, #tpu.memory_space<vmem>>, vector<16xf32>,
          %parallel_loop3A_234 = arith.constant 4 : i32
          %parallel_loop3A_235 = arith.index_cast %parallel_loop3A_234 : i32 to index
          %parallel_loop3A_236 = arith.index_cast %parallel_loop3A_157 : i32 to index
          %parallel_loop3A_237 = tpu.vector_load %arg7[%parallel_loop3A_235, %parallel_loop3A_236] {strides = array<i32>} : memref<16x512xf32, #tpu.memory_space<vmem>>, vector<16xf32>,
          %parallel_loop3A_238 = arith.subf %parallel_loop3A_233, %parallel_loop3A_237 : vector<16xf32>
          %parallel_loop3A_239 = math.absf %parallel_loop3A_238 : vector<16xf32>
          %parallel_loop3A_240 = tpu.bitcast %parallel_loop3A_239 : vector<16xf32> -> vector<16xi32>
          %parallel_loop3A_241 = arith.constant 21 : i32
          %parallel_loop3A_242 = vector.broadcast %parallel_loop3A_241 : i32 to vector<16xi32>
          %parallel_loop3A_243 = arith.shrui %parallel_loop3A_240, %parallel_loop3A_242 : vector<16xi32>
          %parallel_loop3A_244 = arith.constant 4 : i32
          %parallel_loop3A_245 = vector.broadcast %parallel_loop3A_244 : i32 to vector<16xi32>
          %parallel_loop3A_246 = arith.shli %parallel_loop3A_243, %parallel_loop3A_245 : vector<16xi32>
          %parallel_loop3A_247 = arith.addi %parallel_loop3A_246, %iota3A : vector<16xi32>
          tpu.vector_store_idx %arg10[%parallel_loop3A_247], %broadcast_in_dim3A_4 {add = true} : memref<32768xf32, #tpu.memory_space<vmem>>[vector<16xi32>], vector<16xf32>,
          tpu.vector_store_idx %arg11[%parallel_loop3A_247], %parallel_loop3A_239 {add = true} : memref<32768xf32, #tpu.memory_space<vmem>>[vector<16xi32>], vector<16xf32>,
          %parallel_loop3A_248 = arith.constant 5 : i32
          %parallel_loop3A_249 = arith.index_cast %parallel_loop3A_248 : i32 to index
          %parallel_loop3A_250 = arith.index_cast %parallel_loop3A_157 : i32 to index
          %parallel_loop3A_251 = tpu.vector_load %arg6[%parallel_loop3A_249, %parallel_loop3A_250] {strides = array<i32>} : memref<16x512xf32, #tpu.memory_space<vmem>>, vector<16xf32>,
          %parallel_loop3A_252 = arith.constant 5 : i32
          %parallel_loop3A_253 = arith.index_cast %parallel_loop3A_252 : i32 to index
          %parallel_loop3A_254 = arith.index_cast %parallel_loop3A_157 : i32 to index
          %parallel_loop3A_255 = tpu.vector_load %arg7[%parallel_loop3A_253, %parallel_loop3A_254] {strides = array<i32>} : memref<16x512xf32, #tpu.memory_space<vmem>>, vector<16xf32>,
          %parallel_loop3A_256 = arith.subf %parallel_loop3A_251, %parallel_loop3A_255 : vector<16xf32>
          %parallel_loop3A_257 = math.absf %parallel_loop3A_256 : vector<16xf32>
          %parallel_loop3A_258 = tpu.bitcast %parallel_loop3A_257 : vector<16xf32> -> vector<16xi32>
          %parallel_loop3A_259 = arith.constant 21 : i32
          %parallel_loop3A_260 = vector.broadcast %parallel_loop3A_259 : i32 to vector<16xi32>
          %parallel_loop3A_261 = arith.shrui %parallel_loop3A_258, %parallel_loop3A_260 : vector<16xi32>
          %parallel_loop3A_262 = arith.constant 4 : i32
          %parallel_loop3A_263 = vector.broadcast %parallel_loop3A_262 : i32 to vector<16xi32>
          %parallel_loop3A_264 = arith.shli %parallel_loop3A_261, %parallel_loop3A_263 : vector<16xi32>
          %parallel_loop3A_265 = arith.addi %parallel_loop3A_264, %iota3A : vector<16xi32>
          tpu.vector_store_idx %arg10[%parallel_loop3A_265], %broadcast_in_dim3A_4 {add = true} : memref<32768xf32, #tpu.memory_space<vmem>>[vector<16xi32>], vector<16xf32>,
          tpu.vector_store_idx %arg11[%parallel_loop3A_265], %parallel_loop3A_257 {add = true} : memref<32768xf32, #tpu.memory_space<vmem>>[vector<16xi32>], vector<16xf32>,
          %parallel_loop3A_266 = arith.constant 6 : i32
          %parallel_loop3A_267 = arith.index_cast %parallel_loop3A_266 : i32 to index
          %parallel_loop3A_268 = arith.index_cast %parallel_loop3A_157 : i32 to index
          %parallel_loop3A_269 = tpu.vector_load %arg6[%parallel_loop3A_267, %parallel_loop3A_268] {strides = array<i32>} : memref<16x512xf32, #tpu.memory_space<vmem>>, vector<16xf32>,
          %parallel_loop3A_270 = arith.constant 6 : i32
          %parallel_loop3A_271 = arith.index_cast %parallel_loop3A_270 : i32 to index
          %parallel_loop3A_272 = arith.index_cast %parallel_loop3A_157 : i32 to index
          %parallel_loop3A_273 = tpu.vector_load %arg7[%parallel_loop3A_271, %parallel_loop3A_272] {strides = array<i32>} : memref<16x512xf32, #tpu.memory_space<vmem>>, vector<16xf32>,
          %parallel_loop3A_274 = arith.subf %parallel_loop3A_269, %parallel_loop3A_273 : vector<16xf32>
          %parallel_loop3A_275 = math.absf %parallel_loop3A_274 : vector<16xf32>
          %parallel_loop3A_276 = tpu.bitcast %parallel_loop3A_275 : vector<16xf32> -> vector<16xi32>
          %parallel_loop3A_277 = arith.constant 21 : i32
          %parallel_loop3A_278 = vector.broadcast %parallel_loop3A_277 : i32 to vector<16xi32>
          %parallel_loop3A_279 = arith.shrui %parallel_loop3A_276, %parallel_loop3A_278 : vector<16xi32>
          %parallel_loop3A_280 = arith.constant 4 : i32
          %parallel_loop3A_281 = vector.broadcast %parallel_loop3A_280 : i32 to vector<16xi32>
          %parallel_loop3A_282 = arith.shli %parallel_loop3A_279, %parallel_loop3A_281 : vector<16xi32>
          %parallel_loop3A_283 = arith.addi %parallel_loop3A_282, %iota3A : vector<16xi32>
          tpu.vector_store_idx %arg10[%parallel_loop3A_283], %broadcast_in_dim3A_4 {add = true} : memref<32768xf32, #tpu.memory_space<vmem>>[vector<16xi32>], vector<16xf32>,
          tpu.vector_store_idx %arg11[%parallel_loop3A_283], %parallel_loop3A_275 {add = true} : memref<32768xf32, #tpu.memory_space<vmem>>[vector<16xi32>], vector<16xf32>,
          %parallel_loop3A_284 = arith.constant 7 : i32
          %parallel_loop3A_285 = arith.index_cast %parallel_loop3A_284 : i32 to index
          %parallel_loop3A_286 = arith.index_cast %parallel_loop3A_157 : i32 to index
          %parallel_loop3A_287 = tpu.vector_load %arg6[%parallel_loop3A_285, %parallel_loop3A_286] {strides = array<i32>} : memref<16x512xf32, #tpu.memory_space<vmem>>, vector<16xf32>,
          %parallel_loop3A_288 = arith.constant 7 : i32
          %parallel_loop3A_289 = arith.index_cast %parallel_loop3A_288 : i32 to index
          %parallel_loop3A_290 = arith.index_cast %parallel_loop3A_157 : i32 to index
          %parallel_loop3A_291 = tpu.vector_load %arg7[%parallel_loop3A_289, %parallel_loop3A_290] {strides = array<i32>} : memref<16x512xf32, #tpu.memory_space<vmem>>, vector<16xf32>,
          %parallel_loop3A_292 = arith.subf %parallel_loop3A_287, %parallel_loop3A_291 : vector<16xf32>
          %parallel_loop3A_293 = math.absf %parallel_loop3A_292 : vector<16xf32>
          %parallel_loop3A_294 = tpu.bitcast %parallel_loop3A_293 : vector<16xf32> -> vector<16xi32>
          %parallel_loop3A_295 = arith.constant 21 : i32
          %parallel_loop3A_296 = vector.broadcast %parallel_loop3A_295 : i32 to vector<16xi32>
          %parallel_loop3A_297 = arith.shrui %parallel_loop3A_294, %parallel_loop3A_296 : vector<16xi32>
          %parallel_loop3A_298 = arith.constant 4 : i32
          %parallel_loop3A_299 = vector.broadcast %parallel_loop3A_298 : i32 to vector<16xi32>
          %parallel_loop3A_300 = arith.shli %parallel_loop3A_297, %parallel_loop3A_299 : vector<16xi32>
          %parallel_loop3A_301 = arith.addi %parallel_loop3A_300, %iota3A : vector<16xi32>
          tpu.vector_store_idx %arg10[%parallel_loop3A_301], %broadcast_in_dim3A_4 {add = true} : memref<32768xf32, #tpu.memory_space<vmem>>[vector<16xi32>], vector<16xf32>,
          tpu.vector_store_idx %arg11[%parallel_loop3A_301], %parallel_loop3A_293 {add = true} : memref<32768xf32, #tpu.memory_space<vmem>>[vector<16xi32>], vector<16xf32>,
          %parallel_loop3A_302 = arith.constant 8 : i32
          %parallel_loop3A_303 = arith.index_cast %parallel_loop3A_302 : i32 to index
          %parallel_loop3A_304 = arith.index_cast %parallel_loop3A_157 : i32 to index
          %parallel_loop3A_305 = tpu.vector_load %arg6[%parallel_loop3A_303, %parallel_loop3A_304] {strides = array<i32>} : memref<16x512xf32, #tpu.memory_space<vmem>>, vector<16xf32>,
          %parallel_loop3A_306 = arith.constant 8 : i32
          %parallel_loop3A_307 = arith.index_cast %parallel_loop3A_306 : i32 to index
          %parallel_loop3A_308 = arith.index_cast %parallel_loop3A_157 : i32 to index
          %parallel_loop3A_309 = tpu.vector_load %arg7[%parallel_loop3A_307, %parallel_loop3A_308] {strides = array<i32>} : memref<16x512xf32, #tpu.memory_space<vmem>>, vector<16xf32>,
          %parallel_loop3A_310 = arith.subf %parallel_loop3A_305, %parallel_loop3A_309 : vector<16xf32>
          %parallel_loop3A_311 = math.absf %parallel_loop3A_310 : vector<16xf32>
          %parallel_loop3A_312 = tpu.bitcast %parallel_loop3A_311 : vector<16xf32> -> vector<16xi32>
          %parallel_loop3A_313 = arith.constant 21 : i32
          %parallel_loop3A_314 = vector.broadcast %parallel_loop3A_313 : i32 to vector<16xi32>
          %parallel_loop3A_315 = arith.shrui %parallel_loop3A_312, %parallel_loop3A_314 : vector<16xi32>
          %parallel_loop3A_316 = arith.constant 4 : i32
          %parallel_loop3A_317 = vector.broadcast %parallel_loop3A_316 : i32 to vector<16xi32>
          %parallel_loop3A_318 = arith.shli %parallel_loop3A_315, %parallel_loop3A_317 : vector<16xi32>
          %parallel_loop3A_319 = arith.addi %parallel_loop3A_318, %iota3A : vector<16xi32>
          tpu.vector_store_idx %arg10[%parallel_loop3A_319], %broadcast_in_dim3A_4 {add = true} : memref<32768xf32, #tpu.memory_space<vmem>>[vector<16xi32>], vector<16xf32>,
          tpu.vector_store_idx %arg11[%parallel_loop3A_319], %parallel_loop3A_311 {add = true} : memref<32768xf32, #tpu.memory_space<vmem>>[vector<16xi32>], vector<16xf32>,
          %parallel_loop3A_320 = arith.constant 9 : i32
          %parallel_loop3A_321 = arith.index_cast %parallel_loop3A_320 : i32 to index
          %parallel_loop3A_322 = arith.index_cast %parallel_loop3A_157 : i32 to index
          %parallel_loop3A_323 = tpu.vector_load %arg6[%parallel_loop3A_321, %parallel_loop3A_322] {strides = array<i32>} : memref<16x512xf32, #tpu.memory_space<vmem>>, vector<16xf32>,
          %parallel_loop3A_324 = arith.constant 9 : i32
          %parallel_loop3A_325 = arith.index_cast %parallel_loop3A_324 : i32 to index
          %parallel_loop3A_326 = arith.index_cast %parallel_loop3A_157 : i32 to index
          %parallel_loop3A_327 = tpu.vector_load %arg7[%parallel_loop3A_325, %parallel_loop3A_326] {strides = array<i32>} : memref<16x512xf32, #tpu.memory_space<vmem>>, vector<16xf32>,
          %parallel_loop3A_328 = arith.subf %parallel_loop3A_323, %parallel_loop3A_327 : vector<16xf32>
          %parallel_loop3A_329 = math.absf %parallel_loop3A_328 : vector<16xf32>
          %parallel_loop3A_330 = tpu.bitcast %parallel_loop3A_329 : vector<16xf32> -> vector<16xi32>
          %parallel_loop3A_331 = arith.constant 21 : i32
          %parallel_loop3A_332 = vector.broadcast %parallel_loop3A_331 : i32 to vector<16xi32>
          %parallel_loop3A_333 = arith.shrui %parallel_loop3A_330, %parallel_loop3A_332 : vector<16xi32>
          %parallel_loop3A_334 = arith.constant 4 : i32
          %parallel_loop3A_335 = vector.broadcast %parallel_loop3A_334 : i32 to vector<16xi32>
          %parallel_loop3A_336 = arith.shli %parallel_loop3A_333, %parallel_loop3A_335 : vector<16xi32>
          %parallel_loop3A_337 = arith.addi %parallel_loop3A_336, %iota3A : vector<16xi32>
          tpu.vector_store_idx %arg10[%parallel_loop3A_337], %broadcast_in_dim3A_4 {add = true} : memref<32768xf32, #tpu.memory_space<vmem>>[vector<16xi32>], vector<16xf32>,
          tpu.vector_store_idx %arg11[%parallel_loop3A_337], %parallel_loop3A_329 {add = true} : memref<32768xf32, #tpu.memory_space<vmem>>[vector<16xi32>], vector<16xf32>,
          %parallel_loop3A_338 = arith.constant 10 : i32
          %parallel_loop3A_339 = arith.index_cast %parallel_loop3A_338 : i32 to index
          %parallel_loop3A_340 = arith.index_cast %parallel_loop3A_157 : i32 to index
          %parallel_loop3A_341 = tpu.vector_load %arg6[%parallel_loop3A_339, %parallel_loop3A_340] {strides = array<i32>} : memref<16x512xf32, #tpu.memory_space<vmem>>, vector<16xf32>,
          %parallel_loop3A_342 = arith.constant 10 : i32
          %parallel_loop3A_343 = arith.index_cast %parallel_loop3A_342 : i32 to index
          %parallel_loop3A_344 = arith.index_cast %parallel_loop3A_157 : i32 to index
          %parallel_loop3A_345 = tpu.vector_load %arg7[%parallel_loop3A_343, %parallel_loop3A_344] {strides = array<i32>} : memref<16x512xf32, #tpu.memory_space<vmem>>, vector<16xf32>,
          %parallel_loop3A_346 = arith.subf %parallel_loop3A_341, %parallel_loop3A_345 : vector<16xf32>
          %parallel_loop3A_347 = math.absf %parallel_loop3A_346 : vector<16xf32>
          %parallel_loop3A_348 = tpu.bitcast %parallel_loop3A_347 : vector<16xf32> -> vector<16xi32>
          %parallel_loop3A_349 = arith.constant 21 : i32
          %parallel_loop3A_350 = vector.broadcast %parallel_loop3A_349 : i32 to vector<16xi32>
          %parallel_loop3A_351 = arith.shrui %parallel_loop3A_348, %parallel_loop3A_350 : vector<16xi32>
          %parallel_loop3A_352 = arith.constant 4 : i32
          %parallel_loop3A_353 = vector.broadcast %parallel_loop3A_352 : i32 to vector<16xi32>
          %parallel_loop3A_354 = arith.shli %parallel_loop3A_351, %parallel_loop3A_353 : vector<16xi32>
          %parallel_loop3A_355 = arith.addi %parallel_loop3A_354, %iota3A : vector<16xi32>
          tpu.vector_store_idx %arg10[%parallel_loop3A_355], %broadcast_in_dim3A_4 {add = true} : memref<32768xf32, #tpu.memory_space<vmem>>[vector<16xi32>], vector<16xf32>,
          tpu.vector_store_idx %arg11[%parallel_loop3A_355], %parallel_loop3A_347 {add = true} : memref<32768xf32, #tpu.memory_space<vmem>>[vector<16xi32>], vector<16xf32>,
          %parallel_loop3A_356 = arith.constant 11 : i32
          %parallel_loop3A_357 = arith.index_cast %parallel_loop3A_356 : i32 to index
          %parallel_loop3A_358 = arith.index_cast %parallel_loop3A_157 : i32 to index
          %parallel_loop3A_359 = tpu.vector_load %arg6[%parallel_loop3A_357, %parallel_loop3A_358] {strides = array<i32>} : memref<16x512xf32, #tpu.memory_space<vmem>>, vector<16xf32>,
          %parallel_loop3A_360 = arith.constant 11 : i32
          %parallel_loop3A_361 = arith.index_cast %parallel_loop3A_360 : i32 to index
          %parallel_loop3A_362 = arith.index_cast %parallel_loop3A_157 : i32 to index
          %parallel_loop3A_363 = tpu.vector_load %arg7[%parallel_loop3A_361, %parallel_loop3A_362] {strides = array<i32>} : memref<16x512xf32, #tpu.memory_space<vmem>>, vector<16xf32>,
          %parallel_loop3A_364 = arith.subf %parallel_loop3A_359, %parallel_loop3A_363 : vector<16xf32>
          %parallel_loop3A_365 = math.absf %parallel_loop3A_364 : vector<16xf32>
          %parallel_loop3A_366 = tpu.bitcast %parallel_loop3A_365 : vector<16xf32> -> vector<16xi32>
          %parallel_loop3A_367 = arith.constant 21 : i32
          %parallel_loop3A_368 = vector.broadcast %parallel_loop3A_367 : i32 to vector<16xi32>
          %parallel_loop3A_369 = arith.shrui %parallel_loop3A_366, %parallel_loop3A_368 : vector<16xi32>
          %parallel_loop3A_370 = arith.constant 4 : i32
          %parallel_loop3A_371 = vector.broadcast %parallel_loop3A_370 : i32 to vector<16xi32>
          %parallel_loop3A_372 = arith.shli %parallel_loop3A_369, %parallel_loop3A_371 : vector<16xi32>
          %parallel_loop3A_373 = arith.addi %parallel_loop3A_372, %iota3A : vector<16xi32>
          tpu.vector_store_idx %arg10[%parallel_loop3A_373], %broadcast_in_dim3A_4 {add = true} : memref<32768xf32, #tpu.memory_space<vmem>>[vector<16xi32>], vector<16xf32>,
          tpu.vector_store_idx %arg11[%parallel_loop3A_373], %parallel_loop3A_365 {add = true} : memref<32768xf32, #tpu.memory_space<vmem>>[vector<16xi32>], vector<16xf32>,
          %parallel_loop3A_374 = arith.constant 12 : i32
          %parallel_loop3A_375 = arith.index_cast %parallel_loop3A_374 : i32 to index
          %parallel_loop3A_376 = arith.index_cast %parallel_loop3A_157 : i32 to index
          %parallel_loop3A_377 = tpu.vector_load %arg6[%parallel_loop3A_375, %parallel_loop3A_376] {strides = array<i32>} : memref<16x512xf32, #tpu.memory_space<vmem>>, vector<16xf32>,
          %parallel_loop3A_378 = arith.constant 12 : i32
          %parallel_loop3A_379 = arith.index_cast %parallel_loop3A_378 : i32 to index
          %parallel_loop3A_380 = arith.index_cast %parallel_loop3A_157 : i32 to index
          %parallel_loop3A_381 = tpu.vector_load %arg7[%parallel_loop3A_379, %parallel_loop3A_380] {strides = array<i32>} : memref<16x512xf32, #tpu.memory_space<vmem>>, vector<16xf32>,
          %parallel_loop3A_382 = arith.subf %parallel_loop3A_377, %parallel_loop3A_381 : vector<16xf32>
          %parallel_loop3A_383 = math.absf %parallel_loop3A_382 : vector<16xf32>
          %parallel_loop3A_384 = tpu.bitcast %parallel_loop3A_383 : vector<16xf32> -> vector<16xi32>
          %parallel_loop3A_385 = arith.constant 21 : i32
          %parallel_loop3A_386 = vector.broadcast %parallel_loop3A_385 : i32 to vector<16xi32>
          %parallel_loop3A_387 = arith.shrui %parallel_loop3A_384, %parallel_loop3A_386 : vector<16xi32>
          %parallel_loop3A_388 = arith.constant 4 : i32
          %parallel_loop3A_389 = vector.broadcast %parallel_loop3A_388 : i32 to vector<16xi32>
          %parallel_loop3A_390 = arith.shli %parallel_loop3A_387, %parallel_loop3A_389 : vector<16xi32>
          %parallel_loop3A_391 = arith.addi %parallel_loop3A_390, %iota3A : vector<16xi32>
          tpu.vector_store_idx %arg10[%parallel_loop3A_391], %broadcast_in_dim3A_4 {add = true} : memref<32768xf32, #tpu.memory_space<vmem>>[vector<16xi32>], vector<16xf32>,
          tpu.vector_store_idx %arg11[%parallel_loop3A_391], %parallel_loop3A_383 {add = true} : memref<32768xf32, #tpu.memory_space<vmem>>[vector<16xi32>], vector<16xf32>,
          %parallel_loop3A_392 = arith.constant 13 : i32
          %parallel_loop3A_393 = arith.index_cast %parallel_loop3A_392 : i32 to index
          %parallel_loop3A_394 = arith.index_cast %parallel_loop3A_157 : i32 to index
          %parallel_loop3A_395 = tpu.vector_load %arg6[%parallel_loop3A_393, %parallel_loop3A_394] {strides = array<i32>} : memref<16x512xf32, #tpu.memory_space<vmem>>, vector<16xf32>,
          %parallel_loop3A_396 = arith.constant 13 : i32
          %parallel_loop3A_397 = arith.index_cast %parallel_loop3A_396 : i32 to index
          %parallel_loop3A_398 = arith.index_cast %parallel_loop3A_157 : i32 to index
          %parallel_loop3A_399 = tpu.vector_load %arg7[%parallel_loop3A_397, %parallel_loop3A_398] {strides = array<i32>} : memref<16x512xf32, #tpu.memory_space<vmem>>, vector<16xf32>,
          %parallel_loop3A_400 = arith.subf %parallel_loop3A_395, %parallel_loop3A_399 : vector<16xf32>
          %parallel_loop3A_401 = math.absf %parallel_loop3A_400 : vector<16xf32>
          %parallel_loop3A_402 = tpu.bitcast %parallel_loop3A_401 : vector<16xf32> -> vector<16xi32>
          %parallel_loop3A_403 = arith.constant 21 : i32
          %parallel_loop3A_404 = vector.broadcast %parallel_loop3A_403 : i32 to vector<16xi32>
          %parallel_loop3A_405 = arith.shrui %parallel_loop3A_402, %parallel_loop3A_404 : vector<16xi32>
          %parallel_loop3A_406 = arith.constant 4 : i32
          %parallel_loop3A_407 = vector.broadcast %parallel_loop3A_406 : i32 to vector<16xi32>
          %parallel_loop3A_408 = arith.shli %parallel_loop3A_405, %parallel_loop3A_407 : vector<16xi32>
          %parallel_loop3A_409 = arith.addi %parallel_loop3A_408, %iota3A : vector<16xi32>
          tpu.vector_store_idx %arg10[%parallel_loop3A_409], %broadcast_in_dim3A_4 {add = true} : memref<32768xf32, #tpu.memory_space<vmem>>[vector<16xi32>], vector<16xf32>,
          tpu.vector_store_idx %arg11[%parallel_loop3A_409], %parallel_loop3A_401 {add = true} : memref<32768xf32, #tpu.memory_space<vmem>>[vector<16xi32>], vector<16xf32>,
          %parallel_loop3A_410 = arith.constant 14 : i32
          %parallel_loop3A_411 = arith.index_cast %parallel_loop3A_410 : i32 to index
          %parallel_loop3A_412 = arith.index_cast %parallel_loop3A_157 : i32 to index
          %parallel_loop3A_413 = tpu.vector_load %arg6[%parallel_loop3A_411, %parallel_loop3A_412] {strides = array<i32>} : memref<16x512xf32, #tpu.memory_space<vmem>>, vector<16xf32>,
          %parallel_loop3A_414 = arith.constant 14 : i32
          %parallel_loop3A_415 = arith.index_cast %parallel_loop3A_414 : i32 to index
          %parallel_loop3A_416 = arith.index_cast %parallel_loop3A_157 : i32 to index
          %parallel_loop3A_417 = tpu.vector_load %arg7[%parallel_loop3A_415, %parallel_loop3A_416] {strides = array<i32>} : memref<16x512xf32, #tpu.memory_space<vmem>>, vector<16xf32>,
          %parallel_loop3A_418 = arith.subf %parallel_loop3A_413, %parallel_loop3A_417 : vector<16xf32>
          %parallel_loop3A_419 = math.absf %parallel_loop3A_418 : vector<16xf32>
          %parallel_loop3A_420 = tpu.bitcast %parallel_loop3A_419 : vector<16xf32> -> vector<16xi32>
          %parallel_loop3A_421 = arith.constant 21 : i32
          %parallel_loop3A_422 = vector.broadcast %parallel_loop3A_421 : i32 to vector<16xi32>
          %parallel_loop3A_423 = arith.shrui %parallel_loop3A_420, %parallel_loop3A_422 : vector<16xi32>
          %parallel_loop3A_424 = arith.constant 4 : i32
          %parallel_loop3A_425 = vector.broadcast %parallel_loop3A_424 : i32 to vector<16xi32>
          %parallel_loop3A_426 = arith.shli %parallel_loop3A_423, %parallel_loop3A_425 : vector<16xi32>
          %parallel_loop3A_427 = arith.addi %parallel_loop3A_426, %iota3A : vector<16xi32>
          tpu.vector_store_idx %arg10[%parallel_loop3A_427], %broadcast_in_dim3A_4 {add = true} : memref<32768xf32, #tpu.memory_space<vmem>>[vector<16xi32>], vector<16xf32>,
          tpu.vector_store_idx %arg11[%parallel_loop3A_427], %parallel_loop3A_419 {add = true} : memref<32768xf32, #tpu.memory_space<vmem>>[vector<16xi32>], vector<16xf32>,
          %parallel_loop3A_428 = arith.constant 15 : i32
          %parallel_loop3A_429 = arith.index_cast %parallel_loop3A_428 : i32 to index
          %parallel_loop3A_430 = arith.index_cast %parallel_loop3A_157 : i32 to index
          %parallel_loop3A_431 = tpu.vector_load %arg6[%parallel_loop3A_429, %parallel_loop3A_430] {strides = array<i32>} : memref<16x512xf32, #tpu.memory_space<vmem>>, vector<16xf32>,
          %parallel_loop3A_432 = arith.constant 15 : i32
          %parallel_loop3A_433 = arith.index_cast %parallel_loop3A_432 : i32 to index
          %parallel_loop3A_434 = arith.index_cast %parallel_loop3A_157 : i32 to index
          %parallel_loop3A_435 = tpu.vector_load %arg7[%parallel_loop3A_433, %parallel_loop3A_434] {strides = array<i32>} : memref<16x512xf32, #tpu.memory_space<vmem>>, vector<16xf32>,
          %parallel_loop3A_436 = arith.subf %parallel_loop3A_431, %parallel_loop3A_435 : vector<16xf32>
          %parallel_loop3A_437 = math.absf %parallel_loop3A_436 : vector<16xf32>
          %parallel_loop3A_438 = tpu.bitcast %parallel_loop3A_437 : vector<16xf32> -> vector<16xi32>
          %parallel_loop3A_439 = arith.constant 21 : i32
          %parallel_loop3A_440 = vector.broadcast %parallel_loop3A_439 : i32 to vector<16xi32>
          %parallel_loop3A_441 = arith.shrui %parallel_loop3A_438, %parallel_loop3A_440 : vector<16xi32>
          %parallel_loop3A_442 = arith.constant 4 : i32
          %parallel_loop3A_443 = vector.broadcast %parallel_loop3A_442 : i32 to vector<16xi32>
          %parallel_loop3A_444 = arith.shli %parallel_loop3A_441, %parallel_loop3A_443 : vector<16xi32>
          %parallel_loop3A_445 = arith.addi %parallel_loop3A_444, %iota3A : vector<16xi32>
          tpu.vector_store_idx %arg10[%parallel_loop3A_445], %broadcast_in_dim3A_4 {add = true} : memref<32768xf32, #tpu.memory_space<vmem>>[vector<16xi32>], vector<16xf32>,
          tpu.vector_store_idx %arg11[%parallel_loop3A_445], %parallel_loop3A_437 {add = true} : memref<32768xf32, #tpu.memory_space<vmem>>[vector<16xi32>], vector<16xf32>,
        } {sc.loop_unroll_factor = 4 : i64, sc.parallel_access}
        %add3A_120 = arith.constant 0 : i32
        %add3A_121 = arith.addi %mul3A_101, %add3A_120 : i32
        %add3A_122 = arith.constant 2 : i32
        %add3A_123 = arith.addi %add3A_121, %add3A_122 : i32
        %lt3A_124 = arith.constant 32 : i32
        %lt3A_125 = arith.cmpi slt, %add3A_123, %lt3A_124 : i32
        %convert_element_type3A_126 = arith.extui %lt3A_125 : i1 to i32
        %cond3A_127 = arith.constant 0 : i32
        %cond3A_128 = arith.cmpi ne, %convert_element_type3A_126, %cond3A_127 : i32
        scf.if %cond3A_128 {
          %add3A_157 = arith.constant 0 : i32
          %add3A_158 = arith.addi %mul3A_101, %add3A_157 : i32
          %add3A_159 = arith.constant 2 : i32
          %add3A_160 = arith.addi %add3A_158, %add3A_159 : i32
          %mul3A_161 = arith.constant 16 : i32
          %mul3A_162 = arith.muli %add3A_160, %mul3A_161 : i32
          %dma_start3A_163 = arith.constant 0 : i32
          %dma_start3A_164 = tpu.memref_slice %arg2[%add3A, %mul3A_162, %dma_start3A_163] : memref<24x512x512xf32, #tpu.memory_space<hbm>> -> memref<1x16x512xf32, #tpu.memory_space<hbm>>
          %dma_start3A_165 = tpu.memref_squeeze %dma_start3A_164 : memref<1x16x512xf32, #tpu.memory_space<hbm>> -> memref<16x512xf32, #tpu.memory_space<hbm>>
          %dma_start3A_166 = arith.constant 0 : i32
          %dma_start3A_167 = tpu.memref_slice %arg2[%add3A, %mul3A_162, %dma_start3A_166] : memref<24x512x512xf32, #tpu.memory_space<hbm>> -> memref<1x16x512xf32, #tpu.memory_space<hbm>>
          %dma_start3A_168 = tpu.memref_squeeze %dma_start3A_167 : memref<1x16x512xf32, #tpu.memory_space<hbm>> -> memref<16x512xf32, #tpu.memory_space<hbm>>
          tpu.enqueue_dma source(%dma_start3A_168 : memref<16x512xf32, #tpu.memory_space<hbm>>) target(%arg6 : memref<16x512xf32, #tpu.memory_space<vmem>>) target_semaphore(%arg13 : memref<!tpu.dma_semaphore, #tpu.memory_space<semaphore_mem>>)
          %dma_start3A_169 = arith.constant 0 : i32
          %dma_start3A_170 = tpu.memref_slice %arg3[%add3A, %mul3A_162, %dma_start3A_169] : memref<24x512x512xf32, #tpu.memory_space<hbm>> -> memref<1x16x512xf32, #tpu.memory_space<hbm>>
          %dma_start3A_171 = tpu.memref_squeeze %dma_start3A_170 : memref<1x16x512xf32, #tpu.memory_space<hbm>> -> memref<16x512xf32, #tpu.memory_space<hbm>>
          %dma_start3A_172 = arith.constant 0 : i32
          %dma_start3A_173 = tpu.memref_slice %arg3[%add3A, %mul3A_162, %dma_start3A_172] : memref<24x512x512xf32, #tpu.memory_space<hbm>> -> memref<1x16x512xf32, #tpu.memory_space<hbm>>
          %dma_start3A_174 = tpu.memref_squeeze %dma_start3A_173 : memref<1x16x512xf32, #tpu.memory_space<hbm>> -> memref<16x512xf32, #tpu.memory_space<hbm>>
          tpu.enqueue_dma source(%dma_start3A_174 : memref<16x512xf32, #tpu.memory_space<hbm>>) target(%arg7 : memref<16x512xf32, #tpu.memory_space<vmem>>) target_semaphore(%arg13 : memref<!tpu.dma_semaphore, #tpu.memory_space<semaphore_mem>>)
        } else {
        }
        %dma_wait3A_129 = arith.constant 0 : i32
        %dma_wait3A_130 = arith.constant 0 : i32
        %dma_wait3A_131 = tpu.memref_slice %arg2[%add3A, %dma_wait3A_129, %dma_wait3A_130] : memref<24x512x512xf32, #tpu.memory_space<hbm>> -> memref<1x16x512xf32, #tpu.memory_space<hbm>>
        %dma_wait3A_132 = tpu.memref_squeeze %dma_wait3A_131 : memref<1x16x512xf32, #tpu.memory_space<hbm>> -> memref<16x512xf32, #tpu.memory_space<hbm>>
        %dma_wait3A_133 = arith.constant 0 : i32
        %dma_wait3A_134 = arith.constant 0 : i32
        %dma_wait3A_135 = tpu.memref_slice %arg2[%add3A, %dma_wait3A_133, %dma_wait3A_134] : memref<24x512x512xf32, #tpu.memory_space<hbm>> -> memref<1x16x512xf32, #tpu.memory_space<hbm>>
        %dma_wait3A_136 = tpu.memref_squeeze %dma_wait3A_135 : memref<1x16x512xf32, #tpu.memory_space<hbm>> -> memref<16x512xf32, #tpu.memory_space<hbm>>
        tpu.wait_dma2 semaphore(%arg14 : memref<!tpu.dma_semaphore, #tpu.memory_space<semaphore_mem>>) src(%dma_wait3A_136 : memref<16x512xf32, #tpu.memory_space<hbm>>) dst(%arg8 : memref<16x512xf32, #tpu.memory_space<vmem>>)
        %dma_wait3A_137 = arith.constant 0 : i32
        %dma_wait3A_138 = arith.constant 0 : i32
        %dma_wait3A_139 = tpu.memref_slice %arg2[%add3A, %dma_wait3A_137, %dma_wait3A_138] : memref<24x512x512xf32, #tpu.memory_space<hbm>> -> memref<1x16x512xf32, #tpu.memory_space<hbm>>
        %dma_wait3A_140 = tpu.memref_squeeze %dma_wait3A_139 : memref<1x16x512xf32, #tpu.memory_space<hbm>> -> memref<16x512xf32, #tpu.memory_space<hbm>>
        %dma_wait3A_141 = arith.constant 0 : i32
        %dma_wait3A_142 = arith.constant 0 : i32
        %dma_wait3A_143 = tpu.memref_slice %arg2[%add3A, %dma_wait3A_141, %dma_wait3A_142] : memref<24x512x512xf32, #tpu.memory_space<hbm>> -> memref<1x16x512xf32, #tpu.memory_space<hbm>>
        %dma_wait3A_144 = tpu.memref_squeeze %dma_wait3A_143 : memref<1x16x512xf32, #tpu.memory_space<hbm>> -> memref<16x512xf32, #tpu.memory_space<hbm>>
        tpu.wait_dma2 semaphore(%arg14 : memref<!tpu.dma_semaphore, #tpu.memory_space<semaphore_mem>>) src(%dma_wait3A_144 : memref<16x512xf32, #tpu.memory_space<hbm>>) dst(%arg9 : memref<16x512xf32, #tpu.memory_space<vmem>>)
        %parallel_loop3A_145 = arith.constant 0 : i32
        %parallel_loop3A_146 = arith.constant 512 : i32
        %parallel_loop3A_147 = arith.constant 16 : i32
        scf.for %parallel_loop3A_157 = %parallel_loop3A_145 to %parallel_loop3A_146 step %parallel_loop3A_147  : i32 {
          %parallel_loop3A_158 = arith.constant 0 : i32
          %parallel_loop3A_159 = arith.index_cast %parallel_loop3A_158 : i32 to index
          %parallel_loop3A_160 = arith.index_cast %parallel_loop3A_157 : i32 to index
          %parallel_loop3A_161 = tpu.vector_load %arg8[%parallel_loop3A_159, %parallel_loop3A_160] {strides = array<i32>} : memref<16x512xf32, #tpu.memory_space<vmem>>, vector<16xf32>,
          %parallel_loop3A_162 = arith.constant 0 : i32
          %parallel_loop3A_163 = arith.index_cast %parallel_loop3A_162 : i32 to index
          %parallel_loop3A_164 = arith.index_cast %parallel_loop3A_157 : i32 to index
          %parallel_loop3A_165 = tpu.vector_load %arg9[%parallel_loop3A_163, %parallel_loop3A_164] {strides = array<i32>} : memref<16x512xf32, #tpu.memory_space<vmem>>, vector<16xf32>,
          %parallel_loop3A_166 = arith.subf %parallel_loop3A_161, %parallel_loop3A_165 : vector<16xf32>
          %parallel_loop3A_167 = math.absf %parallel_loop3A_166 : vector<16xf32>
          %parallel_loop3A_168 = tpu.bitcast %parallel_loop3A_167 : vector<16xf32> -> vector<16xi32>
          %parallel_loop3A_169 = arith.constant 21 : i32
          %parallel_loop3A_170 = vector.broadcast %parallel_loop3A_169 : i32 to vector<16xi32>
          %parallel_loop3A_171 = arith.shrui %parallel_loop3A_168, %parallel_loop3A_170 : vector<16xi32>
          %parallel_loop3A_172 = arith.constant 4 : i32
          %parallel_loop3A_173 = vector.broadcast %parallel_loop3A_172 : i32 to vector<16xi32>
          %parallel_loop3A_174 = arith.shli %parallel_loop3A_171, %parallel_loop3A_173 : vector<16xi32>
          %parallel_loop3A_175 = arith.addi %parallel_loop3A_174, %iota3A : vector<16xi32>
          tpu.vector_store_idx %arg10[%parallel_loop3A_175], %broadcast_in_dim3A_4 {add = true} : memref<32768xf32, #tpu.memory_space<vmem>>[vector<16xi32>], vector<16xf32>,
          tpu.vector_store_idx %arg11[%parallel_loop3A_175], %parallel_loop3A_167 {add = true} : memref<32768xf32, #tpu.memory_space<vmem>>[vector<16xi32>], vector<16xf32>,
          %parallel_loop3A_176 = arith.constant 1 : i32
          %parallel_loop3A_177 = arith.index_cast %parallel_loop3A_176 : i32 to index
          %parallel_loop3A_178 = arith.index_cast %parallel_loop3A_157 : i32 to index
          %parallel_loop3A_179 = tpu.vector_load %arg8[%parallel_loop3A_177, %parallel_loop3A_178] {strides = array<i32>} : memref<16x512xf32, #tpu.memory_space<vmem>>, vector<16xf32>,
          %parallel_loop3A_180 = arith.constant 1 : i32
          %parallel_loop3A_181 = arith.index_cast %parallel_loop3A_180 : i32 to index
          %parallel_loop3A_182 = arith.index_cast %parallel_loop3A_157 : i32 to index
          %parallel_loop3A_183 = tpu.vector_load %arg9[%parallel_loop3A_181, %parallel_loop3A_182] {strides = array<i32>} : memref<16x512xf32, #tpu.memory_space<vmem>>, vector<16xf32>,
          %parallel_loop3A_184 = arith.subf %parallel_loop3A_179, %parallel_loop3A_183 : vector<16xf32>
          %parallel_loop3A_185 = math.absf %parallel_loop3A_184 : vector<16xf32>
          %parallel_loop3A_186 = tpu.bitcast %parallel_loop3A_185 : vector<16xf32> -> vector<16xi32>
          %parallel_loop3A_187 = arith.constant 21 : i32
          %parallel_loop3A_188 = vector.broadcast %parallel_loop3A_187 : i32 to vector<16xi32>
          %parallel_loop3A_189 = arith.shrui %parallel_loop3A_186, %parallel_loop3A_188 : vector<16xi32>
          %parallel_loop3A_190 = arith.constant 4 : i32
          %parallel_loop3A_191 = vector.broadcast %parallel_loop3A_190 : i32 to vector<16xi32>
          %parallel_loop3A_192 = arith.shli %parallel_loop3A_189, %parallel_loop3A_191 : vector<16xi32>
          %parallel_loop3A_193 = arith.addi %parallel_loop3A_192, %iota3A : vector<16xi32>
          tpu.vector_store_idx %arg10[%parallel_loop3A_193], %broadcast_in_dim3A_4 {add = true} : memref<32768xf32, #tpu.memory_space<vmem>>[vector<16xi32>], vector<16xf32>,
          tpu.vector_store_idx %arg11[%parallel_loop3A_193], %parallel_loop3A_185 {add = true} : memref<32768xf32, #tpu.memory_space<vmem>>[vector<16xi32>], vector<16xf32>,
          %parallel_loop3A_194 = arith.constant 2 : i32
          %parallel_loop3A_195 = arith.index_cast %parallel_loop3A_194 : i32 to index
          %parallel_loop3A_196 = arith.index_cast %parallel_loop3A_157 : i32 to index
          %parallel_loop3A_197 = tpu.vector_load %arg8[%parallel_loop3A_195, %parallel_loop3A_196] {strides = array<i32>} : memref<16x512xf32, #tpu.memory_space<vmem>>, vector<16xf32>,
          %parallel_loop3A_198 = arith.constant 2 : i32
          %parallel_loop3A_199 = arith.index_cast %parallel_loop3A_198 : i32 to index
          %parallel_loop3A_200 = arith.index_cast %parallel_loop3A_157 : i32 to index
          %parallel_loop3A_201 = tpu.vector_load %arg9[%parallel_loop3A_199, %parallel_loop3A_200] {strides = array<i32>} : memref<16x512xf32, #tpu.memory_space<vmem>>, vector<16xf32>,
          %parallel_loop3A_202 = arith.subf %parallel_loop3A_197, %parallel_loop3A_201 : vector<16xf32>
          %parallel_loop3A_203 = math.absf %parallel_loop3A_202 : vector<16xf32>
          %parallel_loop3A_204 = tpu.bitcast %parallel_loop3A_203 : vector<16xf32> -> vector<16xi32>
          %parallel_loop3A_205 = arith.constant 21 : i32
          %parallel_loop3A_206 = vector.broadcast %parallel_loop3A_205 : i32 to vector<16xi32>
          %parallel_loop3A_207 = arith.shrui %parallel_loop3A_204, %parallel_loop3A_206 : vector<16xi32>
          %parallel_loop3A_208 = arith.constant 4 : i32
          %parallel_loop3A_209 = vector.broadcast %parallel_loop3A_208 : i32 to vector<16xi32>
          %parallel_loop3A_210 = arith.shli %parallel_loop3A_207, %parallel_loop3A_209 : vector<16xi32>
          %parallel_loop3A_211 = arith.addi %parallel_loop3A_210, %iota3A : vector<16xi32>
          tpu.vector_store_idx %arg10[%parallel_loop3A_211], %broadcast_in_dim3A_4 {add = true} : memref<32768xf32, #tpu.memory_space<vmem>>[vector<16xi32>], vector<16xf32>,
          tpu.vector_store_idx %arg11[%parallel_loop3A_211], %parallel_loop3A_203 {add = true} : memref<32768xf32, #tpu.memory_space<vmem>>[vector<16xi32>], vector<16xf32>,
          %parallel_loop3A_212 = arith.constant 3 : i32
          %parallel_loop3A_213 = arith.index_cast %parallel_loop3A_212 : i32 to index
          %parallel_loop3A_214 = arith.index_cast %parallel_loop3A_157 : i32 to index
          %parallel_loop3A_215 = tpu.vector_load %arg8[%parallel_loop3A_213, %parallel_loop3A_214] {strides = array<i32>} : memref<16x512xf32, #tpu.memory_space<vmem>>, vector<16xf32>,
          %parallel_loop3A_216 = arith.constant 3 : i32
          %parallel_loop3A_217 = arith.index_cast %parallel_loop3A_216 : i32 to index
          %parallel_loop3A_218 = arith.index_cast %parallel_loop3A_157 : i32 to index
          %parallel_loop3A_219 = tpu.vector_load %arg9[%parallel_loop3A_217, %parallel_loop3A_218] {strides = array<i32>} : memref<16x512xf32, #tpu.memory_space<vmem>>, vector<16xf32>,
          %parallel_loop3A_220 = arith.subf %parallel_loop3A_215, %parallel_loop3A_219 : vector<16xf32>
          %parallel_loop3A_221 = math.absf %parallel_loop3A_220 : vector<16xf32>
          %parallel_loop3A_222 = tpu.bitcast %parallel_loop3A_221 : vector<16xf32> -> vector<16xi32>
          %parallel_loop3A_223 = arith.constant 21 : i32
          %parallel_loop3A_224 = vector.broadcast %parallel_loop3A_223 : i32 to vector<16xi32>
          %parallel_loop3A_225 = arith.shrui %parallel_loop3A_222, %parallel_loop3A_224 : vector<16xi32>
          %parallel_loop3A_226 = arith.constant 4 : i32
          %parallel_loop3A_227 = vector.broadcast %parallel_loop3A_226 : i32 to vector<16xi32>
          %parallel_loop3A_228 = arith.shli %parallel_loop3A_225, %parallel_loop3A_227 : vector<16xi32>
          %parallel_loop3A_229 = arith.addi %parallel_loop3A_228, %iota3A : vector<16xi32>
          tpu.vector_store_idx %arg10[%parallel_loop3A_229], %broadcast_in_dim3A_4 {add = true} : memref<32768xf32, #tpu.memory_space<vmem>>[vector<16xi32>], vector<16xf32>,
          tpu.vector_store_idx %arg11[%parallel_loop3A_229], %parallel_loop3A_221 {add = true} : memref<32768xf32, #tpu.memory_space<vmem>>[vector<16xi32>], vector<16xf32>,
          %parallel_loop3A_230 = arith.constant 4 : i32
          %parallel_loop3A_231 = arith.index_cast %parallel_loop3A_230 : i32 to index
          %parallel_loop3A_232 = arith.index_cast %parallel_loop3A_157 : i32 to index
          %parallel_loop3A_233 = tpu.vector_load %arg8[%parallel_loop3A_231, %parallel_loop3A_232] {strides = array<i32>} : memref<16x512xf32, #tpu.memory_space<vmem>>, vector<16xf32>,
          %parallel_loop3A_234 = arith.constant 4 : i32
          %parallel_loop3A_235 = arith.index_cast %parallel_loop3A_234 : i32 to index
          %parallel_loop3A_236 = arith.index_cast %parallel_loop3A_157 : i32 to index
          %parallel_loop3A_237 = tpu.vector_load %arg9[%parallel_loop3A_235, %parallel_loop3A_236] {strides = array<i32>} : memref<16x512xf32, #tpu.memory_space<vmem>>, vector<16xf32>,
          %parallel_loop3A_238 = arith.subf %parallel_loop3A_233, %parallel_loop3A_237 : vector<16xf32>
          %parallel_loop3A_239 = math.absf %parallel_loop3A_238 : vector<16xf32>
          %parallel_loop3A_240 = tpu.bitcast %parallel_loop3A_239 : vector<16xf32> -> vector<16xi32>
          %parallel_loop3A_241 = arith.constant 21 : i32
          %parallel_loop3A_242 = vector.broadcast %parallel_loop3A_241 : i32 to vector<16xi32>
          %parallel_loop3A_243 = arith.shrui %parallel_loop3A_240, %parallel_loop3A_242 : vector<16xi32>
          %parallel_loop3A_244 = arith.constant 4 : i32
          %parallel_loop3A_245 = vector.broadcast %parallel_loop3A_244 : i32 to vector<16xi32>
          %parallel_loop3A_246 = arith.shli %parallel_loop3A_243, %parallel_loop3A_245 : vector<16xi32>
          %parallel_loop3A_247 = arith.addi %parallel_loop3A_246, %iota3A : vector<16xi32>
          tpu.vector_store_idx %arg10[%parallel_loop3A_247], %broadcast_in_dim3A_4 {add = true} : memref<32768xf32, #tpu.memory_space<vmem>>[vector<16xi32>], vector<16xf32>,
          tpu.vector_store_idx %arg11[%parallel_loop3A_247], %parallel_loop3A_239 {add = true} : memref<32768xf32, #tpu.memory_space<vmem>>[vector<16xi32>], vector<16xf32>,
          %parallel_loop3A_248 = arith.constant 5 : i32
          %parallel_loop3A_249 = arith.index_cast %parallel_loop3A_248 : i32 to index
          %parallel_loop3A_250 = arith.index_cast %parallel_loop3A_157 : i32 to index
          %parallel_loop3A_251 = tpu.vector_load %arg8[%parallel_loop3A_249, %parallel_loop3A_250] {strides = array<i32>} : memref<16x512xf32, #tpu.memory_space<vmem>>, vector<16xf32>,
          %parallel_loop3A_252 = arith.constant 5 : i32
          %parallel_loop3A_253 = arith.index_cast %parallel_loop3A_252 : i32 to index
          %parallel_loop3A_254 = arith.index_cast %parallel_loop3A_157 : i32 to index
          %parallel_loop3A_255 = tpu.vector_load %arg9[%parallel_loop3A_253, %parallel_loop3A_254] {strides = array<i32>} : memref<16x512xf32, #tpu.memory_space<vmem>>, vector<16xf32>,
          %parallel_loop3A_256 = arith.subf %parallel_loop3A_251, %parallel_loop3A_255 : vector<16xf32>
          %parallel_loop3A_257 = math.absf %parallel_loop3A_256 : vector<16xf32>
          %parallel_loop3A_258 = tpu.bitcast %parallel_loop3A_257 : vector<16xf32> -> vector<16xi32>
          %parallel_loop3A_259 = arith.constant 21 : i32
          %parallel_loop3A_260 = vector.broadcast %parallel_loop3A_259 : i32 to vector<16xi32>
          %parallel_loop3A_261 = arith.shrui %parallel_loop3A_258, %parallel_loop3A_260 : vector<16xi32>
          %parallel_loop3A_262 = arith.constant 4 : i32
          %parallel_loop3A_263 = vector.broadcast %parallel_loop3A_262 : i32 to vector<16xi32>
          %parallel_loop3A_264 = arith.shli %parallel_loop3A_261, %parallel_loop3A_263 : vector<16xi32>
          %parallel_loop3A_265 = arith.addi %parallel_loop3A_264, %iota3A : vector<16xi32>
          tpu.vector_store_idx %arg10[%parallel_loop3A_265], %broadcast_in_dim3A_4 {add = true} : memref<32768xf32, #tpu.memory_space<vmem>>[vector<16xi32>], vector<16xf32>,
          tpu.vector_store_idx %arg11[%parallel_loop3A_265], %parallel_loop3A_257 {add = true} : memref<32768xf32, #tpu.memory_space<vmem>>[vector<16xi32>], vector<16xf32>,
          %parallel_loop3A_266 = arith.constant 6 : i32
          %parallel_loop3A_267 = arith.index_cast %parallel_loop3A_266 : i32 to index
          %parallel_loop3A_268 = arith.index_cast %parallel_loop3A_157 : i32 to index
          %parallel_loop3A_269 = tpu.vector_load %arg8[%parallel_loop3A_267, %parallel_loop3A_268] {strides = array<i32>} : memref<16x512xf32, #tpu.memory_space<vmem>>, vector<16xf32>,
          %parallel_loop3A_270 = arith.constant 6 : i32
          %parallel_loop3A_271 = arith.index_cast %parallel_loop3A_270 : i32 to index
          %parallel_loop3A_272 = arith.index_cast %parallel_loop3A_157 : i32 to index
          %parallel_loop3A_273 = tpu.vector_load %arg9[%parallel_loop3A_271, %parallel_loop3A_272] {strides = array<i32>} : memref<16x512xf32, #tpu.memory_space<vmem>>, vector<16xf32>,
          %parallel_loop3A_274 = arith.subf %parallel_loop3A_269, %parallel_loop3A_273 : vector<16xf32>
          %parallel_loop3A_275 = math.absf %parallel_loop3A_274 : vector<16xf32>
          %parallel_loop3A_276 = tpu.bitcast %parallel_loop3A_275 : vector<16xf32> -> vector<16xi32>
          %parallel_loop3A_277 = arith.constant 21 : i32
          %parallel_loop3A_278 = vector.broadcast %parallel_loop3A_277 : i32 to vector<16xi32>
          %parallel_loop3A_279 = arith.shrui %parallel_loop3A_276, %parallel_loop3A_278 : vector<16xi32>
          %parallel_loop3A_280 = arith.constant 4 : i32
          %parallel_loop3A_281 = vector.broadcast %parallel_loop3A_280 : i32 to vector<16xi32>
          %parallel_loop3A_282 = arith.shli %parallel_loop3A_279, %parallel_loop3A_281 : vector<16xi32>
          %parallel_loop3A_283 = arith.addi %parallel_loop3A_282, %iota3A : vector<16xi32>
          tpu.vector_store_idx %arg10[%parallel_loop3A_283], %broadcast_in_dim3A_4 {add = true} : memref<32768xf32, #tpu.memory_space<vmem>>[vector<16xi32>], vector<16xf32>,
          tpu.vector_store_idx %arg11[%parallel_loop3A_283], %parallel_loop3A_275 {add = true} : memref<32768xf32, #tpu.memory_space<vmem>>[vector<16xi32>], vector<16xf32>,
          %parallel_loop3A_284 = arith.constant 7 : i32
          %parallel_loop3A_285 = arith.index_cast %parallel_loop3A_284 : i32 to index
          %parallel_loop3A_286 = arith.index_cast %parallel_loop3A_157 : i32 to index
          %parallel_loop3A_287 = tpu.vector_load %arg8[%parallel_loop3A_285, %parallel_loop3A_286] {strides = array<i32>} : memref<16x512xf32, #tpu.memory_space<vmem>>, vector<16xf32>,
          %parallel_loop3A_288 = arith.constant 7 : i32
          %parallel_loop3A_289 = arith.index_cast %parallel_loop3A_288 : i32 to index
          %parallel_loop3A_290 = arith.index_cast %parallel_loop3A_157 : i32 to index
          %parallel_loop3A_291 = tpu.vector_load %arg9[%parallel_loop3A_289, %parallel_loop3A_290] {strides = array<i32>} : memref<16x512xf32, #tpu.memory_space<vmem>>, vector<16xf32>,
          %parallel_loop3A_292 = arith.subf %parallel_loop3A_287, %parallel_loop3A_291 : vector<16xf32>
          %parallel_loop3A_293 = math.absf %parallel_loop3A_292 : vector<16xf32>
          %parallel_loop3A_294 = tpu.bitcast %parallel_loop3A_293 : vector<16xf32> -> vector<16xi32>
          %parallel_loop3A_295 = arith.constant 21 : i32
          %parallel_loop3A_296 = vector.broadcast %parallel_loop3A_295 : i32 to vector<16xi32>
          %parallel_loop3A_297 = arith.shrui %parallel_loop3A_294, %parallel_loop3A_296 : vector<16xi32>
          %parallel_loop3A_298 = arith.constant 4 : i32
          %parallel_loop3A_299 = vector.broadcast %parallel_loop3A_298 : i32 to vector<16xi32>
          %parallel_loop3A_300 = arith.shli %parallel_loop3A_297, %parallel_loop3A_299 : vector<16xi32>
          %parallel_loop3A_301 = arith.addi %parallel_loop3A_300, %iota3A : vector<16xi32>
          tpu.vector_store_idx %arg10[%parallel_loop3A_301], %broadcast_in_dim3A_4 {add = true} : memref<32768xf32, #tpu.memory_space<vmem>>[vector<16xi32>], vector<16xf32>,
          tpu.vector_store_idx %arg11[%parallel_loop3A_301], %parallel_loop3A_293 {add = true} : memref<32768xf32, #tpu.memory_space<vmem>>[vector<16xi32>], vector<16xf32>,
          %parallel_loop3A_302 = arith.constant 8 : i32
          %parallel_loop3A_303 = arith.index_cast %parallel_loop3A_302 : i32 to index
          %parallel_loop3A_304 = arith.index_cast %parallel_loop3A_157 : i32 to index
          %parallel_loop3A_305 = tpu.vector_load %arg8[%parallel_loop3A_303, %parallel_loop3A_304] {strides = array<i32>} : memref<16x512xf32, #tpu.memory_space<vmem>>, vector<16xf32>,
          %parallel_loop3A_306 = arith.constant 8 : i32
          %parallel_loop3A_307 = arith.index_cast %parallel_loop3A_306 : i32 to index
          %parallel_loop3A_308 = arith.index_cast %parallel_loop3A_157 : i32 to index
          %parallel_loop3A_309 = tpu.vector_load %arg9[%parallel_loop3A_307, %parallel_loop3A_308] {strides = array<i32>} : memref<16x512xf32, #tpu.memory_space<vmem>>, vector<16xf32>,
          %parallel_loop3A_310 = arith.subf %parallel_loop3A_305, %parallel_loop3A_309 : vector<16xf32>
          %parallel_loop3A_311 = math.absf %parallel_loop3A_310 : vector<16xf32>
          %parallel_loop3A_312 = tpu.bitcast %parallel_loop3A_311 : vector<16xf32> -> vector<16xi32>
          %parallel_loop3A_313 = arith.constant 21 : i32
          %parallel_loop3A_314 = vector.broadcast %parallel_loop3A_313 : i32 to vector<16xi32>
          %parallel_loop3A_315 = arith.shrui %parallel_loop3A_312, %parallel_loop3A_314 : vector<16xi32>
          %parallel_loop3A_316 = arith.constant 4 : i32
          %parallel_loop3A_317 = vector.broadcast %parallel_loop3A_316 : i32 to vector<16xi32>
          %parallel_loop3A_318 = arith.shli %parallel_loop3A_315, %parallel_loop3A_317 : vector<16xi32>
          %parallel_loop3A_319 = arith.addi %parallel_loop3A_318, %iota3A : vector<16xi32>
          tpu.vector_store_idx %arg10[%parallel_loop3A_319], %broadcast_in_dim3A_4 {add = true} : memref<32768xf32, #tpu.memory_space<vmem>>[vector<16xi32>], vector<16xf32>,
          tpu.vector_store_idx %arg11[%parallel_loop3A_319], %parallel_loop3A_311 {add = true} : memref<32768xf32, #tpu.memory_space<vmem>>[vector<16xi32>], vector<16xf32>,
          %parallel_loop3A_320 = arith.constant 9 : i32
          %parallel_loop3A_321 = arith.index_cast %parallel_loop3A_320 : i32 to index
          %parallel_loop3A_322 = arith.index_cast %parallel_loop3A_157 : i32 to index
          %parallel_loop3A_323 = tpu.vector_load %arg8[%parallel_loop3A_321, %parallel_loop3A_322] {strides = array<i32>} : memref<16x512xf32, #tpu.memory_space<vmem>>, vector<16xf32>,
          %parallel_loop3A_324 = arith.constant 9 : i32
          %parallel_loop3A_325 = arith.index_cast %parallel_loop3A_324 : i32 to index
          %parallel_loop3A_326 = arith.index_cast %parallel_loop3A_157 : i32 to index
          %parallel_loop3A_327 = tpu.vector_load %arg9[%parallel_loop3A_325, %parallel_loop3A_326] {strides = array<i32>} : memref<16x512xf32, #tpu.memory_space<vmem>>, vector<16xf32>,
          %parallel_loop3A_328 = arith.subf %parallel_loop3A_323, %parallel_loop3A_327 : vector<16xf32>
          %parallel_loop3A_329 = math.absf %parallel_loop3A_328 : vector<16xf32>
          %parallel_loop3A_330 = tpu.bitcast %parallel_loop3A_329 : vector<16xf32> -> vector<16xi32>
          %parallel_loop3A_331 = arith.constant 21 : i32
          %parallel_loop3A_332 = vector.broadcast %parallel_loop3A_331 : i32 to vector<16xi32>
          %parallel_loop3A_333 = arith.shrui %parallel_loop3A_330, %parallel_loop3A_332 : vector<16xi32>
          %parallel_loop3A_334 = arith.constant 4 : i32
          %parallel_loop3A_335 = vector.broadcast %parallel_loop3A_334 : i32 to vector<16xi32>
          %parallel_loop3A_336 = arith.shli %parallel_loop3A_333, %parallel_loop3A_335 : vector<16xi32>
          %parallel_loop3A_337 = arith.addi %parallel_loop3A_336, %iota3A : vector<16xi32>
          tpu.vector_store_idx %arg10[%parallel_loop3A_337], %broadcast_in_dim3A_4 {add = true} : memref<32768xf32, #tpu.memory_space<vmem>>[vector<16xi32>], vector<16xf32>,
          tpu.vector_store_idx %arg11[%parallel_loop3A_337], %parallel_loop3A_329 {add = true} : memref<32768xf32, #tpu.memory_space<vmem>>[vector<16xi32>], vector<16xf32>,
          %parallel_loop3A_338 = arith.constant 10 : i32
          %parallel_loop3A_339 = arith.index_cast %parallel_loop3A_338 : i32 to index
          %parallel_loop3A_340 = arith.index_cast %parallel_loop3A_157 : i32 to index
          %parallel_loop3A_341 = tpu.vector_load %arg8[%parallel_loop3A_339, %parallel_loop3A_340] {strides = array<i32>} : memref<16x512xf32, #tpu.memory_space<vmem>>, vector<16xf32>,
          %parallel_loop3A_342 = arith.constant 10 : i32
          %parallel_loop3A_343 = arith.index_cast %parallel_loop3A_342 : i32 to index
          %parallel_loop3A_344 = arith.index_cast %parallel_loop3A_157 : i32 to index
          %parallel_loop3A_345 = tpu.vector_load %arg9[%parallel_loop3A_343, %parallel_loop3A_344] {strides = array<i32>} : memref<16x512xf32, #tpu.memory_space<vmem>>, vector<16xf32>,
          %parallel_loop3A_346 = arith.subf %parallel_loop3A_341, %parallel_loop3A_345 : vector<16xf32>
          %parallel_loop3A_347 = math.absf %parallel_loop3A_346 : vector<16xf32>
          %parallel_loop3A_348 = tpu.bitcast %parallel_loop3A_347 : vector<16xf32> -> vector<16xi32>
          %parallel_loop3A_349 = arith.constant 21 : i32
          %parallel_loop3A_350 = vector.broadcast %parallel_loop3A_349 : i32 to vector<16xi32>
          %parallel_loop3A_351 = arith.shrui %parallel_loop3A_348, %parallel_loop3A_350 : vector<16xi32>
          %parallel_loop3A_352 = arith.constant 4 : i32
          %parallel_loop3A_353 = vector.broadcast %parallel_loop3A_352 : i32 to vector<16xi32>
          %parallel_loop3A_354 = arith.shli %parallel_loop3A_351, %parallel_loop3A_353 : vector<16xi32>
          %parallel_loop3A_355 = arith.addi %parallel_loop3A_354, %iota3A : vector<16xi32>
          tpu.vector_store_idx %arg10[%parallel_loop3A_355], %broadcast_in_dim3A_4 {add = true} : memref<32768xf32, #tpu.memory_space<vmem>>[vector<16xi32>], vector<16xf32>,
          tpu.vector_store_idx %arg11[%parallel_loop3A_355], %parallel_loop3A_347 {add = true} : memref<32768xf32, #tpu.memory_space<vmem>>[vector<16xi32>], vector<16xf32>,
          %parallel_loop3A_356 = arith.constant 11 : i32
          %parallel_loop3A_357 = arith.index_cast %parallel_loop3A_356 : i32 to index
          %parallel_loop3A_358 = arith.index_cast %parallel_loop3A_157 : i32 to index
          %parallel_loop3A_359 = tpu.vector_load %arg8[%parallel_loop3A_357, %parallel_loop3A_358] {strides = array<i32>} : memref<16x512xf32, #tpu.memory_space<vmem>>, vector<16xf32>,
          %parallel_loop3A_360 = arith.constant 11 : i32
          %parallel_loop3A_361 = arith.index_cast %parallel_loop3A_360 : i32 to index
          %parallel_loop3A_362 = arith.index_cast %parallel_loop3A_157 : i32 to index
          %parallel_loop3A_363 = tpu.vector_load %arg9[%parallel_loop3A_361, %parallel_loop3A_362] {strides = array<i32>} : memref<16x512xf32, #tpu.memory_space<vmem>>, vector<16xf32>,
          %parallel_loop3A_364 = arith.subf %parallel_loop3A_359, %parallel_loop3A_363 : vector<16xf32>
          %parallel_loop3A_365 = math.absf %parallel_loop3A_364 : vector<16xf32>
          %parallel_loop3A_366 = tpu.bitcast %parallel_loop3A_365 : vector<16xf32> -> vector<16xi32>
          %parallel_loop3A_367 = arith.constant 21 : i32
          %parallel_loop3A_368 = vector.broadcast %parallel_loop3A_367 : i32 to vector<16xi32>
          %parallel_loop3A_369 = arith.shrui %parallel_loop3A_366, %parallel_loop3A_368 : vector<16xi32>
          %parallel_loop3A_370 = arith.constant 4 : i32
          %parallel_loop3A_371 = vector.broadcast %parallel_loop3A_370 : i32 to vector<16xi32>
          %parallel_loop3A_372 = arith.shli %parallel_loop3A_369, %parallel_loop3A_371 : vector<16xi32>
          %parallel_loop3A_373 = arith.addi %parallel_loop3A_372, %iota3A : vector<16xi32>
          tpu.vector_store_idx %arg10[%parallel_loop3A_373], %broadcast_in_dim3A_4 {add = true} : memref<32768xf32, #tpu.memory_space<vmem>>[vector<16xi32>], vector<16xf32>,
          tpu.vector_store_idx %arg11[%parallel_loop3A_373], %parallel_loop3A_365 {add = true} : memref<32768xf32, #tpu.memory_space<vmem>>[vector<16xi32>], vector<16xf32>,
          %parallel_loop3A_374 = arith.constant 12 : i32
          %parallel_loop3A_375 = arith.index_cast %parallel_loop3A_374 : i32 to index
          %parallel_loop3A_376 = arith.index_cast %parallel_loop3A_157 : i32 to index
          %parallel_loop3A_377 = tpu.vector_load %arg8[%parallel_loop3A_375, %parallel_loop3A_376] {strides = array<i32>} : memref<16x512xf32, #tpu.memory_space<vmem>>, vector<16xf32>,
          %parallel_loop3A_378 = arith.constant 12 : i32
          %parallel_loop3A_379 = arith.index_cast %parallel_loop3A_378 : i32 to index
          %parallel_loop3A_380 = arith.index_cast %parallel_loop3A_157 : i32 to index
          %parallel_loop3A_381 = tpu.vector_load %arg9[%parallel_loop3A_379, %parallel_loop3A_380] {strides = array<i32>} : memref<16x512xf32, #tpu.memory_space<vmem>>, vector<16xf32>,
          %parallel_loop3A_382 = arith.subf %parallel_loop3A_377, %parallel_loop3A_381 : vector<16xf32>
          %parallel_loop3A_383 = math.absf %parallel_loop3A_382 : vector<16xf32>
          %parallel_loop3A_384 = tpu.bitcast %parallel_loop3A_383 : vector<16xf32> -> vector<16xi32>
          %parallel_loop3A_385 = arith.constant 21 : i32
          %parallel_loop3A_386 = vector.broadcast %parallel_loop3A_385 : i32 to vector<16xi32>
          %parallel_loop3A_387 = arith.shrui %parallel_loop3A_384, %parallel_loop3A_386 : vector<16xi32>
          %parallel_loop3A_388 = arith.constant 4 : i32
          %parallel_loop3A_389 = vector.broadcast %parallel_loop3A_388 : i32 to vector<16xi32>
          %parallel_loop3A_390 = arith.shli %parallel_loop3A_387, %parallel_loop3A_389 : vector<16xi32>
          %parallel_loop3A_391 = arith.addi %parallel_loop3A_390, %iota3A : vector<16xi32>
          tpu.vector_store_idx %arg10[%parallel_loop3A_391], %broadcast_in_dim3A_4 {add = true} : memref<32768xf32, #tpu.memory_space<vmem>>[vector<16xi32>], vector<16xf32>,
          tpu.vector_store_idx %arg11[%parallel_loop3A_391], %parallel_loop3A_383 {add = true} : memref<32768xf32, #tpu.memory_space<vmem>>[vector<16xi32>], vector<16xf32>,
          %parallel_loop3A_392 = arith.constant 13 : i32
          %parallel_loop3A_393 = arith.index_cast %parallel_loop3A_392 : i32 to index
          %parallel_loop3A_394 = arith.index_cast %parallel_loop3A_157 : i32 to index
          %parallel_loop3A_395 = tpu.vector_load %arg8[%parallel_loop3A_393, %parallel_loop3A_394] {strides = array<i32>} : memref<16x512xf32, #tpu.memory_space<vmem>>, vector<16xf32>,
          %parallel_loop3A_396 = arith.constant 13 : i32
          %parallel_loop3A_397 = arith.index_cast %parallel_loop3A_396 : i32 to index
          %parallel_loop3A_398 = arith.index_cast %parallel_loop3A_157 : i32 to index
          %parallel_loop3A_399 = tpu.vector_load %arg9[%parallel_loop3A_397, %parallel_loop3A_398] {strides = array<i32>} : memref<16x512xf32, #tpu.memory_space<vmem>>, vector<16xf32>,
          %parallel_loop3A_400 = arith.subf %parallel_loop3A_395, %parallel_loop3A_399 : vector<16xf32>
          %parallel_loop3A_401 = math.absf %parallel_loop3A_400 : vector<16xf32>
          %parallel_loop3A_402 = tpu.bitcast %parallel_loop3A_401 : vector<16xf32> -> vector<16xi32>
          %parallel_loop3A_403 = arith.constant 21 : i32
          %parallel_loop3A_404 = vector.broadcast %parallel_loop3A_403 : i32 to vector<16xi32>
          %parallel_loop3A_405 = arith.shrui %parallel_loop3A_402, %parallel_loop3A_404 : vector<16xi32>
          %parallel_loop3A_406 = arith.constant 4 : i32
          %parallel_loop3A_407 = vector.broadcast %parallel_loop3A_406 : i32 to vector<16xi32>
          %parallel_loop3A_408 = arith.shli %parallel_loop3A_405, %parallel_loop3A_407 : vector<16xi32>
          %parallel_loop3A_409 = arith.addi %parallel_loop3A_408, %iota3A : vector<16xi32>
          tpu.vector_store_idx %arg10[%parallel_loop3A_409], %broadcast_in_dim3A_4 {add = true} : memref<32768xf32, #tpu.memory_space<vmem>>[vector<16xi32>], vector<16xf32>,
          tpu.vector_store_idx %arg11[%parallel_loop3A_409], %parallel_loop3A_401 {add = true} : memref<32768xf32, #tpu.memory_space<vmem>>[vector<16xi32>], vector<16xf32>,
          %parallel_loop3A_410 = arith.constant 14 : i32
          %parallel_loop3A_411 = arith.index_cast %parallel_loop3A_410 : i32 to index
          %parallel_loop3A_412 = arith.index_cast %parallel_loop3A_157 : i32 to index
          %parallel_loop3A_413 = tpu.vector_load %arg8[%parallel_loop3A_411, %parallel_loop3A_412] {strides = array<i32>} : memref<16x512xf32, #tpu.memory_space<vmem>>, vector<16xf32>,
          %parallel_loop3A_414 = arith.constant 14 : i32
          %parallel_loop3A_415 = arith.index_cast %parallel_loop3A_414 : i32 to index
          %parallel_loop3A_416 = arith.index_cast %parallel_loop3A_157 : i32 to index
          %parallel_loop3A_417 = tpu.vector_load %arg9[%parallel_loop3A_415, %parallel_loop3A_416] {strides = array<i32>} : memref<16x512xf32, #tpu.memory_space<vmem>>, vector<16xf32>,
          %parallel_loop3A_418 = arith.subf %parallel_loop3A_413, %parallel_loop3A_417 : vector<16xf32>
          %parallel_loop3A_419 = math.absf %parallel_loop3A_418 : vector<16xf32>
          %parallel_loop3A_420 = tpu.bitcast %parallel_loop3A_419 : vector<16xf32> -> vector<16xi32>
          %parallel_loop3A_421 = arith.constant 21 : i32
          %parallel_loop3A_422 = vector.broadcast %parallel_loop3A_421 : i32 to vector<16xi32>
          %parallel_loop3A_423 = arith.shrui %parallel_loop3A_420, %parallel_loop3A_422 : vector<16xi32>
          %parallel_loop3A_424 = arith.constant 4 : i32
          %parallel_loop3A_425 = vector.broadcast %parallel_loop3A_424 : i32 to vector<16xi32>
          %parallel_loop3A_426 = arith.shli %parallel_loop3A_423, %parallel_loop3A_425 : vector<16xi32>
          %parallel_loop3A_427 = arith.addi %parallel_loop3A_426, %iota3A : vector<16xi32>
          tpu.vector_store_idx %arg10[%parallel_loop3A_427], %broadcast_in_dim3A_4 {add = true} : memref<32768xf32, #tpu.memory_space<vmem>>[vector<16xi32>], vector<16xf32>,
          tpu.vector_store_idx %arg11[%parallel_loop3A_427], %parallel_loop3A_419 {add = true} : memref<32768xf32, #tpu.memory_space<vmem>>[vector<16xi32>], vector<16xf32>,
          %parallel_loop3A_428 = arith.constant 15 : i32
          %parallel_loop3A_429 = arith.index_cast %parallel_loop3A_428 : i32 to index
          %parallel_loop3A_430 = arith.index_cast %parallel_loop3A_157 : i32 to index
          %parallel_loop3A_431 = tpu.vector_load %arg8[%parallel_loop3A_429, %parallel_loop3A_430] {strides = array<i32>} : memref<16x512xf32, #tpu.memory_space<vmem>>, vector<16xf32>,
          %parallel_loop3A_432 = arith.constant 15 : i32
          %parallel_loop3A_433 = arith.index_cast %parallel_loop3A_432 : i32 to index
          %parallel_loop3A_434 = arith.index_cast %parallel_loop3A_157 : i32 to index
          %parallel_loop3A_435 = tpu.vector_load %arg9[%parallel_loop3A_433, %parallel_loop3A_434] {strides = array<i32>} : memref<16x512xf32, #tpu.memory_space<vmem>>, vector<16xf32>,
          %parallel_loop3A_436 = arith.subf %parallel_loop3A_431, %parallel_loop3A_435 : vector<16xf32>
          %parallel_loop3A_437 = math.absf %parallel_loop3A_436 : vector<16xf32>
          %parallel_loop3A_438 = tpu.bitcast %parallel_loop3A_437 : vector<16xf32> -> vector<16xi32>
          %parallel_loop3A_439 = arith.constant 21 : i32
          %parallel_loop3A_440 = vector.broadcast %parallel_loop3A_439 : i32 to vector<16xi32>
          %parallel_loop3A_441 = arith.shrui %parallel_loop3A_438, %parallel_loop3A_440 : vector<16xi32>
          %parallel_loop3A_442 = arith.constant 4 : i32
          %parallel_loop3A_443 = vector.broadcast %parallel_loop3A_442 : i32 to vector<16xi32>
          %parallel_loop3A_444 = arith.shli %parallel_loop3A_441, %parallel_loop3A_443 : vector<16xi32>
          %parallel_loop3A_445 = arith.addi %parallel_loop3A_444, %iota3A : vector<16xi32>
          tpu.vector_store_idx %arg10[%parallel_loop3A_445], %broadcast_in_dim3A_4 {add = true} : memref<32768xf32, #tpu.memory_space<vmem>>[vector<16xi32>], vector<16xf32>,
          tpu.vector_store_idx %arg11[%parallel_loop3A_445], %parallel_loop3A_437 {add = true} : memref<32768xf32, #tpu.memory_space<vmem>>[vector<16xi32>], vector<16xf32>,
        } {sc.loop_unroll_factor = 4 : i64, sc.parallel_access}
        %add3A_148 = arith.constant 1 : i32
        %add3A_149 = arith.addi %mul3A_101, %add3A_148 : i32
        %add3A_150 = arith.constant 2 : i32
        %add3A_151 = arith.addi %add3A_149, %add3A_150 : i32
        %lt3A_152 = arith.constant 32 : i32
        %lt3A_153 = arith.cmpi slt, %add3A_151, %lt3A_152 : i32
        %convert_element_type3A_154 = arith.extui %lt3A_153 : i1 to i32
        %cond3A_155 = arith.constant 0 : i32
        %cond3A_156 = arith.cmpi ne, %convert_element_type3A_154, %cond3A_155 : i32
        scf.if %cond3A_156 {
          %add3A_157 = arith.constant 1 : i32
          %add3A_158 = arith.addi %mul3A_101, %add3A_157 : i32
          %add3A_159 = arith.constant 2 : i32
          %add3A_160 = arith.addi %add3A_158, %add3A_159 : i32
          %mul3A_161 = arith.constant 16 : i32
          %mul3A_162 = arith.muli %add3A_160, %mul3A_161 : i32
          %dma_start3A_163 = arith.constant 0 : i32
          %dma_start3A_164 = tpu.memref_slice %arg2[%add3A, %mul3A_162, %dma_start3A_163] : memref<24x512x512xf32, #tpu.memory_space<hbm>> -> memref<1x16x512xf32, #tpu.memory_space<hbm>>
          %dma_start3A_165 = tpu.memref_squeeze %dma_start3A_164 : memref<1x16x512xf32, #tpu.memory_space<hbm>> -> memref<16x512xf32, #tpu.memory_space<hbm>>
          %dma_start3A_166 = arith.constant 0 : i32
          %dma_start3A_167 = tpu.memref_slice %arg2[%add3A, %mul3A_162, %dma_start3A_166] : memref<24x512x512xf32, #tpu.memory_space<hbm>> -> memref<1x16x512xf32, #tpu.memory_space<hbm>>
          %dma_start3A_168 = tpu.memref_squeeze %dma_start3A_167 : memref<1x16x512xf32, #tpu.memory_space<hbm>> -> memref<16x512xf32, #tpu.memory_space<hbm>>
          tpu.enqueue_dma source(%dma_start3A_168 : memref<16x512xf32, #tpu.memory_space<hbm>>) target(%arg8 : memref<16x512xf32, #tpu.memory_space<vmem>>) target_semaphore(%arg14 : memref<!tpu.dma_semaphore, #tpu.memory_space<semaphore_mem>>)
          %dma_start3A_169 = arith.constant 0 : i32
          %dma_start3A_170 = tpu.memref_slice %arg3[%add3A, %mul3A_162, %dma_start3A_169] : memref<24x512x512xf32, #tpu.memory_space<hbm>> -> memref<1x16x512xf32, #tpu.memory_space<hbm>>
          %dma_start3A_171 = tpu.memref_squeeze %dma_start3A_170 : memref<1x16x512xf32, #tpu.memory_space<hbm>> -> memref<16x512xf32, #tpu.memory_space<hbm>>
          %dma_start3A_172 = arith.constant 0 : i32
          %dma_start3A_173 = tpu.memref_slice %arg3[%add3A, %mul3A_162, %dma_start3A_172] : memref<24x512x512xf32, #tpu.memory_space<hbm>> -> memref<1x16x512xf32, #tpu.memory_space<hbm>>
          %dma_start3A_174 = tpu.memref_squeeze %dma_start3A_173 : memref<1x16x512xf32, #tpu.memory_space<hbm>> -> memref<16x512xf32, #tpu.memory_space<hbm>>
          tpu.enqueue_dma source(%dma_start3A_174 : memref<16x512xf32, #tpu.memory_space<hbm>>) target(%arg9 : memref<16x512xf32, #tpu.memory_space<vmem>>) target_semaphore(%arg14 : memref<!tpu.dma_semaphore, #tpu.memory_space<semaphore_mem>>)
        } else {
        }
      }
      %scan3A_43 = arith.constant 16 : i32
      %while3A = arith.constant 0 : i32
      %while3A_44 = arith.constant 0.000000e+00 : f32
      %while3A_45 = arith.constant 0.000000e+00 : f32
      %while3A_46 = arith.constant 0 : i32
      %while3A_47 = arith.constant 0.000000e+00 : f32
      %while3A_48 = arith.constant 0.000000e+00 : f32
      %while3A_49 = arith.constant false
      %while3A_50:7 = scf.while (%while3A_95 = %while3A, %while3A_96 = %while3A_44, %while3A_97 = %while3A_45, %while3A_98 = %while3A_46, %while3A_99 = %while3A_47, %while3A_100 = %while3A_48, %while3A_101 = %while3A_49) : (i32, f32, f32, i32, f32, f32, i1) -> (i32, f32, f32, i32, f32, f32, i1) {
        %lt3A_102 = arith.constant 128 : i32
        %lt3A_103 = arith.cmpi slt, %while3A_95, %lt3A_102 : i32
        %not3A = arith.constant true
        %not3A_104 = arith.xori %while3A_101, %not3A : i1
        %and3A = arith.andi %lt3A_103, %not3A_104 : i1
        scf.condition(%and3A) %while3A_95, %while3A_96, %while3A_97, %while3A_98, %while3A_99, %while3A_100, %while3A_101 : i32, f32, f32, i32, f32, f32, i1
      } do {
      ^bb0(%while3A_95: i32, %while3A_96: f32, %while3A_97: f32, %while3A_98: i32, %while3A_99: f32, %while3A_100: f32, %while3A_101: i1):
        %sub3A = arith.constant 127 : i32
        %sub3A_102 = arith.subi %sub3A, %while3A_95 : i32
        %mul3A_103 = arith.constant 16 : i32
        %mul3A_104 = arith.muli %sub3A_102, %mul3A_103 : i32
        %mul3A_105 = arith.constant 16 : i32
        %mul3A_106 = arith.muli %mul3A_104, %mul3A_105 : i32
        %broadcast_in_dim3A_107 = arith.constant 0.000000e+00 : f32
        %broadcast_in_dim3A_108 = vector.broadcast %broadcast_in_dim3A_107 : f32 to vector<16xf32>
        %broadcast_in_dim3A_109 = arith.constant 0.000000e+00 : f32
        %broadcast_in_dim3A_110 = vector.broadcast %broadcast_in_dim3A_109 : f32 to vector<16xf32>
        %add3A_111 = arith.constant 0 : i32
        %add3A_112 = arith.addi %mul3A_106, %add3A_111 : i32
        %get3A_113 = arith.index_cast %add3A_112 : i32 to index
        %get3A_114 = tpu.vector_load %arg10[%get3A_113] {strides = array<i32>} : memref<32768xf32, #tpu.memory_space<vmem>>, vector<16xf32>,
        %add3A_115 = arith.addf %broadcast_in_dim3A_108, %get3A_114 : vector<16xf32>
        %add3A_116 = arith.constant 0 : i32
        %add3A_117 = arith.addi %mul3A_106, %add3A_116 : i32
        %get3A_118 = arith.index_cast %add3A_117 : i32 to index
        %get3A_119 = tpu.vector_load %arg11[%get3A_118] {strides = array<i32>} : memref<32768xf32, #tpu.memory_space<vmem>>, vector<16xf32>,
        %add3A_120 = arith.addf %broadcast_in_dim3A_110, %get3A_119 : vector<16xf32>
        %add3A_121 = arith.constant 16 : i32
        %add3A_122 = arith.addi %mul3A_106, %add3A_121 : i32
        %get3A_123 = arith.index_cast %add3A_122 : i32 to index
        %get3A_124 = tpu.vector_load %arg10[%get3A_123] {strides = array<i32>} : memref<32768xf32, #tpu.memory_space<vmem>>, vector<16xf32>,
        %add3A_125 = arith.addf %add3A_115, %get3A_124 : vector<16xf32>
        %add3A_126 = arith.constant 16 : i32
        %add3A_127 = arith.addi %mul3A_106, %add3A_126 : i32
        %get3A_128 = arith.index_cast %add3A_127 : i32 to index
        %get3A_129 = tpu.vector_load %arg11[%get3A_128] {strides = array<i32>} : memref<32768xf32, #tpu.memory_space<vmem>>, vector<16xf32>,
        %add3A_130 = arith.addf %add3A_120, %get3A_129 : vector<16xf32>
        %add3A_131 = arith.constant 32 : i32
        %add3A_132 = arith.addi %mul3A_106, %add3A_131 : i32
        %get3A_133 = arith.index_cast %add3A_132 : i32 to index
        %get3A_134 = tpu.vector_load %arg10[%get3A_133] {strides = array<i32>} : memref<32768xf32, #tpu.memory_space<vmem>>, vector<16xf32>,
        %add3A_135 = arith.addf %add3A_125, %get3A_134 : vector<16xf32>
        %add3A_136 = arith.constant 32 : i32
        %add3A_137 = arith.addi %mul3A_106, %add3A_136 : i32
        %get3A_138 = arith.index_cast %add3A_137 : i32 to index
        %get3A_139 = tpu.vector_load %arg11[%get3A_138] {strides = array<i32>} : memref<32768xf32, #tpu.memory_space<vmem>>, vector<16xf32>,
        %add3A_140 = arith.addf %add3A_130, %get3A_139 : vector<16xf32>
        %add3A_141 = arith.constant 48 : i32
        %add3A_142 = arith.addi %mul3A_106, %add3A_141 : i32
        %get3A_143 = arith.index_cast %add3A_142 : i32 to index
        %get3A_144 = tpu.vector_load %arg10[%get3A_143] {strides = array<i32>} : memref<32768xf32, #tpu.memory_space<vmem>>, vector<16xf32>,
        %add3A_145 = arith.addf %add3A_135, %get3A_144 : vector<16xf32>
        %add3A_146 = arith.constant 48 : i32
        %add3A_147 = arith.addi %mul3A_106, %add3A_146 : i32
        %get3A_148 = arith.index_cast %add3A_147 : i32 to index
        %get3A_149 = tpu.vector_load %arg11[%get3A_148] {strides = array<i32>} : memref<32768xf32, #tpu.memory_space<vmem>>, vector<16xf32>,
        %add3A_150 = arith.addf %add3A_140, %get3A_149 : vector<16xf32>
        %add3A_151 = arith.constant 64 : i32
        %add3A_152 = arith.addi %mul3A_106, %add3A_151 : i32
        %get3A_153 = arith.index_cast %add3A_152 : i32 to index
        %get3A_154 = tpu.vector_load %arg10[%get3A_153] {strides = array<i32>} : memref<32768xf32, #tpu.memory_space<vmem>>, vector<16xf32>,
        %add3A_155 = arith.addf %add3A_145, %get3A_154 : vector<16xf32>
        %add3A_156 = arith.constant 64 : i32
        %add3A_157 = arith.addi %mul3A_106, %add3A_156 : i32
        %get3A_158 = arith.index_cast %add3A_157 : i32 to index
        %get3A_159 = tpu.vector_load %arg11[%get3A_158] {strides = array<i32>} : memref<32768xf32, #tpu.memory_space<vmem>>, vector<16xf32>,
        %add3A_160 = arith.addf %add3A_150, %get3A_159 : vector<16xf32>
        %add3A_161 = arith.constant 80 : i32
        %add3A_162 = arith.addi %mul3A_106, %add3A_161 : i32
        %get3A_163 = arith.index_cast %add3A_162 : i32 to index
        %get3A_164 = tpu.vector_load %arg10[%get3A_163] {strides = array<i32>} : memref<32768xf32, #tpu.memory_space<vmem>>, vector<16xf32>,
        %add3A_165 = arith.addf %add3A_155, %get3A_164 : vector<16xf32>
        %add3A_166 = arith.constant 80 : i32
        %add3A_167 = arith.addi %mul3A_106, %add3A_166 : i32
        %get3A_168 = arith.index_cast %add3A_167 : i32 to index
        %get3A_169 = tpu.vector_load %arg11[%get3A_168] {strides = array<i32>} : memref<32768xf32, #tpu.memory_space<vmem>>, vector<16xf32>,
        %add3A_170 = arith.addf %add3A_160, %get3A_169 : vector<16xf32>
        %add3A_171 = arith.constant 96 : i32
        %add3A_172 = arith.addi %mul3A_106, %add3A_171 : i32
        %get3A_173 = arith.index_cast %add3A_172 : i32 to index
        %get3A_174 = tpu.vector_load %arg10[%get3A_173] {strides = array<i32>} : memref<32768xf32, #tpu.memory_space<vmem>>, vector<16xf32>,
        %add3A_175 = arith.addf %add3A_165, %get3A_174 : vector<16xf32>
        %add3A_176 = arith.constant 96 : i32
        %add3A_177 = arith.addi %mul3A_106, %add3A_176 : i32
        %get3A_178 = arith.index_cast %add3A_177 : i32 to index
        %get3A_179 = tpu.vector_load %arg11[%get3A_178] {strides = array<i32>} : memref<32768xf32, #tpu.memory_space<vmem>>, vector<16xf32>,
        %add3A_180 = arith.addf %add3A_170, %get3A_179 : vector<16xf32>
        %add3A_181 = arith.constant 112 : i32
        %add3A_182 = arith.addi %mul3A_106, %add3A_181 : i32
        %get3A_183 = arith.index_cast %add3A_182 : i32 to index
        %get3A_184 = tpu.vector_load %arg10[%get3A_183] {strides = array<i32>} : memref<32768xf32, #tpu.memory_space<vmem>>, vector<16xf32>,
        %add3A_185 = arith.addf %add3A_175, %get3A_184 : vector<16xf32>
        %add3A_186 = arith.constant 112 : i32
        %add3A_187 = arith.addi %mul3A_106, %add3A_186 : i32
        %get3A_188 = arith.index_cast %add3A_187 : i32 to index
        %get3A_189 = tpu.vector_load %arg11[%get3A_188] {strides = array<i32>} : memref<32768xf32, #tpu.memory_space<vmem>>, vector<16xf32>,
        %add3A_190 = arith.addf %add3A_180, %get3A_189 : vector<16xf32>
        %add3A_191 = arith.constant 128 : i32
        %add3A_192 = arith.addi %mul3A_106, %add3A_191 : i32
        %get3A_193 = arith.index_cast %add3A_192 : i32 to index
        %get3A_194 = tpu.vector_load %arg10[%get3A_193] {strides = array<i32>} : memref<32768xf32, #tpu.memory_space<vmem>>, vector<16xf32>,
        %add3A_195 = arith.addf %add3A_185, %get3A_194 : vector<16xf32>
        %add3A_196 = arith.constant 128 : i32
        %add3A_197 = arith.addi %mul3A_106, %add3A_196 : i32
        %get3A_198 = arith.index_cast %add3A_197 : i32 to index
        %get3A_199 = tpu.vector_load %arg11[%get3A_198] {strides = array<i32>} : memref<32768xf32, #tpu.memory_space<vmem>>, vector<16xf32>,
        %add3A_200 = arith.addf %add3A_190, %get3A_199 : vector<16xf32>
        %add3A_201 = arith.constant 144 : i32
        %add3A_202 = arith.addi %mul3A_106, %add3A_201 : i32
        %get3A_203 = arith.index_cast %add3A_202 : i32 to index
        %get3A_204 = tpu.vector_load %arg10[%get3A_203] {strides = array<i32>} : memref<32768xf32, #tpu.memory_space<vmem>>, vector<16xf32>,
        %add3A_205 = arith.addf %add3A_195, %get3A_204 : vector<16xf32>
        %add3A_206 = arith.constant 144 : i32
        %add3A_207 = arith.addi %mul3A_106, %add3A_206 : i32
        %get3A_208 = arith.index_cast %add3A_207 : i32 to index
        %get3A_209 = tpu.vector_load %arg11[%get3A_208] {strides = array<i32>} : memref<32768xf32, #tpu.memory_space<vmem>>, vector<16xf32>,
        %add3A_210 = arith.addf %add3A_200, %get3A_209 : vector<16xf32>
        %add3A_211 = arith.constant 160 : i32
        %add3A_212 = arith.addi %mul3A_106, %add3A_211 : i32
        %get3A_213 = arith.index_cast %add3A_212 : i32 to index
        %get3A_214 = tpu.vector_load %arg10[%get3A_213] {strides = array<i32>} : memref<32768xf32, #tpu.memory_space<vmem>>, vector<16xf32>,
        %add3A_215 = arith.addf %add3A_205, %get3A_214 : vector<16xf32>
        %add3A_216 = arith.constant 160 : i32
        %add3A_217 = arith.addi %mul3A_106, %add3A_216 : i32
        %get3A_218 = arith.index_cast %add3A_217 : i32 to index
        %get3A_219 = tpu.vector_load %arg11[%get3A_218] {strides = array<i32>} : memref<32768xf32, #tpu.memory_space<vmem>>, vector<16xf32>,
        %add3A_220 = arith.addf %add3A_210, %get3A_219 : vector<16xf32>
        %add3A_221 = arith.constant 176 : i32
        %add3A_222 = arith.addi %mul3A_106, %add3A_221 : i32
        %get3A_223 = arith.index_cast %add3A_222 : i32 to index
        %get3A_224 = tpu.vector_load %arg10[%get3A_223] {strides = array<i32>} : memref<32768xf32, #tpu.memory_space<vmem>>, vector<16xf32>,
        %add3A_225 = arith.addf %add3A_215, %get3A_224 : vector<16xf32>
        %add3A_226 = arith.constant 176 : i32
        %add3A_227 = arith.addi %mul3A_106, %add3A_226 : i32
        %get3A_228 = arith.index_cast %add3A_227 : i32 to index
        %get3A_229 = tpu.vector_load %arg11[%get3A_228] {strides = array<i32>} : memref<32768xf32, #tpu.memory_space<vmem>>, vector<16xf32>,
        %add3A_230 = arith.addf %add3A_220, %get3A_229 : vector<16xf32>
        %add3A_231 = arith.constant 192 : i32
        %add3A_232 = arith.addi %mul3A_106, %add3A_231 : i32
        %get3A_233 = arith.index_cast %add3A_232 : i32 to index
        %get3A_234 = tpu.vector_load %arg10[%get3A_233] {strides = array<i32>} : memref<32768xf32, #tpu.memory_space<vmem>>, vector<16xf32>,
        %add3A_235 = arith.addf %add3A_225, %get3A_234 : vector<16xf32>
        %add3A_236 = arith.constant 192 : i32
        %add3A_237 = arith.addi %mul3A_106, %add3A_236 : i32
        %get3A_238 = arith.index_cast %add3A_237 : i32 to index
        %get3A_239 = tpu.vector_load %arg11[%get3A_238] {strides = array<i32>} : memref<32768xf32, #tpu.memory_space<vmem>>, vector<16xf32>,
        %add3A_240 = arith.addf %add3A_230, %get3A_239 : vector<16xf32>
        %add3A_241 = arith.constant 208 : i32
        %add3A_242 = arith.addi %mul3A_106, %add3A_241 : i32
        %get3A_243 = arith.index_cast %add3A_242 : i32 to index
        %get3A_244 = tpu.vector_load %arg10[%get3A_243] {strides = array<i32>} : memref<32768xf32, #tpu.memory_space<vmem>>, vector<16xf32>,
        %add3A_245 = arith.addf %add3A_235, %get3A_244 : vector<16xf32>
        %add3A_246 = arith.constant 208 : i32
        %add3A_247 = arith.addi %mul3A_106, %add3A_246 : i32
        %get3A_248 = arith.index_cast %add3A_247 : i32 to index
        %get3A_249 = tpu.vector_load %arg11[%get3A_248] {strides = array<i32>} : memref<32768xf32, #tpu.memory_space<vmem>>, vector<16xf32>,
        %add3A_250 = arith.addf %add3A_240, %get3A_249 : vector<16xf32>
        %add3A_251 = arith.constant 224 : i32
        %add3A_252 = arith.addi %mul3A_106, %add3A_251 : i32
        %get3A_253 = arith.index_cast %add3A_252 : i32 to index
        %get3A_254 = tpu.vector_load %arg10[%get3A_253] {strides = array<i32>} : memref<32768xf32, #tpu.memory_space<vmem>>, vector<16xf32>,
        %add3A_255 = arith.addf %add3A_245, %get3A_254 : vector<16xf32>
        %add3A_256 = arith.constant 224 : i32
        %add3A_257 = arith.addi %mul3A_106, %add3A_256 : i32
        %get3A_258 = arith.index_cast %add3A_257 : i32 to index
        %get3A_259 = tpu.vector_load %arg11[%get3A_258] {strides = array<i32>} : memref<32768xf32, #tpu.memory_space<vmem>>, vector<16xf32>,
        %add3A_260 = arith.addf %add3A_250, %get3A_259 : vector<16xf32>
        %add3A_261 = arith.constant 240 : i32
        %add3A_262 = arith.addi %mul3A_106, %add3A_261 : i32
        %get3A_263 = arith.index_cast %add3A_262 : i32 to index
        %get3A_264 = tpu.vector_load %arg10[%get3A_263] {strides = array<i32>} : memref<32768xf32, #tpu.memory_space<vmem>>, vector<16xf32>,
        %add3A_265 = arith.addf %add3A_255, %get3A_264 : vector<16xf32>
        %add3A_266 = arith.constant 240 : i32
        %add3A_267 = arith.addi %mul3A_106, %add3A_266 : i32
        %get3A_268 = arith.index_cast %add3A_267 : i32 to index
        %get3A_269 = tpu.vector_load %arg11[%get3A_268] {strides = array<i32>} : memref<32768xf32, #tpu.memory_space<vmem>>, vector<16xf32>,
        %add3A_270 = arith.addf %add3A_260, %get3A_269 : vector<16xf32>
        %reduce_sum3A = arith.constant true
        %reduce_sum3A_271 = vector.broadcast %reduce_sum3A : i1 to vector<16xi1>
        %reduce_sum3A_272 = tpu.scan <sum>, %add3A_265 masked %reduce_sum3A_271 : vector<16xf32>, vector<16xi1> -> vector<16xf32>
        %reduce_sum3A_273 = vector.extract %reduce_sum3A_272[15] : f32 from vector<16xf32>
        %add3A_274 = arith.addf %while3A_96, %reduce_sum3A_273 : f32
        %reduce_sum3A_275 = arith.constant true
        %reduce_sum3A_276 = vector.broadcast %reduce_sum3A_275 : i1 to vector<16xi1>
        %reduce_sum3A_277 = tpu.scan <sum>, %add3A_270 masked %reduce_sum3A_276 : vector<16xf32>, vector<16xi1> -> vector<16xf32>
        %reduce_sum3A_278 = vector.extract %reduce_sum3A_277[15] : f32 from vector<16xf32>
        %add3A_279 = arith.addf %while3A_97, %reduce_sum3A_278 : f32
        %ge3A = arith.cmpf oge, %add3A_274, %squeeze3A : f32
        %select_n3A_280 = arith.select %ge3A, %sub3A_102, %while3A_98 : i32
        %select_n3A_281 = arith.select %ge3A, %while3A_96, %while3A_99 : f32
        %select_n3A_282 = arith.select %ge3A, %while3A_97, %while3A_100 : f32
        %add3A_283 = arith.constant 1 : i32
        %add3A_284 = arith.addi %while3A_95, %add3A_283 : i32
        scf.yield %add3A_284, %add3A_274, %add3A_279, %select_n3A_280, %select_n3A_281, %select_n3A_282, %ge3A : i32, f32, f32, i32, f32, f32, i1
      }
      %scan3A_51 = arith.constant 0 : i32
      %scan3A_52 = arith.constant 0.000000e+00 : f32
      %scan3A_53 = arith.constant 0.000000e+00 : f32
      %scan3A_54 = arith.constant 1.000000e+00 : f32
      %scan3A_55 = arith.constant 0.000000e+00 : f32
      %scan3A_56 = arith.constant false
      %scan3A_57 = arith.constant 0 : i32
      %scan3A_58 = arith.constant 16 : i32
      %scan3A_59 = arith.addi %scan3A_57, %scan3A_58 : i32
      %scan3A_60 = arith.constant 1 : i32
      %scan3A_61:8 = scf.for %scan3A_95 = %scan3A_57 to %scan3A_59 step %scan3A_60 iter_args(%scan3A_96 = %while3A_50#4, %scan3A_97 = %while3A_50#5, %scan3A_98 = %scan3A_51, %scan3A_99 = %scan3A_52, %scan3A_100 = %scan3A_53, %scan3A_101 = %scan3A_54, %scan3A_102 = %scan3A_55, %scan3A_103 = %scan3A_56) -> (f32, f32, i32, f32, f32, f32, f32, i1)  : i32 {
        %sub3A = arith.constant 15 : i32
        %sub3A_104 = arith.subi %sub3A, %scan3A_95 : i32
        %mul3A_105 = arith.constant 16 : i32
        %mul3A_106 = arith.muli %while3A_50#3, %mul3A_105 : i32
        %mul3A_107 = arith.constant 16 : i32
        %mul3A_108 = arith.muli %mul3A_106, %mul3A_107 : i32
        %mul3A_109 = arith.constant 16 : i32
        %mul3A_110 = arith.muli %sub3A_104, %mul3A_109 : i32
        %add3A_111 = arith.addi %mul3A_108, %mul3A_110 : i32
        %get3A_112 = arith.index_cast %add3A_111 : i32 to index
        %get3A_113 = tpu.vector_load %arg10[%get3A_112] {strides = array<i32>} : memref<32768xf32, #tpu.memory_space<vmem>>, vector<16xf32>,
        %get3A_114 = arith.index_cast %add3A_111 : i32 to index
        %get3A_115 = tpu.vector_load %arg11[%get3A_114] {strides = array<i32>} : memref<32768xf32, #tpu.memory_space<vmem>>, vector<16xf32>,
        %reduce_sum3A = arith.constant true
        %reduce_sum3A_116 = vector.broadcast %reduce_sum3A : i1 to vector<16xi1>
        %reduce_sum3A_117 = tpu.scan <sum>, %get3A_113 masked %reduce_sum3A_116 : vector<16xf32>, vector<16xi1> -> vector<16xf32>
        %reduce_sum3A_118 = vector.extract %reduce_sum3A_117[15] : f32 from vector<16xf32>
        %reduce_sum3A_119 = arith.constant true
        %reduce_sum3A_120 = vector.broadcast %reduce_sum3A_119 : i1 to vector<16xi1>
        %reduce_sum3A_121 = tpu.scan <sum>, %get3A_115 masked %reduce_sum3A_120 : vector<16xf32>, vector<16xi1> -> vector<16xf32>
        %reduce_sum3A_122 = vector.extract %reduce_sum3A_121[15] : f32 from vector<16xf32>
        %add3A_123 = arith.addf %scan3A_96, %reduce_sum3A_118 : f32
        %not3A = arith.constant true
        %not3A_124 = arith.xori %scan3A_103, %not3A : i1
        %ge3A = arith.cmpf oge, %add3A_123, %squeeze3A : f32
        %and3A = arith.andi %not3A_124, %ge3A : i1
        %mul3A_125 = arith.constant 16 : i32
        %mul3A_126 = arith.muli %while3A_50#3, %mul3A_125 : i32
        %add3A_127 = arith.addi %mul3A_126, %sub3A_104 : i32
        %select_n3A_128 = arith.select %and3A, %add3A_127, %scan3A_98 : i32
        %select_n3A_129 = arith.select %and3A, %scan3A_96, %scan3A_99 : f32
        %select_n3A_130 = arith.select %and3A, %scan3A_97, %scan3A_100 : f32
        %select_n3A_131 = arith.select %and3A, %reduce_sum3A_118, %scan3A_101 : f32
        %select_n3A_132 = arith.select %and3A, %reduce_sum3A_122, %scan3A_102 : f32
        %or3A = arith.ori %scan3A_103, %and3A : i1
        %add3A_133 = arith.addf %scan3A_97, %reduce_sum3A_122 : f32
        scf.yield %add3A_123, %add3A_133, %select_n3A_128, %select_n3A_129, %select_n3A_130, %select_n3A_131, %select_n3A_132, %or3A : f32, f32, i32, f32, f32, f32, f32, i1
      }
      %scan3A_62 = arith.constant 16 : i32
      %shift_left3A = arith.constant 21 : i32
      %shift_left3A_63 = arith.shli %scan3A_61#2, %shift_left3A : i32
      %bitcast_convert_type3A = arith.bitcast %shift_left3A_63 : i32 to f32
      %add3A_64 = arith.constant 1 : i32
      %add3A_65 = arith.addi %scan3A_61#2, %add3A_64 : i32
      %shift_left3A_66 = arith.constant 21 : i32
      %shift_left3A_67 = arith.shli %add3A_65, %shift_left3A_66 : i32
      %bitcast_convert_type3A_68 = arith.bitcast %shift_left3A_67 : i32 to f32
      %iota3A_69 = tpu.iota {dimensions = array<i32: 0>} : vector<16xi32>
      %eq3A = arith.constant 0 : i32
      %eq3A_70 = vector.broadcast %eq3A : i32 to vector<16xi32>
      %eq3A_71 = arith.cmpi eq, %iota3A_69, %eq3A_70 : vector<16xi32>
      %eq3A_72 = arith.constant 1 : i32
      %eq3A_73 = vector.broadcast %eq3A_72 : i32 to vector<16xi32>
      %eq3A_74 = arith.cmpi eq, %iota3A_69, %eq3A_73 : vector<16xi32>
      %eq3A_75 = arith.constant 2 : i32
      %eq3A_76 = vector.broadcast %eq3A_75 : i32 to vector<16xi32>
      %eq3A_77 = arith.cmpi eq, %iota3A_69, %eq3A_76 : vector<16xi32>
      %eq3A_78 = arith.constant 3 : i32
      %eq3A_79 = vector.broadcast %eq3A_78 : i32 to vector<16xi32>
      %eq3A_80 = arith.cmpi eq, %iota3A_69, %eq3A_79 : vector<16xi32>
      %eq3A_81 = arith.constant 4 : i32
      %eq3A_82 = vector.broadcast %eq3A_81 : i32 to vector<16xi32>
      %eq3A_83 = arith.cmpi eq, %iota3A_69, %eq3A_82 : vector<16xi32>
      %broadcast_in_dim3A_84 = vector.broadcast %bitcast_convert_type3A : f32 to vector<16xf32>
      %broadcast_in_dim3A_85 = vector.broadcast %bitcast_convert_type3A_68 : f32 to vector<16xf32>
      %select_n3A = arith.select %eq3A_83, %broadcast_in_dim3A_84, %broadcast_in_dim3A_85 : vector<16xi1>, vector<16xf32>
      %broadcast_in_dim3A_86 = vector.broadcast %scan3A_61#6 : f32 to vector<16xf32>
      %select_n3A_87 = arith.select %eq3A_80, %broadcast_in_dim3A_86, %select_n3A : vector<16xi1>, vector<16xf32>
      %broadcast_in_dim3A_88 = vector.broadcast %scan3A_61#5 : f32 to vector<16xf32>
      %select_n3A_89 = arith.select %eq3A_77, %broadcast_in_dim3A_88, %select_n3A_87 : vector<16xi1>, vector<16xf32>
      %broadcast_in_dim3A_90 = vector.broadcast %scan3A_61#3 : f32 to vector<16xf32>
      %select_n3A_91 = arith.select %eq3A_74, %broadcast_in_dim3A_90, %select_n3A_89 : vector<16xi1>, vector<16xf32>
      %broadcast_in_dim3A_92 = vector.broadcast %scan3A_61#4 : f32 to vector<16xf32>
      %select_n3A_93 = arith.select %eq3A_71, %broadcast_in_dim3A_92, %select_n3A_91 : vector<16xi1>, vector<16xf32>
      %swap3A = arith.constant 0 : index
      %swap3A_94 = tpu.vector_load %arg12[%swap3A] {strides = array<i32>} : memref<16xf32, #tpu.memory_space<vmem>>, vector<16xf32>,
      tpu.vector_store %arg12[%swap3A], %select_n3A_93 {strides = array<i32>} : memref<16xf32, #tpu.memory_space<vmem>>, vector<16xf32>,
      "tpu.region"() ({
        %run_scoped3A = tpu.sem_alloc : memref<!tpu.dma_semaphore, #tpu.memory_space<semaphore_mem>>
        %dma_start3A_95 = arith.constant 0 : i32
        %dma_start3A_96 = tpu.memref_slice %arg5[%add3A, %dma_start3A_95] : memref<32x16xf32, #tpu.memory_space<hbm>> -> memref<1x16xf32, #tpu.memory_space<hbm>>
        %dma_start3A_97 = tpu.memref_squeeze %dma_start3A_96 : memref<1x16xf32, #tpu.memory_space<hbm>> -> memref<16xf32, #tpu.memory_space<hbm>>
        %dma_start3A_98 = arith.constant 0 : i32
        %dma_start3A_99 = tpu.memref_slice %arg5[%add3A, %dma_start3A_98] : memref<32x16xf32, #tpu.memory_space<hbm>> -> memref<1x16xf32, #tpu.memory_space<hbm>>
        %dma_start3A_100 = tpu.memref_squeeze %dma_start3A_99 : memref<1x16xf32, #tpu.memory_space<hbm>> -> memref<16xf32, #tpu.memory_space<hbm>>
        tpu.enqueue_dma source(%arg12 : memref<16xf32, #tpu.memory_space<vmem>>) target(%dma_start3A_100 : memref<16xf32, #tpu.memory_space<hbm>>) target_semaphore(%run_scoped3A : memref<!tpu.dma_semaphore, #tpu.memory_space<semaphore_mem>>)
        %dma_wait3A = arith.constant 0 : i32
        %dma_wait3A_101 = tpu.memref_slice %arg5[%add3A, %dma_wait3A] : memref<32x16xf32, #tpu.memory_space<hbm>> -> memref<1x16xf32, #tpu.memory_space<hbm>>
        %dma_wait3A_102 = tpu.memref_squeeze %dma_wait3A_101 : memref<1x16xf32, #tpu.memory_space<hbm>> -> memref<16xf32, #tpu.memory_space<hbm>>
        %dma_wait3A_103 = arith.constant 0 : i32
        %dma_wait3A_104 = tpu.memref_slice %arg5[%add3A, %dma_wait3A_103] : memref<32x16xf32, #tpu.memory_space<hbm>> -> memref<1x16xf32, #tpu.memory_space<hbm>>
        %dma_wait3A_105 = tpu.memref_squeeze %dma_wait3A_104 : memref<1x16xf32, #tpu.memory_space<hbm>> -> memref<16xf32, #tpu.memory_space<hbm>>
        tpu.wait_dma2 semaphore(%run_scoped3A : memref<!tpu.dma_semaphore, #tpu.memory_space<semaphore_mem>>) src(%arg12 : memref<16xf32, #tpu.memory_space<vmem>>) dst(%dma_wait3A_105 : memref<16xf32, #tpu.memory_space<hbm>>)
        tpu.yield
      }) : () -> ()
    } else {
    }
    return
  }
}

module attributes {stable_mosaic.version = 14 : i64} {
  func.func @_tc_sums_body(%arg0: i32, %arg1: memref<1x512x512xf32, #tpu.memory_space<vmem>>, %arg2: memref<1x512x512xf32, #tpu.memory_space<vmem>>, %arg3: memref<1x512x512xf32, #tpu.memory_space<vmem>>, %arg4: memref<3xf32, #tpu.memory_space<smem>>, %arg5: memref<3xf32, #tpu.memory_space<smem>>) attributes {dimension_semantics = [#tpu.dimension_semantics<arbitrary>], iteration_bounds = array<i64: 24>, scalar_prefetch = 0 : i64, scratch_operands = 1 : i64, tpu.core_type = #tpu.core_type<tc>, window_params = [{transform_indices = @transform_0, window_bounds = array<i64: 1, 512, 512>}, {transform_indices = @transform_1, window_bounds = array<i64: 1, 512, 512>}, {transform_indices = @transform_2, window_bounds = array<i64: 1, 512, 512>}, {transform_indices = @transform_3, window_bounds = array<i64: 3>}]} {
    %get3A = arith.constant 0 : index
    %get3A_0 = arith.constant 0 : index
    %get3A_1 = arith.constant 0 : index
    %get3A_2 = vector.load %arg1[%get3A, %get3A_0, %get3A_1] : memref<1x512x512xf32, #tpu.memory_space<vmem>>, vector<1x512x512xf32>
    %get3A_3 = vector.shape_cast %get3A_2 : vector<1x512x512xf32> to vector<512x512xf32>
    %get3A_4 = arith.constant 0 : index
    %get3A_5 = arith.constant 0 : index
    %get3A_6 = arith.constant 0 : index
    %get3A_7 = vector.load %arg3[%get3A_4, %get3A_5, %get3A_6] : memref<1x512x512xf32, #tpu.memory_space<vmem>>, vector<1x512x512xf32>
    %get3A_8 = vector.shape_cast %get3A_7 : vector<1x512x512xf32> to vector<512x512xf32>
    %sub3A = arith.subf %get3A_3, %get3A_8 : vector<512x512xf32>
    %abs3A = math.absf %sub3A : vector<512x512xf32>
    %get3A_9 = arith.constant 0 : index
    %get3A_10 = arith.constant 0 : index
    %get3A_11 = arith.constant 0 : index
    %get3A_12 = vector.load %arg2[%get3A_9, %get3A_10, %get3A_11] : memref<1x512x512xf32, #tpu.memory_space<vmem>>, vector<1x512x512xf32>
    %get3A_13 = vector.shape_cast %get3A_12 : vector<1x512x512xf32> to vector<512x512xf32>
    %sub3A_14 = arith.constant 1.000000e+00 : f32
    %sub3A_15 = vector.broadcast %sub3A_14 : f32 to vector<512x512xf32>
    %sub3A_16 = arith.subf %sub3A_15, %get3A_13 : vector<512x512xf32>
    %eq3A = arith.constant 0 : i32
    %eq3A_17 = arith.cmpi eq, %arg0, %eq3A : i32
    %convert_element_type3A = arith.extui %eq3A_17 : i1 to i32
    %cond3A = arith.constant 0 : i32
    %cond3A_18 = arith.cmpi ne, %convert_element_type3A, %cond3A : i32
    scf.if %cond3A_18 {
      %swap3A_51 = arith.constant 0.000000e+00 : f32
      %swap3A_52 = arith.constant 0 : index
      %swap3A_53 = memref.load %arg5[%swap3A_52] : memref<3xf32, #tpu.memory_space<smem>>
      memref.store %swap3A_51, %arg5[%swap3A_52] : memref<3xf32, #tpu.memory_space<smem>>
      %swap3A_54 = arith.constant 0.000000e+00 : f32
      %swap3A_55 = arith.constant 1 : index
      %swap3A_56 = memref.load %arg5[%swap3A_55] : memref<3xf32, #tpu.memory_space<smem>>
      memref.store %swap3A_54, %arg5[%swap3A_55] : memref<3xf32, #tpu.memory_space<smem>>
      %swap3A_57 = arith.constant 0.000000e+00 : f32
      %swap3A_58 = arith.constant 2 : index
      %swap3A_59 = memref.load %arg5[%swap3A_58] : memref<3xf32, #tpu.memory_space<smem>>
      memref.store %swap3A_57, %arg5[%swap3A_58] : memref<3xf32, #tpu.memory_space<smem>>
    } else {
    }
    %get3A_19 = arith.constant 0 : index
    %get3A_20 = memref.load %arg5[%get3A_19] : memref<3xf32, #tpu.memory_space<smem>>
    %reduce_sum3A = vector.shape_cast %abs3A : vector<512x512xf32> to vector<1x512x512xf32>
    %reduce_sum3A_21 = arith.constant dense<0.000000e+00> : vector<1xf32>
    %reduce_sum3A_22 = vector.multi_reduction <add>, %reduce_sum3A, %reduce_sum3A_21 [1, 2] : vector<1x512x512xf32> to vector<1xf32>
    %reduce_sum3A_23 = vector.shape_cast %reduce_sum3A_22 : vector<1xf32> to vector<1x1x1xf32>
    %reduce_sum3A_24 = vector.extract %reduce_sum3A_23[0, 0, 0] : f32 from vector<1x1x1xf32>
    %add3A = arith.addf %get3A_20, %reduce_sum3A_24 : f32
    %swap3A = arith.constant 0 : index
    %swap3A_25 = memref.load %arg5[%swap3A] : memref<3xf32, #tpu.memory_space<smem>>
    memref.store %add3A, %arg5[%swap3A] : memref<3xf32, #tpu.memory_space<smem>>
    %get3A_26 = arith.constant 1 : index
    %get3A_27 = memref.load %arg5[%get3A_26] : memref<3xf32, #tpu.memory_space<smem>>
    %mul3A = arith.mulf %sub3A_16, %abs3A : vector<512x512xf32>
    %reduce_sum3A_28 = vector.shape_cast %mul3A : vector<512x512xf32> to vector<1x512x512xf32>
    %reduce_sum3A_29 = arith.constant dense<0.000000e+00> : vector<1xf32>
    %reduce_sum3A_30 = vector.multi_reduction <add>, %reduce_sum3A_28, %reduce_sum3A_29 [1, 2] : vector<1x512x512xf32> to vector<1xf32>
    %reduce_sum3A_31 = vector.shape_cast %reduce_sum3A_30 : vector<1xf32> to vector<1x1x1xf32>
    %reduce_sum3A_32 = vector.extract %reduce_sum3A_31[0, 0, 0] : f32 from vector<1x1x1xf32>
    %add3A_33 = arith.addf %get3A_27, %reduce_sum3A_32 : f32
    %swap3A_34 = arith.constant 1 : index
    %swap3A_35 = memref.load %arg5[%swap3A_34] : memref<3xf32, #tpu.memory_space<smem>>
    memref.store %add3A_33, %arg5[%swap3A_34] : memref<3xf32, #tpu.memory_space<smem>>
    %get3A_36 = arith.constant 2 : index
    %get3A_37 = memref.load %arg5[%get3A_36] : memref<3xf32, #tpu.memory_space<smem>>
    %reduce_sum3A_38 = vector.shape_cast %sub3A_16 : vector<512x512xf32> to vector<1x512x512xf32>
    %reduce_sum3A_39 = arith.constant dense<0.000000e+00> : vector<1xf32>
    %reduce_sum3A_40 = vector.multi_reduction <add>, %reduce_sum3A_38, %reduce_sum3A_39 [1, 2] : vector<1x512x512xf32> to vector<1xf32>
    %reduce_sum3A_41 = vector.shape_cast %reduce_sum3A_40 : vector<1xf32> to vector<1x1x1xf32>
    %reduce_sum3A_42 = vector.extract %reduce_sum3A_41[0, 0, 0] : f32 from vector<1x1x1xf32>
    %add3A_43 = arith.addf %get3A_37, %reduce_sum3A_42 : f32
    %swap3A_44 = arith.constant 2 : index
    %swap3A_45 = memref.load %arg5[%swap3A_44] : memref<3xf32, #tpu.memory_space<smem>>
    memref.store %add3A_43, %arg5[%swap3A_44] : memref<3xf32, #tpu.memory_space<smem>>
    %eq3A_46 = arith.constant 23 : i32
    %eq3A_47 = arith.cmpi eq, %arg0, %eq3A_46 : i32
    %convert_element_type3A_48 = arith.extui %eq3A_47 : i1 to i32
    %cond3A_49 = arith.constant 0 : i32
    %cond3A_50 = arith.cmpi ne, %convert_element_type3A_48, %cond3A_49 : i32
    scf.if %cond3A_50 {
      %get3A_51 = arith.constant 0 : index
      %get3A_52 = memref.load %arg5[%get3A_51] : memref<3xf32, #tpu.memory_space<smem>>
      %swap3A_53 = arith.constant 0 : index
      %swap3A_54 = memref.load %arg4[%swap3A_53] : memref<3xf32, #tpu.memory_space<smem>>
      memref.store %get3A_52, %arg4[%swap3A_53] : memref<3xf32, #tpu.memory_space<smem>>
      %get3A_55 = arith.constant 1 : index
      %get3A_56 = memref.load %arg5[%get3A_55] : memref<3xf32, #tpu.memory_space<smem>>
      %swap3A_57 = arith.constant 1 : index
      %swap3A_58 = memref.load %arg4[%swap3A_57] : memref<3xf32, #tpu.memory_space<smem>>
      memref.store %get3A_56, %arg4[%swap3A_57] : memref<3xf32, #tpu.memory_space<smem>>
      %get3A_59 = arith.constant 2 : index
      %get3A_60 = memref.load %arg5[%get3A_59] : memref<3xf32, #tpu.memory_space<smem>>
      %swap3A_61 = arith.constant 2 : index
      %swap3A_62 = memref.load %arg4[%swap3A_61] : memref<3xf32, #tpu.memory_space<smem>>
      memref.store %get3A_60, %arg4[%swap3A_61] : memref<3xf32, #tpu.memory_space<smem>>
    } else {
    }
    return
  }
  func.func @transform_0(%arg0: i32) -> (i32, i32, i32) {
    %c0_i32 = arith.constant 0 : i32
    %c0_i32_0 = arith.constant 0 : i32
    %c0_i32_1 = arith.constant 0 : i32
    return %arg0, %c0_i32, %c0_i32_0 : i32, i32, i32
  }
  func.func @transform_1(%arg0: i32) -> (i32, i32, i32) {
    %c0_i32 = arith.constant 0 : i32
    %c0_i32_0 = arith.constant 0 : i32
    %c0_i32_1 = arith.constant 0 : i32
    return %arg0, %c0_i32, %c0_i32_0 : i32, i32, i32
  }
  func.func @transform_2(%arg0: i32) -> (i32, i32, i32) {
    %c0_i32 = arith.constant 0 : i32
    %c0_i32_0 = arith.constant 0 : i32
    %c0_i32_1 = arith.constant 0 : i32
    return %arg0, %c0_i32, %c0_i32_0 : i32, i32, i32
  }
  func.func @transform_3(%arg0: i32) -> i32 {
    %c0_i32 = arith.constant 0 : i32
    %c0_i32_0 = arith.constant 0 : i32
    return %c0_i32 : i32
  }
}

</mosaic_0001>

<sc_bundles>
// kernel: kernel.4.cloned.1.call-start
scs
__scs_entry_jumppad:
0x0: {  	(pc) =	sbr.rel $0x88, $3  }
0x1: {  	(tag) =	ssettag $0x0;
	lr =	simm.s32 $0x1  }
0x2: {  	[smem:$0x3F9E] =	sst lr;
	_ =	strace $0xD0000000  }
0x3: {  	_ = 	snop  }
0x4: {  	_ = 	snop  }
0x5: {  	_ = 	snop  }
0x6: {  	_ = 	snop  }
0x7: {  	_ = 	snop  }
__scs_overlays_trampoline_lowered:
0x8: {  	[smem:$0x3FAD] =	sst s0  }
0x9: {  	[smem:$0x3FAE] =	sst s1  }
0xa: {  	[smem:$0x3FAF] =	sst s2  }
0xb: {  	[smem:$0x3FB0] =	sst s3  }
0xc: {  	[smem:$0x3FB1] =	sst s4  }
0xd: {  	[smem:$0x3FB2] =	sst s5  }
0xe: {  	[smem:$0x3FB3] =	sst s6  }
0xf: {  	[smem:$0x3FB4] =	sst s7  }
0x10: {  	[smem:$0x3FB5] =	sst s8  }
0x11: {  	[smem:$0x3FB6] =	sst s9;
	s0 =	simm.s32 @!p0 $0x0  }
0x12: {  	s1 =	sld [smem:$0x3F9C];
	s0 =	simm.s32 @p0 $0x1  }
0x13: {  	[smem:$0x3FB7] =	sst s0;
	s0 =	simm.s32 @!p1 $0x0  }
0x14: {  	s2 =	sld [smem:$0x3F9B];
	s0 =	simm.s32 @p1 $0x1  }
0x15: {  	[smem:$0x3FB8] =	sst s0;
	s0 =	simm.s32 @!p2 $0x0  }
0x16: {  	s3 =	sld [smem:$0x3FDB];
	s0 =	simm.s32 @p2 $0x1  }
0x17: {  	s4 =	simm.s32 $0x1BF5;
	[smem:$0x3FBA] =	sst s0  }
0x18: {  	s0 =	sld [smem:$0x3F9D];
	_ =	swait.ge [sflag:s4], $0x0  }
0x19: {  	s7 =	sld [smem:$0x3F9E]  }
0x1a: {  	s8 =	sadd.s32 $0xFFFFE003, lr  }
0x1b: {  	s9 =	sadd.s32 $0xFFFFFEF7, lr;
	s5 =	simm.s32 $0xFFFFFFFF;
	p2 =	slt.u32 s8, $0xFFFFF086  }
0x1c: {  	p1 =	slt.u32 s9, $0xF7A;
	s5 =	simm.s32 @!p2 $0x0  }
0x1d: {  	s5 =	simm.s32 @p1 $0x1;
	p0 =	seq.s32 s7, s2  }
0x1e: {  	s7 =	smul.u32 @!p0 $0xF7A, s2;
	p2 =	seq.s32 @!p0 s5, $0x0  }
0x1f: {  	s9 =	smul.u32 $0xF7A, s1;
	s8 =	simm.s32 @!p0 $0x1BF5;
	p2 =	por !p2, p0  }
0x20: {  	[sflag:s8] =	ssyncset.s32 @!p0 $0xFFFFF086;
	s6 =	sadd.s32 @!p0 s3, s7;
	s7 =	simm.s32 @!p0 $0x108  }
0x21: {  	s3 =	sadd.s32 s3, s9;
	s6 =	sadd.s32 @!p0 $0x88, s6;
	s7 =	simm.s32 @p2 $0x1082  }
0x22: {  	[simem:s7], [sflag:s8] =	dma.local @!p0 [hbm:s6], $0xF7A  }
0x23: {  	s9 =	sor.u32 $0xD0000000, s2;
	s6 =	simm.s32 $0x108;
	_ =	swait.ge @!p0 [sflag:s8], $0x0  }
0x24: {  	s3 =	sadd.s32 $0x88, s3;
	s6 =	simm.s32 @!p1 $0x1082;
	[sflag:s4] =	ssyncset.s32 $0xFFFFF086  }
0x25: {  	[simem:s6], [sflag:s4] =	dma.local [hbm:s3], $0xF7A  }
0x26: {  	[smem:$0x3F9E] =	sst s1;
	(tag) =	ssettag s2;
	_ =	strace s9  }
0x27: {  	s1 =	sld [smem:$0x3FAE]  }
0x28: {  	s2 =	sld [smem:$0x3FAF]  }
0x29: {  	s4 =	sld [smem:$0x3FB1]  }
0x2a: {  	p0 =	seq.s32 s5, $0x0;
	s5 =	sld [smem:$0x3FB2]  }
0x2b: {  	s6 =	sld [smem:$0x3FB3]  }
0x2c: {  	s7 =	sld [smem:$0x3FB4]  }
0x2d: {  	s3 =	simm.s32 $0x108;
	s8 =	sld [smem:$0x3FB5]  }
0x2e: {  	s3 =	simm.s32 @!p0 $0x1082;
	s9 =	sld [smem:$0x3FB6]  }
0x2f: {  	lr =	sadd.s32 s0, s3;
	s0 =	sld [smem:$0x3FAD]  }
0x30: {  	s3 =	sld [smem:$0x3FB0]  }
0x31: {  	[smem:$0x3FB9] =	sst s10  }
0x32: {  	s10 =	sld [smem:$0x3FB7];
	_ =	sdelay $0x3  }
0x33: {  	p0 =	seq.s32 s10, $0x1;
	s10 =	sld [smem:$0x3FB9];
	_ =	sdelay $0x3  }
0x34: {  	[smem:$0x3FB9] =	sst s10  }
0x35: {  	s10 =	sld [smem:$0x3FB8];
	_ =	sdelay $0x3  }
0x36: {  	p1 =	seq.s32 s10, $0x1;
	s10 =	sld [smem:$0x3FB9];
	_ =	sdelay $0x3  }
0x37: {  	[smem:$0x3FB9] =	sst s10  }
0x38: {  	s10 =	sld [smem:$0x3FBA]  }
0x39: {  	_ = 	snop;
	(pc) =	sbr.ind lr, $3  }
0x3a: {  	_ = 	snop  }
0x3b: {  	_ = 	snop  }
0x3c: {  	p2 =	seq.s32 s10, $0x1;
	s10 =	sld [smem:$0x3FB9]  }
0x3d: {  	_ =	shalt  }
0x3e: {  	_ =	shalt  }
0x3f: {  	_ =	shalt  }
0x40: {  	_ =	shalt  }
0x41: {  	_ =	shalt  }
0x42: {  	_ =	shalt  }
0x43: {  	_ =	shalt  }
0x44: {  	_ =	shalt  }
0x45: {  	_ =	shalt  }
0x46: {  	_ =	shalt  }
0x47: {  	_ =	shalt  }
0x48: {  	_ =	shalt  }
0x49: {  	_ =	shalt  }
0x4a: {  	_ =	shalt  }
0x4b: {  	_ =	shalt  }
0x4c: {  	_ =	shalt  }
0x4d: {  	_ =	shalt  }
0x4e: {  	_ =	shalt  }
0x4f: {  	_ =	shalt  }
0x50: {  	_ =	shalt  }
0x51: {  	_ =	shalt  }
0x52: {  	_ =	shalt  }
0x53: {  	_ =	shalt  }
0x54: {  	_ =	shalt  }
0x55: {  	_ =	shalt  }
0x56: {  	_ =	shalt  }
0x57: {  	_ =	shalt  }
0x58: {  	_ =	shalt  }
0x59: {  	_ =	shalt  }
0x5a: {  	_ =	shalt  }
0x5b: {  	_ =	shalt  }
0x5c: {  	_ =	shalt  }
0x5d: {  	_ =	shalt  }
0x5e: {  	_ =	shalt  }
0x5f: {  	_ =	shalt  }
0x60: {  	_ =	shalt  }
0x61: {  	_ =	shalt  }
0x62: {  	_ =	shalt  }
0x63: {  	_ =	shalt  }
0x64: {  	_ =	shalt  }
0x65: {  	_ =	shalt  }
0x66: {  	_ =	shalt  }
0x67: {  	_ =	shalt  }
0x68: {  	_ =	shalt  }
0x69: {  	_ =	shalt  }
0x6a: {  	_ =	shalt  }
0x6b: {  	_ =	shalt  }
0x6c: {  	_ =	shalt  }
0x6d: {  	_ =	shalt  }
0x6e: {  	_ =	shalt  }
0x6f: {  	_ =	shalt  }
0x70: {  	_ =	shalt  }
0x71: {  	_ =	shalt  }
0x72: {  	_ =	shalt  }
0x73: {  	_ =	shalt  }
0x74: {  	_ =	shalt  }
0x75: {  	_ =	shalt  }
0x76: {  	_ =	shalt  }
0x77: {  	_ =	shalt  }
0x78: {  	_ =	shalt  }
0x79: {  	_ =	shalt  }
0x7a: {  	_ =	shalt  }
0x7b: {  	_ =	shalt  }
0x7c: {  	_ =	shalt  }
0x7d: {  	_ =	shalt  }
0x7e: {  	_ =	shalt  }
0x7f: {  	_ =	shalt  }
0x80: {  	_ =	shalt  }
0x81: {  	_ =	shalt  }
0x82: {  	_ =	shalt  }
0x83: {  	_ =	shalt  }
0x84: {  	_ =	shalt  }
0x85: {  	_ =	shalt  }
0x86: {  	_ =	shalt  }
0x87: {  	_ =	shalt  }
.Lfunc_end0:
.L_simem_size_0:
called_computation_lowered:
.L_overlay_start_0:
0x88: {  	s2 =	sld [smem:$0x3FD9]  }
0x89: {  	s3 =	sld [smem:$0x3FFE];
	_ =	sdelay $0x1  }
0x8a: {  	s1 =	srdreg.scid  }
0x8b: {  	s0 =	sand.u32 $0x1, s1  }
0x8c: {  	s17 =	sshll.u32 s0, $0xA;
	s2 =	sadd.s32 s3, s2  }
0x8d: {  	s2 =	sadd.s32 s2, s17  }
0x8e: {  	[smem:$0x3FC5] =	sst s2  }
0x8f: {  	_ = 	snop  }
0x90: {  	s2 =	sld [smem:$0x3FC9]  }
0x91: {  	s18 =	sld [smem:$0x3FC7];
	(tm) =	ssettm $0x1  }
0x92: {  	s4 =	sld [smem:$0x3FFB];
	_ =	sdelay $0x3  }
0x93: {  	_ =	strace s4  }
0x94: {  	s4 =	sld [smem:$0x3FFC];
	_ =	sdelay $0x3  }
0x95: {  	_ =	strace s4  }
0x96: {  	s4 =	sld [smem:$0x3FFD];
	_ =	sdelay $0x3  }
0x97: {  	_ =	strace s4  }
0x98: {  	_ =	strace $0x8FFFFFFF  }
0x99: {  	s19 =	sld [smem:$0x3FDB];
	_ =	sdelay $0x1  }
0x9a: {  	s5 =	simm.s32 $_scs_section_size  }
0x9b: {  	s6 =	simm.s32 $_size__tile_overlayer_lowered;
	s7 =	simm.s32 $_tile_overlayer_lowered  }
0x9c: {  	s22 =	simm.s32 $0x1BFF;
	s21 =	sshll.u32 s7, $0x1;
	s4 =	sadd.s32 s5, s19  }
0x9d: {  	s8 =	simm.s32 $0x0;
	s20 =	sshll.u32 s6, $0x1;
	s6 =	sadd.s32 s21, s4  }
0x9e: {  	[timem:s8], [sflag:s22] =	dma.local [hbm:s6], s20  }
0x9f: {  	_ =	swait.ge [sflag:s22], s20  }
0xa0: {  	s5 =	ssub.s32 $0x0, s20;
	[sflag:s22] =	ssyncset.done $0x0  }
0xa1: {  	[sflag:s22] =	ssyncadd.s32 s5;
	_ =	sdelay $0x1  }
0xa2: {  	s23 =	simm.s32 $0x1B8B  }
0xa3: {  	_ =	swait.ge [sflag:s23], $0x1  }
0xa4: {  	[sflag:s23] =	ssyncset.done $0x0  }
0xa5: {  	s25 =	simm.s32 $0x1B8E;
	s24 =	sld [smem:$0x3FFE];
	[sflag:s23] =	ssyncadd.s32 $0xFFFFFFFF  }
0xa6: {  	s26 =	simm.s32 $execute0_lowered;
	[smem:$0x3FD2] =	sst s25  }
0xa7: {  	s6 =	sshll.u32 s26, $0x1;
	_ =	strace $0x80000046;
	[dreg:$0x1] =	wrdreg $0xFFFFFFFF  }
0xa8: {  	s28 =	simm.s32 $_size_execute0_lowered;
	s4 =	sadd.s32 s4, s6;
	[dreg:$0x0] =	wrdreg $0x0  }
0xa9: {  	s6 =	sshll.u32 s28, $0x1;
	[dreg:$0x2] =	wrdreg s4  }
0xaa: {  	[dreg:$0x3] =	wrdreg s6  }
0xab: {  	[dreg:$0x4] =	wrdreg $0xC0  }
0xac: {  	_ =	task [dreg:s8], $0x5FFFF  }
0xad: {  	[dreg:$0x1] =	wrdreg $0xFFFFFFFF  }
0xae: {  	[dreg:$0x0] =	wrdreg $0x60  }
0xaf: {  	[dreg:$0x2] =	wrdreg s2  }
0xb0: {  	[dreg:$0x3] =	wrdreg s18  }
0xb1: {  	[dreg:$0x4] =	wrdreg s24  }
0xb2: {  	[dreg:$0x5] =	wrdreg $0x9  }
0xb3: {  	_ =	task.clear_ibuf [dreg:s8], $0x6FFFF;
	_ =	strace $0x90000046  }
0xb4: {  	s29 =	simm.s32 $0x9;
	_ =	strace $0x80000048  }
0xb5: {  	_ =	swait.ge [sflag:s29], $0x1  }
0xb6: {  	[sflag:s29] =	ssyncadd.s32 $0xFFFFFFFF  }
0xb7: {  	_ =	strace $0x90000048  }
0xb8: {  	_ =	sfence  }
0xb9: {  	s30 =	sld [smem:$0x0];
	_ =	sdelay $0x2  }
0xba: {  	s31 =	sshll.u32 s1, $0xD;
	s1 =	sshrl.u32 s1, $0x2  }
0xbb: {  	s3 =	sand.u32 $0x4000, s31;
	s1 =	sadd.s32 s1, s30  }
0xbc: {  	s0 =	sor.u32 s3, s0;
	s1 =	sshll.u32 s1, $0x11  }
0xbd: {  	s0 =	sor.u32 s1, s0  }
0xbe: {  	s0 =	sadd.s32 $0x8F2B, s0  }
0xbf: {  	[sflag:s0] =	ssyncadd.remote.s32 $0x1  }
0xc0: {  	_ =	sfence.sel $0xFFFF  }
0xc1: {  	[dreg:$0x0] =	wrdreg $0xFFFFFFFF;
	(pc) =	sbr.abs _section_cstart, $3  }
0xc2: {  	[dreg:$0x1] =	wrdreg $0xFFFFFFFF  }
0xc3: {  	_ =	task.clear_ibuf [dreg:s8], $0x2FFFF;
	_ =	strace $0x9FFFFFFF  }
0xc4: {  	(tm) =	ssettm $0x7FFFFFFF  }
0xc5: {  	_ =	shalt  }
tec
execute0_lowered:
.L_overlay_start_1:
0x0: {  	(tag) =	ssettag $0x1  }
0x1: {  	s7 =	rddreg [dreg:$0x0]  }
0x2: {  	s8 =	rddreg [dreg:$0x1]  }
0x3: {  	s9 =	rddreg [dreg:$0x2];
	s0 =	simm.s32 $0x0  }
0x4: {  	s4 =	stileid.u32;
	s25 =	srdreg.scid;
	s20 =	simm.s32 $0x8000  }
0x5: {  	[smem:$0x7FF] =	sst s0;
	s1 =	sshll.u32 s4, $0x4;
	s0 =	sand.u32 $0x1, s25  }
0x6: {  	_ =	strace $0x80000047;
	s2 =	ssub.s32 $0x2, s0;
	s0 =	sshll.u32 s0, $0x4  }
0x7: {  	s1 =	sand.u32 $0x70, s1;
	s3 =	sshrl.u32 s2, $0x1;
	s0 =	sor.u32 s4, s0  }
0x8: {  	s1 =	sadd.s32 s1, s9;
	s2 =	ssub.s32 s2, s3;
	s4 =	sshll.u32 s0, $0xF  }
0x9: {  	s26 =	sshll.u32 s0, $0x12;
	s6 =	sshll.u32 s0, $0x4;
	s5 =	sadd.s32 s7, s4  }
0xa: {  	s28 =	sor.u32 $0x400, s4;
	s4 =	sadd.s32 s8, s4;
	[dreg:$0xe] =	wrdreg s5  }
0xb: {  	p1 =	sgt.u32 s0, $0x17;
	s31 =	sor.u32 $0x4000, s26;
	[dreg:$0xf] =	wrdreg s4  }
0xc: {  	s30 =	sand.u32 $0x180, s6;
	s3 =	sor.u32 $0x6000, s26;
	[dreg:$0x12] =	wrdreg s31  }
0xd: {  	s0 =	simm.s32 @!p1 $0x0;
	s29 =	sadd.s32 s7, s28;
	[dreg:$0x13] =	wrdreg s3  }
.Ltmp0:
0xe: {  	s5 =	sadd.s32 s8, s28;
	[dreg:$0x10] =	wrdreg s29;
	(pc) =	sbr.rel .LBB2_1-.Ltmp0, $4  }
0xf: {  	s1 =	sadd.s32 s30, s1;
	s0 =	simm.s32 @p1 $0x1;
	[dreg:$0x11] =	wrdreg s5  }
0x10: {  	s21 =	simm.s32 $0x10000;
	s1 =	sadd.s32 $0x200, s1;
	[smem:$0x7FD] =	sst s0  }
0x11: {  	v0 =	vimm.f32 $0.0e+00;
	s3 =	simm.s32 $0x3;
	[dreg:$0x14] =	wrdreg s1;
	s1 =	smax.u32 s2, $0x1  }
0x12: {  	v1 =	vlaneseq.u32;
	v2 =	vimm.f32 $1.000000000e+00;
	vm0 =	vcmask $0x3F14;
	s4 =	simm.s32 $0x0;
	s2 =	simm.s32 $0x18080;
	[dreg:$0x15] =	wrdreg s1  }
.LBB2_15:
0x13: {  	s4 =	sadd.s32 $0x1, s4  }
0x14: {  	p0 =	sne.s32 s4, s1  }
.Ltmp1:
0x15: {  	_ = 	snop;
	(pc) =	sbr.rel @!p0 .LBB2_16-.Ltmp1, $1  }
0x16: {  	_ =	sdelay $0x3  }
.LBB2_1:
0x17: {  	s0 =	simm.s32 $0x0  }
0x18: {  	[tilespmem:s2], [sflag:$0x3] =	stream.linear.gather [hbm4b:s9+s0], $0x1, $0x38;
	[tilespmem:$0x18100] =	vst v63  }
0x19: {  	_ =	swait.ge [sflag:s3], $0x1  }
0x1a: {  	[sflag:s3] =	ssyncset.done $0x0  }
0x1b: {  	[sflag:s3] =	ssyncadd.s32 $0xFFFFFFFF  }
0x1c: {  	v3 =	vld [tilespmem:$0x18080];
	_ =	sdelay $0x4  }
0x1d: {  	(v2sf) =	vpush v3, $0x0;
	_ =	sdelay $0xa  }
.Ltmp2:
0x1e: {  	_ = 	snop;
	(pc) =	sbr.rel @p1 .LBB2_15-.Ltmp2, $2  }
0x1f: {  	_ =	sdelay $0x2  }
0x20: {  	s0 =	spop (v2sf)  }
0x21: {  	[dreg:$0x17] =	wrdreg s0  }
0x22: {  	s25 =	simm.s32 $0x0;
	s1 =	rddreg [dreg:$0xe]  }
0x23: {  	[tilespmem:s25], [sflag:$0x1] =	stream.linear.gather [hbm4b:s1+s25], $0x2000, $0x38;
	[tilespmem:$0x18100] =	vst v63  }
0x24: {  	s26 =	rddreg [dreg:$0xf];
	s2 =	simm.s32 $0x2000  }
0x25: {  	[tilespmem:s2], [sflag:$0x1] =	stream.linear.gather [hbm4b:s26+s25], $0x2000, $0x38;
	[tilespmem:$0x18100] =	vst v63  }
0x26: {  	s28 =	rddreg [dreg:$0x10];
	s29 =	simm.s32 $0x4000  }
0x27: {  	[tilespmem:s29], [sflag:$0x2] =	stream.linear.gather [hbm4b:s28+s25], $0x2000, $0x38;
	[tilespmem:$0x18100] =	vst v63  }
0x28: {  	s30 =	rddreg [dreg:$0x11];
	s31 =	simm.s32 $0x6000;
	s0 =	simm.s32 $0x8040  }
0x29: {  	[tilespmem:s31], [sflag:$0x2] =	stream.linear.gather [hbm4b:s30+s25], $0x2000, $0x38;
	[tilespmem:$0x18100] =	vst v63  }
0x2a: {  	[tilespmem:s0+$0x30] =	vst v0  }
0x2b: {  	[tilespmem:s0+$0xFFFFFFF0] =	vst v0  }
0x2c: {  	[tilespmem:s0+$0xFFFFFFC0] =	vst v0  }
0x2d: {  	[tilespmem:s0+$0xFFFFFFE0] =	vst v0  }
0x2e: {  	[tilespmem:s0+$0x10] =	vst v0  }
0x2f: {  	[tilespmem:s0+$0x20] =	vst v0  }
0x30: {  	[tilespmem:s0+$0x0] =	vst v0  }
0x31: {  	s1 =	simm.s32 $0x10040;
	[tilespmem:s0+$0xFFFFFFD0] =	vst v0  }
0x32: {  	[tilespmem:s1+$0xFFFFFFC0] =	vst v0  }
0x33: {  	[tilespmem:s1+$0x30] =	vst v0  }
0x34: {  	[tilespmem:s1+$0x20] =	vst v0  }
0x35: {  	[tilespmem:s1+$0x10] =	vst v0  }
0x36: {  	[tilespmem:s1+$0xFFFFFFE0] =	vst v0  }
0x37: {  	[tilespmem:s1+$0x0] =	vst v0  }
0x38: {  	s2 =	simm.s32 $0x0;
	[tilespmem:s1+$0xFFFFFFF0] =	vst v0  }
.LBB2_3:
0x39: {  	s2 =	sadd.s32 $0x80, s2;
	[tilespmem:s1+$0xFFFFFFD0] =	vst v0;
	s0 =	sadd.s32 $0x80, s0;
	s1 =	sadd.s32 $0x80, s1  }
0x3a: {  	[tilespmem:s0+$0x30] =	vst v0;
	p1 =	slt.u32 s2, $0x7F80  }
0x3b: {  	[tilespmem:s0+$0xFFFFFFF0] =	vst v0  }
0x3c: {  	[tilespmem:s0+$0xFFFFFFC0] =	vst v0  }
0x3d: {  	[tilespmem:s1+$0xFFFFFFC0] =	vst v0  }
0x3e: {  	[tilespmem:s1+$0x30] =	vst v0  }
0x3f: {  	[tilespmem:s0+$0xFFFFFFE0] =	vst v0  }
0x40: {  	[tilespmem:s0+$0x10] =	vst v0  }
0x41: {  	[tilespmem:s0+$0x20] =	vst v0  }
0x42: {  	[tilespmem:s1+$0x20] =	vst v0  }
0x43: {  	[tilespmem:s1+$0x10] =	vst v0  }
.Ltmp3:
0x44: {  	[tilespmem:s1+$0xFFFFFFE0] =	vst v0;
	(pc) =	sbr.rel @p1 .LBB2_3-.Ltmp3, $4  }
0x45: {  	[tilespmem:s0+$0x0] =	vst v0  }
0x46: {  	[tilespmem:s1+$0x0] =	vst v0  }
0x47: {  	[tilespmem:s1+$0xFFFFFFF0] =	vst v0  }
0x48: {  	s5 =	simm.s32 $0x0;
	[tilespmem:s0+$0xFFFFFFD0] =	vst v0  }
0x49: {  	[dreg:$0x16] =	wrdreg s4  }
0x4a: {  	s0 =	simm.s32 $0x0;
	[tilespmem:s1+$0xFFFFFFD0] =	vst v0  }
0x4b: {  	[dreg:$0x18] =	wrdreg s0  }
.LBB2_5:
0x4c: {  	s2 =	simm.s32 $0x1  }
0x4d: {  	_ =	swait.ge [sflag:s2], $0x2000  }
0x4e: {  	[sflag:s2] =	ssyncset.done $0x0  }
0x4f: {  	[sflag:s2] =	ssyncadd.s32 $0xFFFFE000  }
0x50: {  	s29 =	simm.s32 $0x0;
	_ =	swait.ge [sflag:s2], $0x2000  }
0x51: {  	s1 =	sand.u32 $0xC00, s5;
	s0 =	sand.u32 $0x40, s29;
	[sflag:s2] =	ssyncset.done $0x0  }
0x52: {  	s0 =	sor.u32 s0, s1;
	[sflag:s2] =	ssyncadd.s32 $0xFFFFE000  }
0x53: {  	v3 =	vld [tilespmem:s0+$0x30]  }
0x54: {  	v4 =	vld [tilespmem:s0+$0x2030];
	_ =	sdelay $0x4  }
0x55: {  	v3 =	vsub.f32 v3, v4;
	_ =	sdelay $0x1  }
0x56: {  	v3 =	vand.u32 $0x7FFFFFFF, v3  }
0x57: {  	v4 =	vshrl.u32 v3, $0x11  }
0x58: {  	v5 =	vld [tilespmem:s0+$0x0];
	v4 =	vand.u32 $0x3FF0, v4  }
0x59: {  	v6 =	vld [tilespmem:s0+$0x2000];
	v4 =	vor.u32 v1, v4;
	_ =	sdelay $0x2  }
0x5a: {  	v7 =	vld [tilespmem:s0+$0x10]  }
0x5b: {  	v8 =	vld [tilespmem:s0+$0x2010]  }
0x5c: {  	v5 =	vsub.f32 v5, v6;
	[tilespmem:v4+s20+$0x0] =	vst.idx.add.f32.msk $0xffff, v2  }
0x5d: {  	[tilespmem:v4+s21+$0x0] =	vst.idx.add.f32.msk $0xffff, v3  }
0x5e: {  	v3 =	vand.u32 $0x7FFFFFFF, v5;
	v4 =	vld [tilespmem:s0+$0xB0]  }
0x5f: {  	v5 =	vshrl.u32 v3, $0x11;
	v6 =	vld [tilespmem:s0+$0x20B0]  }
0x60: {  	v7 =	vsub.f32 v7, v8;
	v5 =	vand.u32 $0x3FF0, v5  }
0x61: {  	v5 =	vor.u32 v1, v5  }
0x62: {  	v7 =	vand.u32 $0x7FFFFFFF, v7  }
0x63: {  	v8 =	vshrl.u32 v7, $0x11  }
0x64: {  	v9 =	vld [tilespmem:s0+$0x20];
	v8 =	vand.u32 $0x3FF0, v8;
	v4 =	vsub.f32 v4, v6  }
0x65: {  	v8 =	vor.u32 v1, v8;
	v6 =	vld [tilespmem:s0+$0x2020]  }
0x66: {  	[tilespmem:v5+s20+$0x0] =	vst.idx.add.f32.msk $0xffff, v2;
	v4 =	vand.u32 $0x7FFFFFFF, v4  }
0x67: {  	[tilespmem:v5+s21+$0x0] =	vst.idx.add.f32.msk $0xffff, v3;
	v3 =	vshrl.u32 v4, $0x11  }
0x68: {  	v5 =	vld [tilespmem:s0+$0x80];
	v3 =	vand.u32 $0x3FF0, v3  }
0x69: {  	v10 =	vld [tilespmem:s0+$0x2080];
	v3 =	vor.u32 v1, v3  }
0x6a: {  	[tilespmem:v8+s20+$0x0] =	vst.idx.add.f32.msk $0xffff, v2;
	v6 =	vsub.f32 v9, v6  }
0x6b: {  	[tilespmem:v8+s21+$0x0] =	vst.idx.add.f32.msk $0xffff, v7  }
0x6c: {  	v7 =	vld [tilespmem:s0+$0x90];
	v6 =	vand.u32 $0x7FFFFFFF, v6  }
0x6d: {  	v9 =	vld [tilespmem:s0+$0x2090];
	v8 =	vshrl.u32 v6, $0x11  }
0x6e: {  	v8 =	vand.u32 $0x3FF0, v8;
	v5 =	vsub.f32 v5, v10;
	[tilespmem:v3+s20+$0x0] =	vst.idx.add.f32.msk $0xffff, v2  }
0x6f: {  	v8 =	vor.u32 v1, v8;
	[tilespmem:v3+s21+$0x0] =	vst.idx.add.f32.msk $0xffff, v4  }
0x70: {  	v3 =	vand.u32 $0x7FFFFFFF, v5;
	v4 =	vld [tilespmem:s0+$0x130]  }
0x71: {  	v5 =	vshrl.u32 v3, $0x11;
	v10 =	vld [tilespmem:s0+$0x2130]  }
0x72: {  	v7 =	vsub.f32 v7, v9;
	v5 =	vand.u32 $0x3FF0, v5  }
0x73: {  	v5 =	vor.u32 v1, v5  }
0x74: {  	v7 =	vand.u32 $0x7FFFFFFF, v7;
	[tilespmem:v8+s20+$0x0] =	vst.idx.add.f32.msk $0xffff, v2  }
0x75: {  	[tilespmem:v8+s21+$0x0] =	vst.idx.add.f32.msk $0xffff, v6;
	v6 =	vshrl.u32 v7, $0x11  }
0x76: {  	v8 =	vld [tilespmem:s0+$0xA0];
	v6 =	vand.u32 $0x3FF0, v6;
	v4 =	vsub.f32 v4, v10  }
0x77: {  	v9 =	vld [tilespmem:s0+$0x20A0];
	v6 =	vor.u32 v1, v6  }
0x78: {  	[tilespmem:v5+s20+$0x0] =	vst.idx.add.f32.msk $0xffff, v2;
	v4 =	vand.u32 $0x7FFFFFFF, v4  }
0x79: {  	[tilespmem:v5+s21+$0x0] =	vst.idx.add.f32.msk $0xffff, v3;
	v3 =	vshrl.u32 v4, $0x11  }
0x7a: {  	v5 =	vld [tilespmem:s0+$0x100];
	v3 =	vand.u32 $0x3FF0, v3  }
0x7b: {  	v10 =	vld [tilespmem:s0+$0x2100];
	v3 =	vor.u32 v1, v3  }
0x7c: {  	v8 =	vsub.f32 v8, v9;
	[tilespmem:v6+s20+$0x0] =	vst.idx.add.f32.msk $0xffff, v2  }
0x7d: {  	[tilespmem:v6+s21+$0x0] =	vst.idx.add.f32.msk $0xffff, v7  }
0x7e: {  	v6 =	vand.u32 $0x7FFFFFFF, v8;
	v7 =	vld [tilespmem:s0+$0x110]  }
0x7f: {  	v8 =	vshrl.u32 v6, $0x11;
	v9 =	vld [tilespmem:s0+$0x2110]  }
0x80: {  	v8 =	vand.u32 $0x3FF0, v8;
	v5 =	vsub.f32 v5, v10;
	[tilespmem:v3+s20+$0x0] =	vst.idx.add.f32.msk $0xffff, v2  }
0x81: {  	v8 =	vor.u32 v1, v8;
	[tilespmem:v3+s21+$0x0] =	vst.idx.add.f32.msk $0xffff, v4  }
0x82: {  	v3 =	vand.u32 $0x7FFFFFFF, v5;
	v4 =	vld [tilespmem:s0+$0x1B0]  }
0x83: {  	v5 =	vshrl.u32 v3, $0x11;
	v10 =	vld [tilespmem:s0+$0x21B0]  }
0x84: {  	v5 =	vand.u32 $0x3FF0, v5;
	v7 =	vsub.f32 v7, v9  }
0x85: {  	v5 =	vor.u32 v1, v5  }
0x86: {  	[tilespmem:v8+s20+$0x0] =	vst.idx.add.f32.msk $0xffff, v2;
	v7 =	vand.u32 $0x7FFFFFFF, v7  }
0x87: {  	[tilespmem:v8+s21+$0x0] =	vst.idx.add.f32.msk $0xffff, v6;
	v6 =	vshrl.u32 v7, $0x11  }
0x88: {  	v8 =	vld [tilespmem:s0+$0x120];
	v6 =	vand.u32 $0x3FF0, v6;
	v4 =	vsub.f32 v4, v10  }
0x89: {  	s25 =	sand.u32 $0xFFFFFC00, s5;
	v9 =	vld [tilespmem:s0+$0x2120];
	v6 =	vor.u32 v1, v6  }
0x8a: {  	s6 =	sadd.s32 $0x0, s25;
	[tilespmem:v5+s20+$0x0] =	vst.idx.add.f32.msk $0xffff, v2;
	v4 =	vand.u32 $0x7FFFFFFF, v4  }
0x8b: {  	s1 =	sor.u32 $0x180, s6;
	[tilespmem:v5+s21+$0x0] =	vst.idx.add.f32.msk $0xffff, v3;
	v3 =	vshrl.u32 v4, $0x11  }
0x8c: {  	v5 =	vld [tilespmem:s1+$0x0];
	v3 =	vand.u32 $0x3FF0, v3  }
0x8d: {  	v10 =	vld [tilespmem:s1+$0x2000];
	v3 =	vor.u32 v1, v3  }
0x8e: {  	p1 =	por $0x0, $0x0;
	s1 =	simm.s32 $0x1;
	v8 =	vsub.f32 v8, v9;
	[tilespmem:v6+s20+$0x0] =	vst.idx.add.f32.msk $0xffff, v2  }
0x8f: {  	s1 =	simm.s32 @!p1 $0x0;
	[tilespmem:v6+s21+$0x0] =	vst.idx.add.f32.msk $0xffff, v7  }
0x90: {  	s1 =	sshll.u32 s1, $0x6;
	v6 =	vand.u32 $0x7FFFFFFF, v8;
	v7 =	vld [tilespmem:s0+$0x190]  }
0x91: {  	s3 =	sadd.s32 $0x0, s1;
	v8 =	vshrl.u32 v6, $0x11;
	v9 =	vld [tilespmem:s0+$0x2190]  }
0x92: {  	s30 =	sadd.s32 $0x30, s3;
	v8 =	vand.u32 $0x3FF0, v8;
	v5 =	vsub.f32 v5, v10;
	[tilespmem:v3+s20+$0x0] =	vst.idx.add.f32.msk $0xffff, v2  }
0x93: {  	s26 =	sor.u32 $0x200, s30;
	v8 =	vor.u32 v1, v8;
	[tilespmem:v3+s21+$0x0] =	vst.idx.add.f32.msk $0xffff, v4  }
0x94: {  	v3 =	vand.u32 $0x7FFFFFFF, v5;
	v4 =	vld [tilespmem:s26+$0x0]  }
0x95: {  	v5 =	vshrl.u32 v3, $0x11;
	v10 =	vld [tilespmem:s26+$0x2000]  }
0x96: {  	v5 =	vand.u32 $0x3FF0, v5;
	v7 =	vsub.f32 v7, v9  }
0x97: {  	v5 =	vor.u32 v1, v5  }
0x98: {  	[tilespmem:v8+s20+$0x0] =	vst.idx.add.f32.msk $0xffff, v2;
	v7 =	vand.u32 $0x7FFFFFFF, v7  }
0x99: {  	[tilespmem:v8+s21+$0x0] =	vst.idx.add.f32.msk $0xffff, v6;
	v6 =	vshrl.u32 v7, $0x11  }
0x9a: {  	v8 =	vld [tilespmem:s0+$0x1A0];
	v6 =	vand.u32 $0x3FF0, v6;
	v4 =	vsub.f32 v4, v10  }
0x9b: {  	v9 =	vld [tilespmem:s0+$0x21A0];
	v6 =	vor.u32 v1, v6  }
0x9c: {  	[tilespmem:v5+s20+$0x0] =	vst.idx.add.f32.msk $0xffff, v2;
	v4 =	vand.u32 $0x7FFFFFFF, v4  }
0x9d: {  	s28 =	sor.u32 $0x200, s3;
	[tilespmem:v5+s21+$0x0] =	vst.idx.add.f32.msk $0xffff, v3;
	v3 =	vshrl.u32 v4, $0x11  }
0x9e: {  	v5 =	vld [tilespmem:s28+$0x0];
	v3 =	vand.u32 $0x3FF0, v3  }
0x9f: {  	v10 =	vld [tilespmem:s28+$0x2000];
	v3 =	vor.u32 v1, v3  }
0xa0: {  	s1 =	sadd.s32 $0x10, s3;
	v8 =	vsub.f32 v8, v9;
	[tilespmem:v6+s20+$0x0] =	vst.idx.add.f32.msk $0xffff, v2  }
0xa1: {  	s31 =	sor.u32 $0x200, s1;
	[tilespmem:v6+s21+$0x0] =	vst.idx.add.f32.msk $0xffff, v7  }
0xa2: {  	v6 =	vand.u32 $0x7FFFFFFF, v8;
	v7 =	vld [tilespmem:s31+$0x0]  }
0xa3: {  	v8 =	vshrl.u32 v6, $0x11;
	v9 =	vld [tilespmem:s31+$0x2000]  }
0xa4: {  	v8 =	vand.u32 $0x3FF0, v8;
	v5 =	vsub.f32 v5, v10;
	[tilespmem:v3+s20+$0x0] =	vst.idx.add.f32.msk $0xffff, v2  }
0xa5: {  	s4 =	sor.u32 $0x280, s30;
	v8 =	vor.u32 v1, v8;
	[tilespmem:v3+s21+$0x0] =	vst.idx.add.f32.msk $0xffff, v4  }
0xa6: {  	v3 =	vand.u32 $0x7FFFFFFF, v5;
	v4 =	vld [tilespmem:s4+$0x0]  }
0xa7: {  	v5 =	vshrl.u32 v3, $0x11;
	v10 =	vld [tilespmem:s4+$0x2000]  }
0xa8: {  	v5 =	vand.u32 $0x3FF0, v5;
	v7 =	vsub.f32 v7, v9  }
0xa9: {  	v5 =	vor.u32 v1, v5  }
0xaa: {  	s4 =	sadd.s32 $0x20, s3;
	[tilespmem:v8+s20+$0x0] =	vst.idx.add.f32.msk $0xffff, v2;
	v7 =	vand.u32 $0x7FFFFFFF, v7  }
0xab: {  	s7 =	sor.u32 $0x200, s4;
	[tilespmem:v8+s21+$0x0] =	vst.idx.add.f32.msk $0xffff, v6;
	v6 =	vshrl.u32 v7, $0x11  }
0xac: {  	v8 =	vld [tilespmem:s7+$0x0];
	v6 =	vand.u32 $0x3FF0, v6;
	v4 =	vsub.f32 v4, v10  }
0xad: {  	v9 =	vld [tilespmem:s7+$0x2000];
	v6 =	vor.u32 v1, v6  }
0xae: {  	[tilespmem:v5+s20+$0x0] =	vst.idx.add.f32.msk $0xffff, v2;
	v4 =	vand.u32 $0x7FFFFFFF, v4  }
0xaf: {  	s8 =	sor.u32 $0x280, s3;
	[tilespmem:v5+s21+$0x0] =	vst.idx.add.f32.msk $0xffff, v3;
	v3 =	vshrl.u32 v4, $0x11  }
0xb0: {  	v5 =	vld [tilespmem:s8+$0x0];
	v3 =	vand.u32 $0x3FF0, v3  }
0xb1: {  	v10 =	vld [tilespmem:s8+$0x2000];
	v3 =	vor.u32 v1, v3  }
0xb2: {  	v8 =	vsub.f32 v8, v9;
	[tilespmem:v6+s20+$0x0] =	vst.idx.add.f32.msk $0xffff, v2  }
0xb3: {  	s9 =	sor.u32 $0x280, s1;
	[tilespmem:v6+s21+$0x0] =	vst.idx.add.f32.msk $0xffff, v7  }
0xb4: {  	v6 =	vand.u32 $0x7FFFFFFF, v8;
	v7 =	vld [tilespmem:s9+$0x0]  }
0xb5: {  	v8 =	vshrl.u32 v6, $0x11;
	v9 =	vld [tilespmem:s9+$0x2000]  }
0xb6: {  	v8 =	vand.u32 $0x3FF0, v8;
	v5 =	vsub.f32 v5, v10;
	[tilespmem:v3+s20+$0x0] =	vst.idx.add.f32.msk $0xffff, v2  }
0xb7: {  	s10 =	sor.u32 $0x300, s30;
	v8 =	vor.u32 v1, v8;
	[tilespmem:v3+s21+$0x0] =	vst.idx.add.f32.msk $0xffff, v4  }
0xb8: {  	v3 =	vand.u32 $0x7FFFFFFF, v5;
	v4 =	vld [tilespmem:s10+$0x0]  }
0xb9: {  	v5 =	vshrl.u32 v3, $0x11;
	v10 =	vld [tilespmem:s10+$0x2000]  }
0xba: {  	v5 =	vand.u32 $0x3FF0, v5;
	v7 =	vsub.f32 v7, v9  }
0xbb: {  	v5 =	vor.u32 v1, v5  }
0xbc: {  	[tilespmem:v8+s20+$0x0] =	vst.idx.add.f32.msk $0xffff, v2;
	v7 =	vand.u32 $0x7FFFFFFF, v7  }
0xbd: {  	s11 =	sor.u32 $0x280, s4;
	[tilespmem:v8+s21+$0x0] =	vst.idx.add.f32.msk $0xffff, v6;
	v6 =	vshrl.u32 v7, $0x11  }
0xbe: {  	v8 =	vld [tilespmem:s11+$0x0];
	v6 =	vand.u32 $0x3FF0, v6;
	v4 =	vsub.f32 v4, v10  }
0xbf: {  	v9 =	vld [tilespmem:s11+$0x2000];
	v6 =	vor.u32 v1, v6  }
0xc0: {  	[tilespmem:v5+s20+$0x0] =	vst.idx.add.f32.msk $0xffff, v2;
	v4 =	vand.u32 $0x7FFFFFFF, v4  }
0xc1: {  	s12 =	sor.u32 $0x300, s3;
	[tilespmem:v5+s21+$0x0] =	vst.idx.add.f32.msk $0xffff, v3;
	v3 =	vshrl.u32 v4, $0x11  }
0xc2: {  	v5 =	vld [tilespmem:s12+$0x0];
	v3 =	vand.u32 $0x3FF0, v3  }
0xc3: {  	v10 =	vld [tilespmem:s12+$0x2000];
	v3 =	vor.u32 v1, v3  }
0xc4: {  	v8 =	vsub.f32 v8, v9;
	[tilespmem:v6+s20+$0x0] =	vst.idx.add.f32.msk $0xffff, v2  }
0xc5: {  	s13 =	sor.u32 $0x300, s1;
	[tilespmem:v6+s21+$0x0] =	vst.idx.add.f32.msk $0xffff, v7  }
0xc6: {  	v6 =	vand.u32 $0x7FFFFFFF, v8;
	v7 =	vld [tilespmem:s13+$0x0]  }
0xc7: {  	v8 =	vshrl.u32 v6, $0x11;
	v9 =	vld [tilespmem:s13+$0x2000]  }
0xc8: {  	v8 =	vand.u32 $0x3FF0, v8;
	v5 =	vsub.f32 v5, v10;
	[tilespmem:v3+s20+$0x0] =	vst.idx.add.f32.msk $0xffff, v2  }
0xc9: {  	s14 =	sor.u32 $0x380, s30;
	v8 =	vor.u32 v1, v8;
	[tilespmem:v3+s21+$0x0] =	vst.idx.add.f32.msk $0xffff, v4  }
0xca: {  	v3 =	vand.u32 $0x7FFFFFFF, v5;
	v4 =	vld [tilespmem:s14+$0x0]  }
0xcb: {  	v5 =	vshrl.u32 v3, $0x11;
	v10 =	vld [tilespmem:s14+$0x2000]  }
0xcc: {  	v5 =	vand.u32 $0x3FF0, v5;
	v7 =	vsub.f32 v7, v9  }
0xcd: {  	v5 =	vor.u32 v1, v5  }
0xce: {  	[tilespmem:v8+s20+$0x0] =	vst.idx.add.f32.msk $0xffff, v2;
	v7 =	vand.u32 $0x7FFFFFFF, v7  }
0xcf: {  	s15 =	sor.u32 $0x300, s4;
	[tilespmem:v8+s21+$0x0] =	vst.idx.add.f32.msk $0xffff, v6;
	v6 =	vshrl.u32 v7, $0x11  }
0xd0: {  	v8 =	vld [tilespmem:s15+$0x0];
	v6 =	vand.u32 $0x3FF0, v6;
	v4 =	vsub.f32 v4, v10  }
0xd1: {  	v9 =	vld [tilespmem:s15+$0x2000];
	v6 =	vor.u32 v1, v6  }
0xd2: {  	[tilespmem:v5+s20+$0x0] =	vst.idx.add.f32.msk $0xffff, v2;
	v4 =	vand.u32 $0x7FFFFFFF, v4  }
0xd3: {  	s16 =	sor.u32 $0x380, s5;
	[tilespmem:v5+s21+$0x0] =	vst.idx.add.f32.msk $0xffff, v3;
	v3 =	vshrl.u32 v4, $0x11  }
0xd4: {  	v5 =	vld [tilespmem:s16+$0x0];
	v3 =	vand.u32 $0x3FF0, v3  }
0xd5: {  	v10 =	vld [tilespmem:s16+$0x2000];
	v3 =	vor.u32 v1, v3  }
0xd6: {  	v8 =	vsub.f32 v8, v9;
	[tilespmem:v6+s20+$0x0] =	vst.idx.add.f32.msk $0xffff, v2  }
0xd7: {  	s17 =	sor.u32 $0x380, s1;
	[tilespmem:v6+s21+$0x0] =	vst.idx.add.f32.msk $0xffff, v7  }
0xd8: {  	v6 =	vand.u32 $0x7FFFFFFF, v8;
	v7 =	vld [tilespmem:s17+$0x0]  }
0xd9: {  	v8 =	vshrl.u32 v6, $0x11;
	v9 =	vld [tilespmem:s17+$0x2000]  }
0xda: {  	v8 =	vand.u32 $0x3FF0, v8;
	v5 =	vsub.f32 v5, v10;
	[tilespmem:v3+s20+$0x0] =	vst.idx.add.f32.msk $0xffff, v2  }
0xdb: {  	v8 =	vor.u32 v1, v8;
	[tilespmem:v3+s21+$0x0] =	vst.idx.add.f32.msk $0xffff, v4  }
0xdc: {  	v3 =	vand.u32 $0x7FFFFFFF, v5;
	v4 =	vld [tilespmem:s0+$0x1030]  }
0xdd: {  	v5 =	vshrl.u32 v3, $0x11;
	v10 =	vld [tilespmem:s0+$0x3030]  }
0xde: {  	v5 =	vand.u32 $0x3FF0, v5;
	v7 =	vsub.f32 v7, v9  }
0xdf: {  	v5 =	vor.u32 v1, v5  }
0xe0: {  	[tilespmem:v8+s20+$0x0] =	vst.idx.add.f32.msk $0xffff, v2;
	v7 =	vand.u32 $0x7FFFFFFF, v7  }
0xe1: {  	s18 =	sor.u32 $0x380, s4;
	[tilespmem:v8+s21+$0x0] =	vst.idx.add.f32.msk $0xffff, v6;
	v6 =	vshrl.u32 v7, $0x11  }
0xe2: {  	v8 =	vld [tilespmem:s18+$0x0];
	v6 =	vand.u32 $0x3FF0, v6;
	v4 =	vsub.f32 v4, v10  }
0xe3: {  	v9 =	vld [tilespmem:s18+$0x2000];
	v6 =	vor.u32 v1, v6  }
0xe4: {  	[tilespmem:v5+s20+$0x0] =	vst.idx.add.f32.msk $0xffff, v2;
	v4 =	vand.u32 $0x7FFFFFFF, v4  }
0xe5: {  	[tilespmem:v5+s21+$0x0] =	vst.idx.add.f32.msk $0xffff, v3;
	v3 =	vshrl.u32 v4, $0x11  }
0xe6: {  	v5 =	vld [tilespmem:s0+$0x1000];
	v3 =	vand.u32 $0x3FF0, v3  }
0xe7: {  	v10 =	vld [tilespmem:s0+$0x3000];
	v3 =	vor.u32 v1, v3  }
0xe8: {  	v8 =	vsub.f32 v8, v9;
	[tilespmem:v6+s20+$0x0] =	vst.idx.add.f32.msk $0xffff, v2  }
0xe9: {  	[tilespmem:v6+s21+$0x0] =	vst.idx.add.f32.msk $0xffff, v7  }
0xea: {  	v6 =	vand.u32 $0x7FFFFFFF, v8;
	v7 =	vld [tilespmem:s0+$0x1010]  }
0xeb: {  	v8 =	vshrl.u32 v6, $0x11;
	v9 =	vld [tilespmem:s0+$0x3010]  }
0xec: {  	v8 =	vand.u32 $0x3FF0, v8;
	v5 =	vsub.f32 v5, v10;
	[tilespmem:v3+s20+$0x0] =	vst.idx.add.f32.msk $0xffff, v2  }
0xed: {  	v8 =	vor.u32 v1, v8;
	[tilespmem:v3+s21+$0x0] =	vst.idx.add.f32.msk $0xffff, v4  }
0xee: {  	v3 =	vand.u32 $0x7FFFFFFF, v5;
	v4 =	vld [tilespmem:s0+$0x10B0]  }
0xef: {  	v5 =	vshrl.u32 v3, $0x11;
	v10 =	vld [tilespmem:s0+$0x30B0]  }
0xf0: {  	v5 =	vand.u32 $0x3FF0, v5;
	v7 =	vsub.f32 v7, v9  }
0xf1: {  	v5 =	vor.u32 v1, v5  }
0xf2: {  	[tilespmem:v8+s20+$0x0] =	vst.idx.add.f32.msk $0xffff, v2;
	v7 =	vand.u32 $0x7FFFFFFF, v7  }
0xf3: {  	[tilespmem:v8+s21+$0x0] =	vst.idx.add.f32.msk $0xffff, v6;
	v6 =	vshrl.u32 v7, $0x11  }
0xf4: {  	v8 =	vld [tilespmem:s0+$0x1020];
	v6 =	vand.u32 $0x3FF0, v6;
	v4 =	vsub.f32 v4, v10  }
0xf5: {  	v9 =	vld [tilespmem:s0+$0x3020];
	v6 =	vor.u32 v1, v6  }
0xf6: {  	[tilespmem:v5+s20+$0x0] =	vst.idx.add.f32.msk $0xffff, v2;
	v4 =	vand.u32 $0x7FFFFFFF, v4  }
0xf7: {  	[tilespmem:v5+s21+$0x0] =	vst.idx.add.f32.msk $0xffff, v3;
	v3 =	vshrl.u32 v4, $0x11  }
0xf8: {  	v5 =	vld [tilespmem:s0+$0x1080];
	v3 =	vand.u32 $0x3FF0, v3  }
0xf9: {  	v10 =	vld [tilespmem:s0+$0x3080];
	v3 =	vor.u32 v1, v3  }
0xfa: {  	v8 =	vsub.f32 v8, v9;
	[tilespmem:v6+s20+$0x0] =	vst.idx.add.f32.msk $0xffff, v2  }
0xfb: {  	[tilespmem:v6+s21+$0x0] =	vst.idx.add.f32.msk $0xffff, v7  }
0xfc: {  	v6 =	vand.u32 $0x7FFFFFFF, v8;
	v7 =	vld [tilespmem:s0+$0x1090]  }
0xfd: {  	v8 =	vshrl.u32 v6, $0x11;
	v9 =	vld [tilespmem:s0+$0x3090]  }
0xfe: {  	v8 =	vand.u32 $0x3FF0, v8;
	v5 =	vsub.f32 v5, v10;
	[tilespmem:v3+s20+$0x0] =	vst.idx.add.f32.msk $0xffff, v2  }
0xff: {  	v8 =	vor.u32 v1, v8;
	[tilespmem:v3+s21+$0x0] =	vst.idx.add.f32.msk $0xffff, v4  }
0x100: {  	v3 =	vand.u32 $0x7FFFFFFF, v5;
	v4 =	vld [tilespmem:s0+$0x1130]  }
0x101: {  	v5 =	vshrl.u32 v3, $0x11;
	v10 =	vld [tilespmem:s0+$0x3130]  }
0x102: {  	v5 =	vand.u32 $0x3FF0, v5;
	v7 =	vsub.f32 v7, v9  }
0x103: {  	v5 =	vor.u32 v1, v5  }
0x104: {  	[tilespmem:v8+s20+$0x0] =	vst.idx.add.f32.msk $0xffff, v2;
	v7 =	vand.u32 $0x7FFFFFFF, v7  }
0x105: {  	[tilespmem:v8+s21+$0x0] =	vst.idx.add.f32.msk $0xffff, v6;
	v6 =	vshrl.u32 v7, $0x11  }
0x106: {  	v8 =	vld [tilespmem:s0+$0x10A0];
	v6 =	vand.u32 $0x3FF0, v6;
	v4 =	vsub.f32 v4, v10  }
0x107: {  	v9 =	vld [tilespmem:s0+$0x30A0];
	v6 =	vor.u32 v1, v6  }
0x108: {  	[tilespmem:v5+s20+$0x0] =	vst.idx.add.f32.msk $0xffff, v2;
	v4 =	vand.u32 $0x7FFFFFFF, v4  }
0x109: {  	[tilespmem:v5+s21+$0x0] =	vst.idx.add.f32.msk $0xffff, v3;
	v3 =	vshrl.u32 v4, $0x11  }
0x10a: {  	v5 =	vld [tilespmem:s0+$0x1100];
	v3 =	vand.u32 $0x3FF0, v3  }
0x10b: {  	v10 =	vld [tilespmem:s0+$0x3100];
	v3 =	vor.u32 v1, v3  }
0x10c: {  	v8 =	vsub.f32 v8, v9;
	[tilespmem:v6+s20+$0x0] =	vst.idx.add.f32.msk $0xffff, v2  }
0x10d: {  	[tilespmem:v6+s21+$0x0] =	vst.idx.add.f32.msk $0xffff, v7  }
0x10e: {  	v6 =	vand.u32 $0x7FFFFFFF, v8;
	v7 =	vld [tilespmem:s0+$0x1110]  }
0x10f: {  	v8 =	vshrl.u32 v6, $0x11;
	v9 =	vld [tilespmem:s0+$0x3110]  }
0x110: {  	v8 =	vand.u32 $0x3FF0, v8;
	v5 =	vsub.f32 v5, v10;
	[tilespmem:v3+s20+$0x0] =	vst.idx.add.f32.msk $0xffff, v2  }
0x111: {  	v8 =	vor.u32 v1, v8;
	[tilespmem:v3+s21+$0x0] =	vst.idx.add.f32.msk $0xffff, v4  }
0x112: {  	v3 =	vand.u32 $0x7FFFFFFF, v5;
	v4 =	vld [tilespmem:s0+$0x11B0]  }
0x113: {  	v5 =	vshrl.u32 v3, $0x11;
	v10 =	vld [tilespmem:s0+$0x31B0]  }
0x114: {  	v5 =	vand.u32 $0x3FF0, v5;
	v7 =	vsub.f32 v7, v9  }
0x115: {  	v5 =	vor.u32 v1, v5  }
0x116: {  	[tilespmem:v8+s20+$0x0] =	vst.idx.add.f32.msk $0xffff, v2;
	v7 =	vand.u32 $0x7FFFFFFF, v7  }
0x117: {  	[tilespmem:v8+s21+$0x0] =	vst.idx.add.f32.msk $0xffff, v6;
	v6 =	vshrl.u32 v7, $0x11  }
0x118: {  	v8 =	vld [tilespmem:s0+$0x1120];
	v6 =	vand.u32 $0x3FF0, v6;
	v4 =	vsub.f32 v4, v10  }
0x119: {  	v9 =	vld [tilespmem:s0+$0x3120];
	v6 =	vor.u32 v1, v6  }
0x11a: {  	[tilespmem:v5+s20+$0x0] =	vst.idx.add.f32.msk $0xffff, v2;
	v4 =	vand.u32 $0x7FFFFFFF, v4  }
0x11b: {  	s19 =	sor.u32 $0x1180, s6;
	[tilespmem:v5+s21+$0x0] =	vst.idx.add.f32.msk $0xffff, v3;
	v3 =	vshrl.u32 v4, $0x11  }
0x11c: {  	v5 =	vld [tilespmem:s19+$0x0];
	v3 =	vand.u32 $0x3FF0, v3  }
0x11d: {  	v10 =	vld [tilespmem:s19+$0x2000];
	v3 =	vor.u32 v1, v3  }
0x11e: {  	v8 =	vsub.f32 v8, v9;
	[tilespmem:v6+s20+$0x0] =	vst.idx.add.f32.msk $0xffff, v2  }
0x11f: {  	[tilespmem:v6+s21+$0x0] =	vst.idx.add.f32.msk $0xffff, v7  }
0x120: {  	v6 =	vand.u32 $0x7FFFFFFF, v8;
	v7 =	vld [tilespmem:s0+$0x1190]  }
0x121: {  	v8 =	vshrl.u32 v6, $0x11;
	v9 =	vld [tilespmem:s0+$0x3190]  }
0x122: {  	v8 =	vand.u32 $0x3FF0, v8;
	v5 =	vsub.f32 v5, v10;
	[tilespmem:v3+s20+$0x0] =	vst.idx.add.f32.msk $0xffff, v2  }
0x123: {  	s22 =	sor.u32 $0x1200, s30;
	v8 =	vor.u32 v1, v8;
	[tilespmem:v3+s21+$0x0] =	vst.idx.add.f32.msk $0xffff, v4  }
0x124: {  	v3 =	vand.u32 $0x7FFFFFFF, v5;
	v4 =	vld [tilespmem:s22+$0x0]  }
0x125: {  	v5 =	vshrl.u32 v3, $0x11;
	v10 =	vld [tilespmem:s22+$0x2000]  }
0x126: {  	v5 =	vand.u32 $0x3FF0, v5;
	v7 =	vsub.f32 v7, v9  }
0x127: {  	v5 =	vor.u32 v1, v5  }
0x128: {  	[tilespmem:v8+s20+$0x0] =	vst.idx.add.f32.msk $0xffff, v2;
	v7 =	vand.u32 $0x7FFFFFFF, v7  }
0x129: {  	[tilespmem:v8+s21+$0x0] =	vst.idx.add.f32.msk $0xffff, v6;
	v6 =	vshrl.u32 v7, $0x11  }
0x12a: {  	v8 =	vld [tilespmem:s0+$0x11A0];
	v6 =	vand.u32 $0x3FF0, v6;
	v4 =	vsub.f32 v4, v10  }
0x12b: {  	v9 =	vld [tilespmem:s0+$0x31A0];
	v6 =	vor.u32 v1, v6  }
0x12c: {  	[tilespmem:v5+s20+$0x0] =	vst.idx.add.f32.msk $0xffff, v2;
	v4 =	vand.u32 $0x7FFFFFFF, v4  }
0x12d: {  	s23 =	sor.u32 $0x1200, s3;
	[tilespmem:v5+s21+$0x0] =	vst.idx.add.f32.msk $0xffff, v3;
	v3 =	vshrl.u32 v4, $0x11  }
0x12e: {  	v5 =	vld [tilespmem:s23+$0x0];
	v3 =	vand.u32 $0x3FF0, v3  }
0x12f: {  	v10 =	vld [tilespmem:s23+$0x2000];
	v3 =	vor.u32 v1, v3  }
0x130: {  	v8 =	vsub.f32 v8, v9;
	[tilespmem:v6+s20+$0x0] =	vst.idx.add.f32.msk $0xffff, v2  }
0x131: {  	s24 =	sor.u32 $0x1200, s1;
	[tilespmem:v6+s21+$0x0] =	vst.idx.add.f32.msk $0xffff, v7  }
0x132: {  	v6 =	vand.u32 $0x7FFFFFFF, v8;
	v7 =	vld [tilespmem:s24+$0x0]  }
0x133: {  	v8 =	vshrl.u32 v6, $0x11;
	v9 =	vld [tilespmem:s24+$0x2000]  }
0x134: {  	v8 =	vand.u32 $0x3FF0, v8;
	v5 =	vsub.f32 v5, v10;
	[tilespmem:v3+s20+$0x0] =	vst.idx.add.f32.msk $0xffff, v2  }
0x135: {  	s25 =	sor.u32 $0x1280, s30;
	v8 =	vor.u32 v1, v8;
	[tilespmem:v3+s21+$0x0] =	vst.idx.add.f32.msk $0xffff, v4  }
0x136: {  	v3 =	vand.u32 $0x7FFFFFFF, v5;
	v4 =	vld [tilespmem:s25+$0x0]  }
0x137: {  	v5 =	vshrl.u32 v3, $0x11;
	v10 =	vld [tilespmem:s25+$0x2000]  }
0x138: {  	v5 =	vand.u32 $0x3FF0, v5;
	v7 =	vsub.f32 v7, v9  }
0x139: {  	v5 =	vor.u32 v1, v5  }
0x13a: {  	[tilespmem:v8+s20+$0x0] =	vst.idx.add.f32.msk $0xffff, v2;
	v7 =	vand.u32 $0x7FFFFFFF, v7  }
0x13b: {  	s26 =	sor.u32 $0x1200, s4;
	[tilespmem:v8+s21+$0x0] =	vst.idx.add.f32.msk $0xffff, v6;
	v6 =	vshrl.u32 v7, $0x11  }
0x13c: {  	v8 =	vld [tilespmem:s26+$0x0];
	v6 =	vand.u32 $0x3FF0, v6;
	v4 =	vsub.f32 v4, v10  }
0x13d: {  	v9 =	vld [tilespmem:s26+$0x2000];
	v6 =	vor.u32 v1, v6  }
0x13e: {  	[tilespmem:v5+s20+$0x0] =	vst.idx.add.f32.msk $0xffff, v2;
	v4 =	vand.u32 $0x7FFFFFFF, v4  }
0x13f: {  	s28 =	sor.u32 $0x1280, s3;
	[tilespmem:v5+s21+$0x0] =	vst.idx.add.f32.msk $0xffff, v3;
	v3 =	vshrl.u32 v4, $0x11  }
0x140: {  	v5 =	vld [tilespmem:s28+$0x0];
	v3 =	vand.u32 $0x3FF0, v3  }
0x141: {  	v10 =	vld [tilespmem:s28+$0x2000];
	v11 =	vor.u32 v1, v3  }
0x142: {  	[tilespmem:v6+s20+$0x0] =	vst.idx.add.f32.msk $0xffff, v2  }
0x143: {  	s31 =	sor.u32 $0x1280, s1;
	v3 =	vsub.f32 v8, v9;
	[tilespmem:v6+s21+$0x0] =	vst.idx.add.f32.msk $0xffff, v7  }
0x144: {  	v6 =	vld [tilespmem:s31+$0x0]  }
0x145: {  	s5 =	simm.s32 $0x0;
	s6 =	sor.u32 $0x1300, s1;
	v3 =	vand.u32 $0x7FFFFFFF, v3;
	v7 =	vld [tilespmem:s31+$0x2000]  }
0x146: {  	s2 =	sor.u32 $0x1380, s1;
	s1 =	sor.u32 $0x1300, s30;
	s7 =	sor.u32 $0x1300, s3;
	v8 =	vshrl.u32 v3, $0x11;
	v5 =	vsub.f32 v5, v10;
	[tilespmem:v11+s20+$0x0] =	vst.idx.add.f32.msk $0xffff, v2  }
0x147: {  	s3 =	sor.u32 $0x1380, s4;
	s12 =	sor.u32 $0x1280, s4;
	s14 =	simm.s32 $0x0;
	v8 =	vand.u32 $0x3FF0, v8;
	[tilespmem:v11+s21+$0x0] =	vst.idx.add.f32.msk $0xffff, v4  }
0x148: {  	s16 =	sor.u32 $0x1300, s4;
	s4 =	simm.s32 $0x0;
	s23 =	simm.s32 $0x0;
	v8 =	vor.u32 v1, v8;
	v4 =	vand.u32 $0x7FFFFFFF, v5;
	v5 =	vld [tilespmem:s1+$0x0]  }
.LBB2_6:
0x149: {  	_ =	sdelay $0x2  }
0x14a: {  	s29 =	sadd.s32 $0x40, s29;
	v10 =	vld [tilespmem:s1+$0x2000];
	s23 =	sadd.s32 $0x200, s23  }
0x14b: {  	[tilespmem:v8+s20+$0x0] =	vst.idx.add.f32.msk $0xffff, v2;
	s28 =	sand.u32 $0x40, s29;
	s31 =	sand.u32 $0xC00, s23  }
0x14c: {  	[tilespmem:v8+s21+$0x0] =	vst.idx.add.f32.msk $0xffff, v3;
	s8 =	sor.u32 s28, s31;
	v6 =	vsub.f32 v6, v7  }
0x14d: {  	v8 =	vld [tilespmem:s8+$0x30]  }
0x14e: {  	v3 =	vand.u32 $0x7FFFFFFF, v6;
	v6 =	vld [tilespmem:s8+$0x2030]  }
0x14f: {  	v9 =	vshrl.u32 v4, $0x11;
	v17 =	vld [tilespmem:s12+$0x2000];
	v5 =	vsub.f32 v5, v10  }
0x150: {  	v9 =	vand.u32 $0x3FF0, v9;
	v11 =	vld [tilespmem:s8+$0x0]  }
0x151: {  	v12 =	vld [tilespmem:s8+$0x10];
	v7 =	vor.u32 v1, v9;
	v5 =	vand.u32 $0x7FFFFFFF, v5  }
0x152: {  	v10 =	vld [tilespmem:s8+$0x2000];
	v14 =	vshrl.u32 v5, $0x11  }
0x153: {  	v13 =	vld [tilespmem:s8+$0x2010];
	v6 =	vsub.f32 v8, v6;
	v8 =	vand.u32 $0x3FF0, v14  }
0x154: {  	v15 =	vld [tilespmem:s8+$0x20];
	v8 =	vor.u32 v1, v8  }
0x155: {  	v52 =	vld [tilespmem:s8+$0x2020];
	v6 =	vand.u32 $0x7FFFFFFF, v6  }
0x156: {  	[tilespmem:v7+s20+$0x0] =	vst.idx.add.f32.msk $0xffff, v2;
	v16 =	vshrl.u32 v6, $0x11  }
0x157: {  	v10 =	vsub.f32 v11, v10;
	v11 =	vld [tilespmem:s12+$0x0];
	v53 =	vand.u32 $0x3FF0, v16  }
0x158: {  	v12 =	vsub.f32 v12, v13;
	[tilespmem:v7+s21+$0x0] =	vst.idx.add.f32.msk $0xffff, v4;
	v13 =	vor.u32 v1, v53  }
0x159: {  	v10 =	vand.u32 $0x7FFFFFFF, v10;
	[tilespmem:v8+s20+$0x0] =	vst.idx.add.f32.msk $0xffff, v2  }
0x15a: {  	s9 =	sor.u32 $0x1380, s30;
	v54 =	vshrl.u32 v10, $0x11;
	[tilespmem:v8+s21+$0x0] =	vst.idx.add.f32.msk $0xffff, v5  }
0x15b: {  	v7 =	vand.u32 $0x7FFFFFFF, v12;
	v4 =	vand.u32 $0x3FF0, v54;
	v57 =	vld [tilespmem:s9+$0x0]  }
0x15c: {  	v55 =	vsub.f32 v15, v52;
	v56 =	vshrl.u32 v7, $0x11;
	v4 =	vor.u32 v1, v4;
	v59 =	vld [tilespmem:s9+$0x2000]  }
0x15d: {  	v5 =	vand.u32 $0x3FF0, v56;
	[tilespmem:v13+s20+$0x0] =	vst.idx.add.f32.msk $0xffff, v2  }
0x15e: {  	v8 =	vand.u32 $0x7FFFFFFF, v55;
	v5 =	vor.u32 v1, v5;
	[tilespmem:v13+s21+$0x0] =	vst.idx.add.f32.msk $0xffff, v6  }
0x15f: {  	v58 =	vshrl.u32 v8, $0x11;
	v13 =	vld [tilespmem:s8+$0xB0]  }
0x160: {  	v14 =	vand.u32 $0x3FF0, v58;
	v60 =	vld [tilespmem:s8+$0x20B0]  }
0x161: {  	[tilespmem:v4+s20+$0x0] =	vst.idx.add.f32.msk $0xffff, v2;
	v14 =	vor.u32 v1, v14;
	v12 =	vsub.f32 v57, v59  }
0x162: {  	[tilespmem:v4+s21+$0x0] =	vst.idx.add.f32.msk $0xffff, v10  }
0x163: {  	[tilespmem:v5+s20+$0x0] =	vst.idx.add.f32.msk $0xffff, v2;
	v4 =	vand.u32 $0x7FFFFFFF, v12  }
0x164: {  	[tilespmem:v5+s21+$0x0] =	vst.idx.add.f32.msk $0xffff, v7;
	v5 =	vshrl.u32 v4, $0x11  }
0x165: {  	v10 =	vld [tilespmem:s8+$0x2080];
	v7 =	vsub.f32 v13, v60;
	v5 =	vand.u32 $0x3FF0, v5  }
0x166: {  	[tilespmem:v14+s20+$0x0] =	vst.idx.add.f32.msk $0xffff, v2;
	v5 =	vor.u32 v1, v5  }
0x167: {  	[tilespmem:v14+s21+$0x0] =	vst.idx.add.f32.msk $0xffff, v8;
	v7 =	vand.u32 $0x7FFFFFFF, v7  }
0x168: {  	v8 =	vld [tilespmem:s8+$0x80];
	v61 =	vshrl.u32 v7, $0x11  }
0x169: {  	v62 =	vld [tilespmem:s8+$0x90];
	v12 =	vand.u32 $0x3FF0, v61  }
0x16a: {  	v63 =	vld [tilespmem:s8+$0x2090];
	v12 =	vor.u32 v1, v12  }
0x16b: {  	v11 =	vsub.f32 v11, v17;
	[tilespmem:v5+s20+$0x0] =	vst.idx.add.f32.msk $0xffff, v2  }
0x16c: {  	v9 =	vshrl.u32 v3, $0x11;
	[tilespmem:v5+s21+$0x0] =	vst.idx.add.f32.msk $0xffff, v4  }
0x16d: {  	v9 =	vand.u32 $0x3FF0, v9;
	v11 =	vand.u32 $0x7FFFFFFF, v11;
	v4 =	vsub.f32 v8, v10;
	v5 =	vld [tilespmem:s8+$0xA0]  }
0x16e: {  	v9 =	vor.u32 v1, v9;
	v6 =	vshrl.u32 v11, $0x11;
	v8 =	vld [tilespmem:s8+$0x20A0]  }
0x16f: {  	v6 =	vand.u32 $0x3FF0, v6;
	v10 =	vsub.f32 v62, v63;
	v4 =	vand.u32 $0x7FFFFFFF, v4;
	[tilespmem:v12+s20+$0x0] =	vst.idx.add.f32.msk $0xffff, v2  }
0x170: {  	v6 =	vor.u32 v1, v6;
	v16 =	vshrl.u32 v4, $0x11;
	[tilespmem:v12+s21+$0x0] =	vst.idx.add.f32.msk $0xffff, v7  }
0x171: {  	v10 =	vand.u32 $0x7FFFFFFF, v10;
	v7 =	vand.u32 $0x3FF0, v16;
	v12 =	vld [tilespmem:s8+$0x130]  }
0x172: {  	v17 =	vshrl.u32 v10, $0x11;
	v7 =	vor.u32 v1, v7;
	v18 =	vld [tilespmem:s8+$0x2130]  }
0x173: {  	[tilespmem:v9+s20+$0x0] =	vst.idx.add.f32.msk $0xffff, v2;
	v13 =	vand.u32 $0x3FF0, v17;
	v5 =	vsub.f32 v5, v8  }
0x174: {  	[tilespmem:v9+s21+$0x0] =	vst.idx.add.f32.msk $0xffff, v3;
	v8 =	vor.u32 v1, v13  }
0x175: {  	[tilespmem:v6+s20+$0x0] =	vst.idx.add.f32.msk $0xffff, v2;
	v3 =	vand.u32 $0x7FFFFFFF, v5  }
0x176: {  	[tilespmem:v6+s21+$0x0] =	vst.idx.add.f32.msk $0xffff, v11;
	v5 =	vshrl.u32 v3, $0x11  }
0x177: {  	v5 =	vand.u32 $0x3FF0, v5;
	[tilespmem:v7+s20+$0x0] =	vst.idx.add.f32.msk $0xffff, v2;
	v6 =	vsub.f32 v12, v18  }
0x178: {  	[tilespmem:v7+s21+$0x0] =	vst.idx.add.f32.msk $0xffff, v4;
	v4 =	vor.u32 v1, v5  }
0x179: {  	[tilespmem:v8+s20+$0x0] =	vst.idx.add.f32.msk $0xffff, v2;
	v5 =	vand.u32 $0x7FFFFFFF, v6  }
0x17a: {  	[tilespmem:v8+s21+$0x0] =	vst.idx.add.f32.msk $0xffff, v10;
	v6 =	vshrl.u32 v5, $0x11  }
0x17b: {  	v7 =	vld [tilespmem:s8+$0x100];
	v6 =	vand.u32 $0x3FF0, v6  }
0x17c: {  	v8 =	vld [tilespmem:s8+$0x2100];
	v6 =	vor.u32 v1, v6  }
0x17d: {  	[tilespmem:v4+s20+$0x0] =	vst.idx.add.f32.msk $0xffff, v2  }
0x17e: {  	[tilespmem:v4+s21+$0x0] =	vst.idx.add.f32.msk $0xffff, v3  }
0x17f: {  	v3 =	vld [tilespmem:s8+$0x110]  }
0x180: {  	v4 =	vld [tilespmem:s8+$0x2110]  }
0x181: {  	v7 =	vsub.f32 v7, v8;
	[tilespmem:v6+s20+$0x0] =	vst.idx.add.f32.msk $0xffff, v2  }
0x182: {  	[tilespmem:v6+s21+$0x0] =	vst.idx.add.f32.msk $0xffff, v5  }
0x183: {  	v5 =	vand.u32 $0x7FFFFFFF, v7;
	v6 =	vld [tilespmem:s8+$0x1B0]  }
0x184: {  	v7 =	vshrl.u32 v5, $0x11;
	v8 =	vld [tilespmem:s8+$0x21B0]  }
0x185: {  	v9 =	vld [tilespmem:s8+$0x2120];
	v3 =	vsub.f32 v3, v4;
	v7 =	vand.u32 $0x3FF0, v7  }
0x186: {  	v4 =	vld [tilespmem:s8+$0x120];
	v7 =	vor.u32 v1, v7  }
0x187: {  	v10 =	vld [tilespmem:s7+$0x0];
	v3 =	vand.u32 $0x7FFFFFFF, v3  }
0x188: {  	v19 =	vld [tilespmem:s7+$0x2000];
	v11 =	vshrl.u32 v3, $0x11  }
0x189: {  	v20 =	vld [tilespmem:s6+$0x2000];
	v11 =	vand.u32 $0x3FF0, v11;
	v6 =	vsub.f32 v6, v8  }
0x18a: {  	s14 =	sadd.s32 $0x40, s14;
	s26 =	sand.u32 $0xFFFFFC00, s23;
	v8 =	vld [tilespmem:s6+$0x0];
	v11 =	vor.u32 v1, v11  }
0x18b: {  	s0 =	sadd.s32 s26, s14;
	v4 =	vsub.f32 v4, v9;
	[tilespmem:v7+s20+$0x0] =	vst.idx.add.f32.msk $0xffff, v2;
	v9 =	vand.u32 $0x7FFFFFFF, v6  }
0x18c: {  	s1 =	sor.u32 $0x180, s0;
	[tilespmem:v7+s21+$0x0] =	vst.idx.add.f32.msk $0xffff, v5;
	v5 =	vshrl.u32 v9, $0x11  }
0x18d: {  	v21 =	vand.u32 $0x7FFFFFFF, v4;
	v7 =	vld [tilespmem:s1+$0x0];
	v4 =	vand.u32 $0x3FF0, v5  }
0x18e: {  	v5 =	vsub.f32 v10, v19;
	v10 =	vld [tilespmem:s1+$0x2000];
	v4 =	vor.u32 v1, v4  }
0x18f: {  	p1 =	por !p1, !p1;
	v6 =	vshrl.u32 v21, $0x11;
	s1 =	simm.s32 $0x1;
	[tilespmem:v11+s20+$0x0] =	vst.idx.add.f32.msk $0xffff, v2  }
0x190: {  	v22 =	vand.u32 $0x3FF0, v6;
	s1 =	simm.s32 @!p1 $0x0;
	v6 =	vand.u32 $0x7FFFFFFF, v5;
	v5 =	vsub.f32 v8, v20;
	[tilespmem:v11+s21+$0x0] =	vst.idx.add.f32.msk $0xffff, v3  }
0x191: {  	s1 =	sshll.u32 s1, $0x6;
	v3 =	vshrl.u32 v6, $0x11;
	v11 =	vld [tilespmem:s8+$0x190]  }
0x192: {  	v8 =	vor.u32 v1, v22;
	s1 =	sadd.s32 s1, s23;
	v23 =	vand.u32 $0x3FF0, v3;
	v3 =	vand.u32 $0x7FFFFFFF, v5;
	v5 =	vld [tilespmem:s8+$0x2190]  }
0x193: {  	s30 =	sadd.s32 $0x30, s1;
	v7 =	vsub.f32 v7, v10;
	[tilespmem:v4+s20+$0x0] =	vst.idx.add.f32.msk $0xffff, v2  }
0x194: {  	v24 =	vshrl.u32 v3, $0x11;
	s10 =	sor.u32 $0x200, s30;
	[tilespmem:v4+s21+$0x0] =	vst.idx.add.f32.msk $0xffff, v9  }
0x195: {  	v10 =	vand.u32 $0x3FF0, v24;
	v7 =	vand.u32 $0x7FFFFFFF, v7;
	v9 =	vld [tilespmem:s10+$0x0]  }
0x196: {  	v4 =	vor.u32 v1, v10;
	v10 =	vshrl.u32 v7, $0x11;
	v25 =	vld [tilespmem:s10+$0x2000]  }
0x197: {  	[tilespmem:v8+s20+$0x0] =	vst.idx.add.f32.msk $0xffff, v2;
	v10 =	vand.u32 $0x3FF0, v10;
	v5 =	vsub.f32 v11, v5  }
0x198: {  	[tilespmem:v8+s21+$0x0] =	vst.idx.add.f32.msk $0xffff, v21;
	v10 =	vor.u32 v1, v10  }
0x199: {  	v8 =	vld [tilespmem:s8+$0x1A0];
	v5 =	vand.u32 $0x7FFFFFFF, v5  }
0x19a: {  	v14 =	vld [tilespmem:s8+$0x21A0];
	v11 =	vshrl.u32 v5, $0x11  }
0x19b: {  	v26 =	vld [tilespmem:s16+$0x0];
	v11 =	vand.u32 $0x3FF0, v11;
	v9 =	vsub.f32 v9, v25  }
0x19c: {  	v27 =	vld [tilespmem:s16+$0x2000];
	v11 =	vor.u32 v1, v11  }
0x19d: {  	[tilespmem:v10+s20+$0x0] =	vst.idx.add.f32.msk $0xffff, v2;
	v9 =	vand.u32 $0x7FFFFFFF, v9  }
0x19e: {  	s13 =	sor.u32 $0x200, s1;
	[tilespmem:v10+s21+$0x0] =	vst.idx.add.f32.msk $0xffff, v7;
	v7 =	vshrl.u32 v9, $0x11  }
0x19f: {  	v8 =	vsub.f32 v8, v14;
	v10 =	vld [tilespmem:s13+$0x0];
	v7 =	vand.u32 $0x3FF0, v7  }
0x1a0: {  	v28 =	vld [tilespmem:s13+$0x2000];
	v7 =	vor.u32 v1, v7  }
0x1a1: {  	s11 =	sadd.s32 $0x10, s1;
	v8 =	vand.u32 $0x7FFFFFFF, v8;
	[tilespmem:v11+s20+$0x0] =	vst.idx.add.f32.msk $0xffff, v2  }
0x1a2: {  	s9 =	sor.u32 $0x200, s11;
	[tilespmem:v11+s21+$0x0] =	vst.idx.add.f32.msk $0xffff, v5;
	v5 =	vshrl.u32 v8, $0x11  }
0x1a3: {  	v11 =	vld [tilespmem:s9+$0x0];
	v29 =	vand.u32 $0x3FF0, v5  }
0x1a4: {  	v30 =	vld [tilespmem:s9+$0x2000];
	v15 =	vor.u32 v1, v29  }
0x1a5: {  	v10 =	vsub.f32 v10, v28;
	[tilespmem:v7+s20+$0x0] =	vst.idx.add.f32.msk $0xffff, v2  }
0x1a6: {  	s13 =	sor.u32 $0x280, s30;
	[tilespmem:v7+s21+$0x0] =	vst.idx.add.f32.msk $0xffff, v9  }
0x1a7: {  	v9 =	vand.u32 $0x7FFFFFFF, v10;
	v10 =	vld [tilespmem:s13+$0x0]  }
0x1a8: {  	s0 =	sor.u32 $0x1180, s0;
	v12 =	vor.u32 v1, v23;
	v33 =	vshrl.u32 v9, $0x11;
	v34 =	vld [tilespmem:s13+$0x2000]  }
0x1a9: {  	[dreg:$0x5] =	wrdreg s0;
	s0 =	sadd.s32 $0x20, s1;
	v14 =	vand.u32 $0x3FF0, v33;
	v11 =	vsub.f32 v11, v30;
	[tilespmem:v15+s20+$0x0] =	vst.idx.add.f32.msk $0xffff, v2  }
0x1aa: {  	[dreg:$0x8] =	wrdreg s3;
	s3 =	sor.u32 $0x200, s0;
	v35 =	vor.u32 v1, v14;
	[tilespmem:v15+s21+$0x0] =	vst.idx.add.f32.msk $0xffff, v8  }
0x1ab: {  	v8 =	vand.u32 $0x7FFFFFFF, v11;
	v11 =	vld [tilespmem:s3+$0x0]  }
0x1ac: {  	v36 =	vshrl.u32 v8, $0x11;
	v15 =	vld [tilespmem:s3+$0x2000]  }
0x1ad: {  	[tilespmem:v12+s20+$0x0] =	vst.idx.add.f32.msk $0xffff, v2;
	v14 =	vand.u32 $0x3FF0, v36;
	v10 =	vsub.f32 v10, v34  }
0x1ae: {  	[tilespmem:v12+s21+$0x0] =	vst.idx.add.f32.msk $0xffff, v6;
	v14 =	vor.u32 v1, v14  }
0x1af: {  	[tilespmem:v35+s20+$0x0] =	vst.idx.add.f32.msk $0xffff, v2;
	v6 =	vand.u32 $0x7FFFFFFF, v10  }
0x1b0: {  	s26 =	sor.u32 $0x280, s1;
	[tilespmem:v35+s21+$0x0] =	vst.idx.add.f32.msk $0xffff, v9;
	v9 =	vshrl.u32 v6, $0x11  }
0x1b1: {  	v10 =	vld [tilespmem:s26+$0x0];
	v11 =	vsub.f32 v11, v15;
	v9 =	vand.u32 $0x3FF0, v9  }
0x1b2: {  	v12 =	vld [tilespmem:s26+$0x2000];
	v9 =	vor.u32 v1, v9  }
0x1b3: {  	[tilespmem:v14+s20+$0x0] =	vst.idx.add.f32.msk $0xffff, v2;
	v11 =	vand.u32 $0x7FFFFFFF, v11  }
0x1b4: {  	s25 =	sor.u32 $0x280, s11;
	[tilespmem:v14+s21+$0x0] =	vst.idx.add.f32.msk $0xffff, v8;
	v8 =	vshrl.u32 v11, $0x11  }
0x1b5: {  	v37 =	vld [tilespmem:s25+$0x0];
	v8 =	vand.u32 $0x3FF0, v8  }
0x1b6: {  	v14 =	vld [tilespmem:s25+$0x2000];
	v8 =	vor.u32 v1, v8  }
0x1b7: {  	s31 =	sor.u32 $0x1300, s0;
	v10 =	vsub.f32 v10, v12;
	[tilespmem:v9+s20+$0x0] =	vst.idx.add.f32.msk $0xffff, v2  }
0x1b8: {  	s16 =	smov.u32 s31;
	s31 =	sor.u32 $0x300, s30;
	[tilespmem:v9+s21+$0x0] =	vst.idx.add.f32.msk $0xffff, v6  }
0x1b9: {  	v13 =	vsub.f32 v26, v27;
	v6 =	vand.u32 $0x7FFFFFFF, v10;
	v9 =	vld [tilespmem:s31+$0x0]  }
0x1ba: {  	v10 =	vshrl.u32 v6, $0x11;
	v38 =	vld [tilespmem:s31+$0x2000]  }
0x1bb: {  	v5 =	vand.u32 $0x7FFFFFFF, v13;
	v10 =	vand.u32 $0x3FF0, v10;
	v13 =	vsub.f32 v37, v14;
	[tilespmem:v8+s20+$0x0] =	vst.idx.add.f32.msk $0xffff, v2  }
0x1bc: {  	s28 =	sor.u32 $0x280, s0;
	v10 =	vor.u32 v1, v10;
	[tilespmem:v8+s21+$0x0] =	vst.idx.add.f32.msk $0xffff, v11  }
0x1bd: {  	v8 =	vand.u32 $0x7FFFFFFF, v13;
	v11 =	vld [tilespmem:s28+$0x0]  }
0x1be: {  	v13 =	vshrl.u32 v8, $0x11;
	v39 =	vld [tilespmem:s28+$0x2000]  }
0x1bf: {  	[tilespmem:v4+s20+$0x0] =	vst.idx.add.f32.msk $0xffff, v2;
	v13 =	vand.u32 $0x3FF0, v13;
	v9 =	vsub.f32 v9, v38  }
0x1c0: {  	[tilespmem:v4+s21+$0x0] =	vst.idx.add.f32.msk $0xffff, v3;
	v40 =	vor.u32 v1, v13  }
0x1c1: {  	[tilespmem:v10+s20+$0x0] =	vst.idx.add.f32.msk $0xffff, v2;
	v3 =	vand.u32 $0x7FFFFFFF, v9  }
0x1c2: {  	s22 =	sor.u32 $0x300, s1;
	[tilespmem:v10+s21+$0x0] =	vst.idx.add.f32.msk $0xffff, v6;
	v4 =	vshrl.u32 v3, $0x11  }
0x1c3: {  	v6 =	vld [tilespmem:s22+$0x0];
	v9 =	vsub.f32 v11, v39;
	v4 =	vand.u32 $0x3FF0, v4  }
0x1c4: {  	v10 =	vld [tilespmem:s22+$0x2000];
	v4 =	vor.u32 v1, v4  }
0x1c5: {  	[tilespmem:v40+s20+$0x0] =	vst.idx.add.f32.msk $0xffff, v2;
	v9 =	vand.u32 $0x7FFFFFFF, v9  }
0x1c6: {  	s19 =	sor.u32 $0x300, s11;
	[tilespmem:v40+s21+$0x0] =	vst.idx.add.f32.msk $0xffff, v8;
	v8 =	vshrl.u32 v9, $0x11  }
0x1c7: {  	v11 =	vld [tilespmem:s19+$0x0];
	v8 =	vand.u32 $0x3FF0, v8  }
0x1c8: {  	v12 =	vld [tilespmem:s19+$0x2000];
	v8 =	vor.u32 v1, v8  }
0x1c9: {  	v6 =	vsub.f32 v6, v10;
	[tilespmem:v4+s20+$0x0] =	vst.idx.add.f32.msk $0xffff, v2  }
0x1ca: {  	v31 =	vshrl.u32 v5, $0x11;
	s3 =	sor.u32 $0x380, s30;
	[tilespmem:v4+s21+$0x0] =	vst.idx.add.f32.msk $0xffff, v3  }
0x1cb: {  	v32 =	vand.u32 $0x3FF0, v31;
	v3 =	vand.u32 $0x7FFFFFFF, v6;
	v4 =	vld [tilespmem:s3+$0x0]  }
0x1cc: {  	v7 =	vor.u32 v1, v32;
	v6 =	vshrl.u32 v3, $0x11;
	v10 =	vld [tilespmem:s3+$0x2000]  }
0x1cd: {  	v6 =	vand.u32 $0x3FF0, v6;
	v11 =	vsub.f32 v11, v12;
	[tilespmem:v8+s20+$0x0] =	vst.idx.add.f32.msk $0xffff, v2  }
0x1ce: {  	[dreg:$0xd] =	wrdreg s5;
	s5 =	sor.u32 $0x300, s0;
	v6 =	vor.u32 v1, v6;
	[tilespmem:v8+s21+$0x0] =	vst.idx.add.f32.msk $0xffff, v9  }
0x1cf: {  	v8 =	vand.u32 $0x7FFFFFFF, v11;
	v9 =	vld [tilespmem:s5+$0x0]  }
0x1d0: {  	v11 =	vshrl.u32 v8, $0x11;
	v41 =	vld [tilespmem:s5+$0x2000]  }
0x1d1: {  	[tilespmem:v7+s20+$0x0] =	vst.idx.add.f32.msk $0xffff, v2;
	v11 =	vand.u32 $0x3FF0, v11;
	v4 =	vsub.f32 v4, v10  }
0x1d2: {  	[tilespmem:v7+s21+$0x0] =	vst.idx.add.f32.msk $0xffff, v5;
	v10 =	vor.u32 v1, v11  }
0x1d3: {  	s4 =	sadd.s32 $0x240, s4;
	[tilespmem:v6+s20+$0x0] =	vst.idx.add.f32.msk $0xffff, v2;
	v4 =	vand.u32 $0x7FFFFFFF, v4  }
0x1d4: {  	s9 =	sor.u32 $0x380, s4;
	[tilespmem:v6+s21+$0x0] =	vst.idx.add.f32.msk $0xffff, v3;
	v3 =	vshrl.u32 v4, $0x11  }
0x1d5: {  	v5 =	vld [tilespmem:s9+$0x0];
	v6 =	vsub.f32 v9, v41;
	v3 =	vand.u32 $0x3FF0, v3  }
0x1d6: {  	v7 =	vld [tilespmem:s9+$0x2000];
	v3 =	vor.u32 v1, v3  }
0x1d7: {  	[tilespmem:v10+s20+$0x0] =	vst.idx.add.f32.msk $0xffff, v2;
	v6 =	vand.u32 $0x7FFFFFFF, v6  }
0x1d8: {  	s10 =	sor.u32 $0x380, s11;
	[tilespmem:v10+s21+$0x0] =	vst.idx.add.f32.msk $0xffff, v8;
	v8 =	vshrl.u32 v6, $0x11  }
0x1d9: {  	v9 =	vld [tilespmem:s10+$0x0];
	v8 =	vand.u32 $0x3FF0, v8  }
0x1da: {  	v10 =	vld [tilespmem:s10+$0x2000];
	v8 =	vor.u32 v1, v8  }
0x1db: {  	v5 =	vsub.f32 v5, v7;
	[tilespmem:v3+s20+$0x0] =	vst.idx.add.f32.msk $0xffff, v2  }
0x1dc: {  	[tilespmem:v3+s21+$0x0] =	vst.idx.add.f32.msk $0xffff, v4  }
0x1dd: {  	v3 =	vand.u32 $0x7FFFFFFF, v5;
	v4 =	vld [tilespmem:s8+$0x1030]  }
0x1de: {  	[dreg:$0x9] =	wrdreg s2;
	s18 =	sor.u32 $0x1200, s1;
	s15 =	sor.u32 $0x1280, s1;
	v5 =	vshrl.u32 v3, $0x11;
	v7 =	vld [tilespmem:s8+$0x3030]  }
0x1df: {  	s7 =	sor.u32 $0x1300, s1;
	s2 =	sor.u32 $0x380, s0;
	s12 =	sor.u32 $0x1280, s11;
	v5 =	vand.u32 $0x3FF0, v5;
	v9 =	vsub.f32 v9, v10;
	[tilespmem:v8+s20+$0x0] =	vst.idx.add.f32.msk $0xffff, v2  }
0x1e0: {  	s17 =	sor.u32 $0x1200, s11;
	s24 =	sor.u32 $0x1200, s0;
	[dreg:$0xa] =	wrdreg s12;
	v5 =	vor.u32 v1, v5;
	[tilespmem:v8+s21+$0x0] =	vst.idx.add.f32.msk $0xffff, v6  }
0x1e1: {  	s6 =	sor.u32 $0x1300, s11;
	s1 =	sor.u32 $0x1380, s11;
	s13 =	rddreg [dreg:$0xd];
	v6 =	vand.u32 $0x7FFFFFFF, v9;
	v8 =	vld [tilespmem:s2+$0x0]  }
0x1e2: {  	s12 =	sor.u32 $0x1280, s0;
	s11 =	sor.u32 $0x1380, s0;
	s0 =	sor.u32 $0x1380, s13;
	v9 =	vshrl.u32 v6, $0x11;
	v10 =	vld [tilespmem:s2+$0x2000]  }
0x1e3: {  	v11 =	vld [tilespmem:s0+$0x2000];
	v9 =	vand.u32 $0x3FF0, v9;
	v4 =	vsub.f32 v4, v7  }
0x1e4: {  	v7 =	vld [tilespmem:s0+$0x0];
	v9 =	vor.u32 v1, v9  }
0x1e5: {  	[tilespmem:v5+s20+$0x0] =	vst.idx.add.f32.msk $0xffff, v2;
	v4 =	vand.u32 $0x7FFFFFFF, v4  }
0x1e6: {  	[tilespmem:v5+s21+$0x0] =	vst.idx.add.f32.msk $0xffff, v3;
	v3 =	vshrl.u32 v4, $0x11  }
0x1e7: {  	v5 =	vld [tilespmem:s8+$0x1000];
	v8 =	vsub.f32 v8, v10;
	v3 =	vand.u32 $0x3FF0, v3  }
0x1e8: {  	v10 =	vld [tilespmem:s8+$0x3000];
	v42 =	vor.u32 v1, v3  }
0x1e9: {  	[tilespmem:v9+s20+$0x0] =	vst.idx.add.f32.msk $0xffff, v2;
	v8 =	vand.u32 $0x7FFFFFFF, v8  }
0x1ea: {  	[tilespmem:v9+s21+$0x0] =	vst.idx.add.f32.msk $0xffff, v6;
	v6 =	vshrl.u32 v8, $0x11  }
0x1eb: {  	v3 =	vsub.f32 v7, v11;
	v7 =	vld [tilespmem:s8+$0x1010];
	v6 =	vand.u32 $0x3FF0, v6  }
0x1ec: {  	v9 =	vld [tilespmem:s8+$0x3010];
	v11 =	vor.u32 v1, v6  }
0x1ed: {  	v5 =	vsub.f32 v5, v10;
	[tilespmem:v42+s20+$0x0] =	vst.idx.add.f32.msk $0xffff, v2  }
0x1ee: {  	[tilespmem:v42+s21+$0x0] =	vst.idx.add.f32.msk $0xffff, v4  }
0x1ef: {  	v4 =	vand.u32 $0x7FFFFFFF, v5;
	v5 =	vld [tilespmem:s8+$0x10B0]  }
0x1f0: {  	v10 =	vshrl.u32 v4, $0x11;
	v12 =	vld [tilespmem:s8+$0x30B0]  }
0x1f1: {  	v10 =	vand.u32 $0x3FF0, v10;
	v7 =	vsub.f32 v7, v9;
	[tilespmem:v11+s20+$0x0] =	vst.idx.add.f32.msk $0xffff, v2  }
0x1f2: {  	v9 =	vor.u32 v1, v10;
	[tilespmem:v11+s21+$0x0] =	vst.idx.add.f32.msk $0xffff, v8  }
0x1f3: {  	v7 =	vand.u32 $0x7FFFFFFF, v7;
	v8 =	vld [tilespmem:s8+$0x1020]  }
0x1f4: {  	s19 =	rddreg [dreg:$0x9];
	v10 =	vshrl.u32 v7, $0x11;
	v11 =	vld [tilespmem:s8+$0x3020]  }
0x1f5: {  	v43 =	vld [tilespmem:s19+$0x0];
	v10 =	vand.u32 $0x3FF0, v10;
	v5 =	vsub.f32 v5, v12  }
0x1f6: {  	v44 =	vld [tilespmem:s19+$0x2000];
	v10 =	vor.u32 v1, v10  }
0x1f7: {  	[tilespmem:v9+s20+$0x0] =	vst.idx.add.f32.msk $0xffff, v2;
	v5 =	vand.u32 $0x7FFFFFFF, v5  }
0x1f8: {  	[tilespmem:v9+s21+$0x0] =	vst.idx.add.f32.msk $0xffff, v4;
	v4 =	vshrl.u32 v5, $0x11  }
0x1f9: {  	v9 =	vld [tilespmem:s8+$0x1080];
	v8 =	vsub.f32 v8, v11;
	v4 =	vand.u32 $0x3FF0, v4  }
0x1fa: {  	v11 =	vld [tilespmem:s8+$0x3080];
	v45 =	vor.u32 v1, v4  }
0x1fb: {  	[tilespmem:v10+s20+$0x0] =	vst.idx.add.f32.msk $0xffff, v2;
	v8 =	vand.u32 $0x7FFFFFFF, v8  }
0x1fc: {  	[tilespmem:v10+s21+$0x0] =	vst.idx.add.f32.msk $0xffff, v7;
	v7 =	vshrl.u32 v8, $0x11  }
0x1fd: {  	v10 =	vld [tilespmem:s8+$0x1090];
	v7 =	vand.u32 $0x3FF0, v7  }
0x1fe: {  	v46 =	vld [tilespmem:s8+$0x3090];
	v47 =	vor.u32 v1, v7  }
0x1ff: {  	v9 =	vsub.f32 v9, v11;
	[tilespmem:v45+s20+$0x0] =	vst.idx.add.f32.msk $0xffff, v2  }
0x200: {  	[tilespmem:v45+s21+$0x0] =	vst.idx.add.f32.msk $0xffff, v5  }
0x201: {  	v5 =	vand.u32 $0x7FFFFFFF, v9;
	v9 =	vld [tilespmem:s8+$0x1130]  }
0x202: {  	v11 =	vshrl.u32 v5, $0x11;
	v14 =	vld [tilespmem:s8+$0x3130]  }
0x203: {  	v11 =	vand.u32 $0x3FF0, v11;
	v10 =	vsub.f32 v10, v46;
	[tilespmem:v47+s20+$0x0] =	vst.idx.add.f32.msk $0xffff, v2  }
0x204: {  	v11 =	vor.u32 v1, v11;
	[tilespmem:v47+s21+$0x0] =	vst.idx.add.f32.msk $0xffff, v8  }
0x205: {  	v8 =	vand.u32 $0x7FFFFFFF, v10;
	v10 =	vld [tilespmem:s8+$0x10A0]  }
0x206: {  	s22 =	rddreg [dreg:$0x8];
	v48 =	vshrl.u32 v8, $0x11;
	v13 =	vld [tilespmem:s8+$0x30A0]  }
0x207: {  	v49 =	vld [tilespmem:s22+$0x0];
	v12 =	vand.u32 $0x3FF0, v48;
	v9 =	vsub.f32 v9, v14  }
0x208: {  	v50 =	vld [tilespmem:s22+$0x2000];
	v12 =	vor.u32 v1, v12  }
0x209: {  	[tilespmem:v11+s20+$0x0] =	vst.idx.add.f32.msk $0xffff, v2;
	v9 =	vand.u32 $0x7FFFFFFF, v9  }
0x20a: {  	[tilespmem:v11+s21+$0x0] =	vst.idx.add.f32.msk $0xffff, v5;
	v5 =	vshrl.u32 v9, $0x11  }
0x20b: {  	v11 =	vld [tilespmem:s8+$0x1100];
	v10 =	vsub.f32 v10, v13;
	v5 =	vand.u32 $0x3FF0, v5  }
0x20c: {  	v51 =	vld [tilespmem:s8+$0x3100];
	v52 =	vor.u32 v1, v5  }
0x20d: {  	[tilespmem:v12+s20+$0x0] =	vst.idx.add.f32.msk $0xffff, v2;
	v10 =	vand.u32 $0x7FFFFFFF, v10  }
0x20e: {  	[tilespmem:v12+s21+$0x0] =	vst.idx.add.f32.msk $0xffff, v8;
	v8 =	vshrl.u32 v10, $0x11  }
0x20f: {  	v12 =	vld [tilespmem:s8+$0x1110];
	v8 =	vand.u32 $0x3FF0, v8  }
0x210: {  	v53 =	vld [tilespmem:s8+$0x3110];
	v54 =	vor.u32 v1, v8  }
0x211: {  	v3 =	vand.u32 $0x7FFFFFFF, v3;
	v11 =	vsub.f32 v11, v51;
	[tilespmem:v52+s20+$0x0] =	vst.idx.add.f32.msk $0xffff, v2  }
0x212: {  	v6 =	vshrl.u32 v3, $0x11;
	[tilespmem:v52+s21+$0x0] =	vst.idx.add.f32.msk $0xffff, v9  }
0x213: {  	v6 =	vand.u32 $0x3FF0, v6;
	v9 =	vand.u32 $0x7FFFFFFF, v11;
	v11 =	vld [tilespmem:s8+$0x11B0]  }
0x214: {  	v6 =	vor.u32 v1, v6;
	v55 =	vshrl.u32 v9, $0x11;
	v16 =	vld [tilespmem:s8+$0x31B0]  }
0x215: {  	v13 =	vand.u32 $0x3FF0, v55;
	v12 =	vsub.f32 v12, v53;
	[tilespmem:v54+s20+$0x0] =	vst.idx.add.f32.msk $0xffff, v2  }
0x216: {  	v13 =	vor.u32 v1, v13;
	[tilespmem:v54+s21+$0x0] =	vst.idx.add.f32.msk $0xffff, v10  }
0x217: {  	v10 =	vand.u32 $0x7FFFFFFF, v12;
	v56 =	vld [tilespmem:s8+$0x1120]  }
0x218: {  	v57 =	vshrl.u32 v10, $0x11;
	v15 =	vld [tilespmem:s8+$0x3120]  }
0x219: {  	[tilespmem:v6+s20+$0x0] =	vst.idx.add.f32.msk $0xffff, v2;
	v14 =	vand.u32 $0x3FF0, v57;
	v11 =	vsub.f32 v11, v16  }
0x21a: {  	[tilespmem:v6+s21+$0x0] =	vst.idx.add.f32.msk $0xffff, v3;
	v14 =	vor.u32 v1, v14  }
0x21b: {  	[tilespmem:v13+s20+$0x0] =	vst.idx.add.f32.msk $0xffff, v2;
	v3 =	vand.u32 $0x7FFFFFFF, v11  }
0x21c: {  	s25 =	rddreg [dreg:$0x5];
	[tilespmem:v13+s21+$0x0] =	vst.idx.add.f32.msk $0xffff, v9;
	v6 =	vshrl.u32 v3, $0x11  }
0x21d: {  	v9 =	vld [tilespmem:s25+$0x0];
	v11 =	vsub.f32 v56, v15;
	v6 =	vand.u32 $0x3FF0, v6  }
0x21e: {  	v58 =	vld [tilespmem:s25+$0x2000];
	v6 =	vor.u32 v1, v6  }
0x21f: {  	[tilespmem:v14+s20+$0x0] =	vst.idx.add.f32.msk $0xffff, v2;
	v11 =	vand.u32 $0x7FFFFFFF, v11  }
0x220: {  	[tilespmem:v14+s21+$0x0] =	vst.idx.add.f32.msk $0xffff, v10;
	v10 =	vshrl.u32 v11, $0x11  }
0x221: {  	v4 =	vsub.f32 v43, v44;
	v59 =	vld [tilespmem:s8+$0x1190];
	v10 =	vand.u32 $0x3FF0, v10  }
0x222: {  	v14 =	vld [tilespmem:s8+$0x3190];
	v10 =	vor.u32 v1, v10  }
0x223: {  	v4 =	vand.u32 $0x7FFFFFFF, v4;
	v9 =	vsub.f32 v9, v58;
	[tilespmem:v6+s20+$0x0] =	vst.idx.add.f32.msk $0xffff, v2  }
0x224: {  	s26 =	sor.u32 $0x1200, s30;
	v7 =	vshrl.u32 v4, $0x11;
	[tilespmem:v6+s21+$0x0] =	vst.idx.add.f32.msk $0xffff, v3  }
0x225: {  	v7 =	vand.u32 $0x3FF0, v7;
	v3 =	vand.u32 $0x7FFFFFFF, v9;
	v6 =	vld [tilespmem:s26+$0x0]  }
0x226: {  	v7 =	vor.u32 v1, v7;
	v9 =	vshrl.u32 v3, $0x11;
	v60 =	vld [tilespmem:s26+$0x2000]  }
0x227: {  	v9 =	vand.u32 $0x3FF0, v9;
	v13 =	vsub.f32 v59, v14;
	[tilespmem:v10+s20+$0x0] =	vst.idx.add.f32.msk $0xffff, v2  }
0x228: {  	v9 =	vor.u32 v1, v9;
	[tilespmem:v10+s21+$0x0] =	vst.idx.add.f32.msk $0xffff, v11  }
0x229: {  	v10 =	vand.u32 $0x7FFFFFFF, v13;
	v11 =	vld [tilespmem:s8+$0x11A0]  }
0x22a: {  	v13 =	vshrl.u32 v10, $0x11;
	v61 =	vld [tilespmem:s8+$0x31A0]  }
0x22b: {  	[tilespmem:v7+s20+$0x0] =	vst.idx.add.f32.msk $0xffff, v2;
	v13 =	vand.u32 $0x3FF0, v13;
	v6 =	vsub.f32 v6, v60  }
0x22c: {  	[tilespmem:v7+s21+$0x0] =	vst.idx.add.f32.msk $0xffff, v4;
	v62 =	vor.u32 v1, v13  }
0x22d: {  	[tilespmem:v9+s20+$0x0] =	vst.idx.add.f32.msk $0xffff, v2;
	v4 =	vand.u32 $0x7FFFFFFF, v6  }
0x22e: {  	[tilespmem:v9+s21+$0x0] =	vst.idx.add.f32.msk $0xffff, v3;
	v3 =	vshrl.u32 v4, $0x11  }
0x22f: {  	v6 =	vld [tilespmem:s18+$0x0];
	v7 =	vsub.f32 v11, v61;
	v3 =	vand.u32 $0x3FF0, v3  }
0x230: {  	v9 =	vld [tilespmem:s18+$0x2000];
	v3 =	vor.u32 v1, v3  }
0x231: {  	[tilespmem:v62+s20+$0x0] =	vst.idx.add.f32.msk $0xffff, v2;
	v7 =	vand.u32 $0x7FFFFFFF, v7  }
0x232: {  	[tilespmem:v62+s21+$0x0] =	vst.idx.add.f32.msk $0xffff, v10;
	v10 =	vshrl.u32 v7, $0x11  }
0x233: {  	v5 =	vsub.f32 v49, v50;
	v11 =	vld [tilespmem:s17+$0x0];
	v10 =	vand.u32 $0x3FF0, v10  }
0x234: {  	v12 =	vld [tilespmem:s17+$0x2000];
	v10 =	vor.u32 v1, v10  }
0x235: {  	v5 =	vand.u32 $0x7FFFFFFF, v5;
	v6 =	vsub.f32 v6, v9;
	[tilespmem:v3+s20+$0x0] =	vst.idx.add.f32.msk $0xffff, v2  }
0x236: {  	s28 =	sor.u32 $0x1280, s30;
	v8 =	vshrl.u32 v5, $0x11;
	[tilespmem:v3+s21+$0x0] =	vst.idx.add.f32.msk $0xffff, v4  }
0x237: {  	v8 =	vand.u32 $0x3FF0, v8;
	v3 =	vand.u32 $0x7FFFFFFF, v6;
	v4 =	vld [tilespmem:s28+$0x0]  }
0x238: {  	v8 =	vor.u32 v1, v8;
	v6 =	vshrl.u32 v3, $0x11;
	v9 =	vld [tilespmem:s28+$0x2000]  }
0x239: {  	v6 =	vand.u32 $0x3FF0, v6;
	v11 =	vsub.f32 v11, v12;
	[tilespmem:v10+s20+$0x0] =	vst.idx.add.f32.msk $0xffff, v2  }
0x23a: {  	v6 =	vor.u32 v1, v6;
	[tilespmem:v10+s21+$0x0] =	vst.idx.add.f32.msk $0xffff, v7  }
0x23b: {  	v7 =	vand.u32 $0x7FFFFFFF, v11;
	v10 =	vld [tilespmem:s24+$0x0]  }
0x23c: {  	v11 =	vshrl.u32 v7, $0x11;
	v63 =	vld [tilespmem:s24+$0x2000]  }
0x23d: {  	[tilespmem:v8+s20+$0x0] =	vst.idx.add.f32.msk $0xffff, v2;
	v11 =	vand.u32 $0x3FF0, v11;
	v4 =	vsub.f32 v4, v9  }
0x23e: {  	[tilespmem:v8+s21+$0x0] =	vst.idx.add.f32.msk $0xffff, v5;
	v9 =	vor.u32 v1, v11  }
0x23f: {  	[tilespmem:v6+s20+$0x0] =	vst.idx.add.f32.msk $0xffff, v2;
	v4 =	vand.u32 $0x7FFFFFFF, v4  }
0x240: {  	[tilespmem:v6+s21+$0x0] =	vst.idx.add.f32.msk $0xffff, v3;
	v3 =	vshrl.u32 v4, $0x11  }
0x241: {  	v5 =	vld [tilespmem:s15+$0x0];
	v3 =	vand.u32 $0x3FF0, v3  }
0x242: {  	v6 =	vsub.f32 v10, v63;
	v10 =	vld [tilespmem:s15+$0x2000];
	v11 =	vor.u32 v1, v3  }
0x243: {  	[tilespmem:v9+s20+$0x0] =	vst.idx.add.f32.msk $0xffff, v2  }
0x244: {  	p2 =	slt.u32 s29, $0x1C0;
	s31 =	rddreg [dreg:$0xa];
	v3 =	vand.u32 $0x7FFFFFFF, v6;
	[tilespmem:v9+s21+$0x0] =	vst.idx.add.f32.msk $0xffff, v7  }
.Ltmp4:
0x245: {  	v7 =	vshrl.u32 v3, $0x11;
	v6 =	vld [tilespmem:s31+$0x0];
	(pc) =	sbr.rel @p2 .LBB2_6-.Ltmp4, $4  }
0x246: {  	v8 =	vand.u32 $0x3FF0, v7;
	v7 =	vld [tilespmem:s31+$0x2000]  }
0x247: {  	v5 =	vsub.f32 v5, v10;
	[tilespmem:v11+s20+$0x0] =	vst.idx.add.f32.msk $0xffff, v2  }
0x248: {  	s2 =	smov.u32 s1;
	s1 =	sor.u32 $0x1300, s30;
	[tilespmem:v11+s21+$0x0] =	vst.idx.add.f32.msk $0xffff, v4  }
0x249: {  	s3 =	smov.u32 s11;
	s5 =	smov.u32 s4;
	v8 =	vor.u32 v1, v8;
	v4 =	vand.u32 $0x7FFFFFFF, v5;
	v5 =	vld [tilespmem:s1+$0x0]  }
0x24a: {  	_ =	sdelay $0x3  }
0x24b: {  	[tilespmem:v8+s20+$0x0] =	vst.idx.add.f32.msk $0xffff, v2  }
0x24c: {  	[tilespmem:v8+s21+$0x0] =	vst.idx.add.f32.msk $0xffff, v3  }
0x24d: {  	v3 =	vld [tilespmem:s12+$0x0]  }
0x24e: {  	v8 =	vld [tilespmem:s12+$0x2000];
	_ =	sdelay $0x2  }
0x24f: {  	v6 =	vsub.f32 v6, v7;
	v7 =	vshrl.u32 v4, $0x11  }
0x250: {  	v7 =	vand.u32 $0x3FF0, v7  }
0x251: {  	v6 =	vand.u32 $0x7FFFFFFF, v6;
	v7 =	vor.u32 v1, v7;
	v3 =	vsub.f32 v3, v8  }
0x252: {  	v8 =	vshrl.u32 v6, $0x11  }
0x253: {  	v8 =	vand.u32 $0x3FF0, v8;
	v3 =	vand.u32 $0x7FFFFFFF, v3  }
0x254: {  	v8 =	vor.u32 v1, v8;
	v9 =	vshrl.u32 v3, $0x11  }
0x255: {  	v10 =	vld [tilespmem:s1+$0x2000];
	v9 =	vand.u32 $0x3FF0, v9  }
0x256: {  	[tilespmem:v7+s20+$0x0] =	vst.idx.add.f32.msk $0xffff, v2;
	v9 =	vor.u32 v1, v9  }
0x257: {  	[tilespmem:v7+s21+$0x0] =	vst.idx.add.f32.msk $0xffff, v4  }
0x258: {  	v4 =	vld [tilespmem:s7+$0x2000]  }
0x259: {  	[tilespmem:v8+s20+$0x0] =	vst.idx.add.f32.msk $0xffff, v2  }
0x25a: {  	[tilespmem:v8+s21+$0x0] =	vst.idx.add.f32.msk $0xffff, v6  }
0x25b: {  	[tilespmem:v9+s20+$0x0] =	vst.idx.add.f32.msk $0xffff, v2  }
0x25c: {  	[tilespmem:v9+s21+$0x0] =	vst.idx.add.f32.msk $0xffff, v3  }
0x25d: {  	v3 =	vld [tilespmem:s7+$0x0]  }
0x25e: {  	v5 =	vsub.f32 v5, v10;
	v6 =	vld [tilespmem:s6+$0x0]  }
0x25f: {  	v7 =	vld [tilespmem:s6+$0x2000]  }
0x260: {  	v5 =	vand.u32 $0x7FFFFFFF, v5  }
0x261: {  	v9 =	vshrl.u32 v5, $0x11  }
0x262: {  	v8 =	vld [tilespmem:s16+$0x0];
	v9 =	vand.u32 $0x3FF0, v9;
	v3 =	vsub.f32 v3, v4  }
0x263: {  	v10 =	vld [tilespmem:s16+$0x2000];
	v4 =	vor.u32 v1, v9  }
0x264: {  	v6 =	vsub.f32 v6, v7;
	v3 =	vand.u32 $0x7FFFFFFF, v3  }
0x265: {  	v7 =	vshrl.u32 v3, $0x11  }
0x266: {  	v6 =	vand.u32 $0x7FFFFFFF, v6;
	v7 =	vand.u32 $0x3FF0, v7  }
0x267: {  	v9 =	vshrl.u32 v6, $0x11;
	v7 =	vor.u32 v1, v7  }
0x268: {  	v8 =	vsub.f32 v8, v10;
	v9 =	vand.u32 $0x3FF0, v9;
	[tilespmem:v4+s20+$0x0] =	vst.idx.add.f32.msk $0xffff, v2  }
0x269: {  	s0 =	sor.u32 $0x1380, s30;
	[tilespmem:v4+s21+$0x0] =	vst.idx.add.f32.msk $0xffff, v5;
	v4 =	vor.u32 v1, v9  }
0x26a: {  	v8 =	vand.u32 $0x7FFFFFFF, v8;
	v9 =	vld [tilespmem:s0+$0x0]  }
0x26b: {  	v5 =	vshrl.u32 v8, $0x11;
	v10 =	vld [tilespmem:s0+$0x2000]  }
0x26c: {  	v5 =	vand.u32 $0x3FF0, v5;
	[tilespmem:v7+s20+$0x0] =	vst.idx.add.f32.msk $0xffff, v2  }
0x26d: {  	v5 =	vor.u32 v1, v5;
	[tilespmem:v7+s21+$0x0] =	vst.idx.add.f32.msk $0xffff, v3  }
0x26e: {  	[tilespmem:v4+s20+$0x0] =	vst.idx.add.f32.msk $0xffff, v2  }
0x26f: {  	s17 =	sor.u32 $0x1380, s5;
	[tilespmem:v4+s21+$0x0] =	vst.idx.add.f32.msk $0xffff, v6  }
0x270: {  	v3 =	vld [tilespmem:s17+$0x0]  }
0x271: {  	v4 =	vld [tilespmem:s17+$0x2000]  }
0x272: {  	[tilespmem:v5+s20+$0x0] =	vst.idx.add.f32.msk $0xffff, v2  }
0x273: {  	v6 =	vld [tilespmem:s2+$0x2000]  }
0x274: {  	[tilespmem:v5+s21+$0x0] =	vst.idx.add.f32.msk $0xffff, v8  }
0x275: {  	v5 =	vld [tilespmem:s2+$0x0]  }
0x276: {  	v7 =	vsub.f32 v9, v10  }
0x277: {  	v8 =	vld [tilespmem:s3+$0x0]  }
0x278: {  	v7 =	vand.u32 $0x7FFFFFFF, v7;
	v9 =	vld [tilespmem:s3+$0x2000];
	v3 =	vsub.f32 v3, v4  }
0x279: {  	v4 =	vshrl.u32 v7, $0x11  }
0x27a: {  	v4 =	vand.u32 $0x3FF0, v4;
	v3 =	vand.u32 $0x7FFFFFFF, v3;
	v5 =	vsub.f32 v5, v6  }
0x27b: {  	v4 =	vor.u32 v1, v4;
	v6 =	vshrl.u32 v3, $0x11  }
0x27c: {  	v6 =	vand.u32 $0x3FF0, v6;
	v5 =	vand.u32 $0x7FFFFFFF, v5  }
0x27d: {  	v8 =	vsub.f32 v8, v9;
	v6 =	vor.u32 v1, v6;
	v9 =	vshrl.u32 v5, $0x11  }
0x27e: {  	v9 =	vand.u32 $0x3FF0, v9  }
0x27f: {  	v9 =	vor.u32 v1, v9  }
0x280: {  	v8 =	vand.u32 $0x7FFFFFFF, v8;
	[tilespmem:v4+s20+$0x0] =	vst.idx.add.f32.msk $0xffff, v2  }
0x281: {  	v10 =	vshrl.u32 v8, $0x11;
	[tilespmem:v4+s21+$0x0] =	vst.idx.add.f32.msk $0xffff, v7  }
0x282: {  	v10 =	vand.u32 $0x3FF0, v10;
	[tilespmem:v6+s20+$0x0] =	vst.idx.add.f32.msk $0xffff, v2  }
0x283: {  	v4 =	vor.u32 v1, v10;
	[tilespmem:v6+s21+$0x0] =	vst.idx.add.f32.msk $0xffff, v3  }
0x284: {  	[tilespmem:v9+s20+$0x0] =	vst.idx.add.f32.msk $0xffff, v2  }
0x285: {  	s18 =	rddreg [dreg:$0x18];
	[tilespmem:v9+s21+$0x0] =	vst.idx.add.f32.msk $0xffff, v5  }
0x286: {  	s1 =	sshll.u32 s18, $0xE;
	p1 =	seq.s32 s18, $0xF;
	s0 =	rddreg [dreg:$0x12]  }
0x287: {  	[dreg:$0x19] =	wrdreg s1;
	s0 =	sadd.s32 @!p1 s1, s0  }
0x288: {  	s1 =	rddreg [dreg:$0x0];
	[tilespmem:v4+s20+$0x0] =	vst.idx.add.f32.msk $0xffff, v2;
	s0 =	sshrl.u32 @!p1 s0, $0x3  }
0x289: {  	s2 =	simm.s32 @!p1 $0x0;
	[tilespmem:v4+s21+$0x0] =	vst.idx.add.f32.msk $0xffff, v8;
	s1 =	sadd.s32 @!p1 s1, s0  }
0x28a: {  	[tilespmem:s2], [sflag:$0x1] =	stream.linear.gather @!p1 [hbm4b:s1+s2], $0x2000, $0x38;
	[tilespmem:$0x18100] =	vst v63  }
0x28b: {  	s1 =	rddreg [dreg:$0x1]  }
0x28c: {  	s19 =	simm.s32 $0x2;
	s0 =	sadd.s32 @!p1 s1, s0;
	s1 =	simm.s32 @!p1 $0x2000  }
0x28d: {  	[tilespmem:s1], [sflag:$0x1] =	stream.linear.gather @!p1 [hbm4b:s0+s2], $0x2000, $0x38;
	[tilespmem:$0x18100] =	vst v63  }
0x28e: {  	_ =	swait.ge [sflag:s19], $0x2000  }
0x28f: {  	[sflag:s19] =	ssyncset.done $0x0  }
0x290: {  	[sflag:s19] =	ssyncadd.s32 $0xFFFFE000  }
0x291: {  	s9 =	simm.s32 $0x0;
	s31 =	simm.s32 $0x0;
	_ =	swait.ge [sflag:s19], $0x2000  }
0x292: {  	s22 =	sand.u32 $0x40, s31;
	s23 =	sand.u32 $0xC00, s9;
	[sflag:s19] =	ssyncset.done $0x0  }
0x293: {  	s3 =	sor.u32 s22, s23;
	[sflag:s19] =	ssyncadd.s32 $0xFFFFE000  }
0x294: {  	v3 =	vld [tilespmem:s3+$0x4030]  }
0x295: {  	v4 =	vld [tilespmem:s3+$0x6030];
	_ =	sdelay $0x4  }
0x296: {  	v3 =	vsub.f32 v3, v4;
	_ =	sdelay $0x1  }
0x297: {  	v3 =	vand.u32 $0x7FFFFFFF, v3  }
0x298: {  	v4 =	vshrl.u32 v3, $0x11  }
0x299: {  	v5 =	vld [tilespmem:s3+$0x4000];
	v4 =	vand.u32 $0x3FF0, v4  }
0x29a: {  	v6 =	vld [tilespmem:s3+$0x6000];
	v4 =	vor.u32 v1, v4;
	_ =	sdelay $0x2  }
0x29b: {  	v7 =	vld [tilespmem:s3+$0x4010]  }
0x29c: {  	v8 =	vld [tilespmem:s3+$0x6010]  }
0x29d: {  	v5 =	vsub.f32 v5, v6;
	[tilespmem:v4+s20+$0x0] =	vst.idx.add.f32.msk $0xffff, v2  }
0x29e: {  	[tilespmem:v4+s21+$0x0] =	vst.idx.add.f32.msk $0xffff, v3  }
0x29f: {  	v3 =	vand.u32 $0x7FFFFFFF, v5;
	v4 =	vld [tilespmem:s3+$0x40B0]  }
0x2a0: {  	v5 =	vshrl.u32 v3, $0x11;
	v6 =	vld [tilespmem:s3+$0x60B0]  }
0x2a1: {  	v7 =	vsub.f32 v7, v8;
	v5 =	vand.u32 $0x3FF0, v5  }
0x2a2: {  	v5 =	vor.u32 v1, v5  }
0x2a3: {  	v7 =	vand.u32 $0x7FFFFFFF, v7  }
0x2a4: {  	v8 =	vshrl.u32 v7, $0x11  }
0x2a5: {  	v9 =	vld [tilespmem:s3+$0x4020];
	v8 =	vand.u32 $0x3FF0, v8;
	v4 =	vsub.f32 v4, v6  }
0x2a6: {  	v8 =	vor.u32 v1, v8;
	v6 =	vld [tilespmem:s3+$0x6020]  }
0x2a7: {  	[tilespmem:v5+s20+$0x0] =	vst.idx.add.f32.msk $0xffff, v2;
	v4 =	vand.u32 $0x7FFFFFFF, v4  }
0x2a8: {  	[tilespmem:v5+s21+$0x0] =	vst.idx.add.f32.msk $0xffff, v3;
	v3 =	vshrl.u32 v4, $0x11  }
0x2a9: {  	v5 =	vld [tilespmem:s3+$0x4080];
	v3 =	vand.u32 $0x3FF0, v3  }
0x2aa: {  	v10 =	vld [tilespmem:s3+$0x6080];
	v3 =	vor.u32 v1, v3  }
0x2ab: {  	[tilespmem:v8+s20+$0x0] =	vst.idx.add.f32.msk $0xffff, v2;
	v6 =	vsub.f32 v9, v6  }
0x2ac: {  	[tilespmem:v8+s21+$0x0] =	vst.idx.add.f32.msk $0xffff, v7  }
0x2ad: {  	v7 =	vld [tilespmem:s3+$0x4090];
	v6 =	vand.u32 $0x7FFFFFFF, v6  }
0x2ae: {  	v9 =	vld [tilespmem:s3+$0x6090];
	v8 =	vshrl.u32 v6, $0x11  }
0x2af: {  	v8 =	vand.u32 $0x3FF0, v8;
	v5 =	vsub.f32 v5, v10;
	[tilespmem:v3+s20+$0x0] =	vst.idx.add.f32.msk $0xffff, v2  }
0x2b0: {  	v8 =	vor.u32 v1, v8;
	[tilespmem:v3+s21+$0x0] =	vst.idx.add.f32.msk $0xffff, v4  }
0x2b1: {  	v3 =	vand.u32 $0x7FFFFFFF, v5;
	v4 =	vld [tilespmem:s3+$0x4130]  }
0x2b2: {  	v5 =	vshrl.u32 v3, $0x11;
	v10 =	vld [tilespmem:s3+$0x6130]  }
0x2b3: {  	v7 =	vsub.f32 v7, v9;
	v5 =	vand.u32 $0x3FF0, v5  }
0x2b4: {  	v5 =	vor.u32 v1, v5  }
0x2b5: {  	v7 =	vand.u32 $0x7FFFFFFF, v7;
	[tilespmem:v8+s20+$0x0] =	vst.idx.add.f32.msk $0xffff, v2  }
0x2b6: {  	[tilespmem:v8+s21+$0x0] =	vst.idx.add.f32.msk $0xffff, v6;
	v6 =	vshrl.u32 v7, $0x11  }
0x2b7: {  	v8 =	vld [tilespmem:s3+$0x40A0];
	v6 =	vand.u32 $0x3FF0, v6;
	v4 =	vsub.f32 v4, v10  }
0x2b8: {  	v9 =	vld [tilespmem:s3+$0x60A0];
	v6 =	vor.u32 v1, v6  }
0x2b9: {  	[tilespmem:v5+s20+$0x0] =	vst.idx.add.f32.msk $0xffff, v2;
	v4 =	vand.u32 $0x7FFFFFFF, v4  }
0x2ba: {  	[tilespmem:v5+s21+$0x0] =	vst.idx.add.f32.msk $0xffff, v3;
	v3 =	vshrl.u32 v4, $0x11  }
0x2bb: {  	v5 =	vld [tilespmem:s3+$0x4100];
	v3 =	vand.u32 $0x3FF0, v3  }
0x2bc: {  	v10 =	vld [tilespmem:s3+$0x6100];
	v3 =	vor.u32 v1, v3  }
0x2bd: {  	v8 =	vsub.f32 v8, v9;
	[tilespmem:v6+s20+$0x0] =	vst.idx.add.f32.msk $0xffff, v2  }
0x2be: {  	[tilespmem:v6+s21+$0x0] =	vst.idx.add.f32.msk $0xffff, v7  }
0x2bf: {  	v6 =	vand.u32 $0x7FFFFFFF, v8;
	v7 =	vld [tilespmem:s3+$0x4110]  }
0x2c0: {  	v8 =	vshrl.u32 v6, $0x11;
	v9 =	vld [tilespmem:s3+$0x6110]  }
0x2c1: {  	v8 =	vand.u32 $0x3FF0, v8;
	v5 =	vsub.f32 v5, v10;
	[tilespmem:v3+s20+$0x0] =	vst.idx.add.f32.msk $0xffff, v2  }
0x2c2: {  	v8 =	vor.u32 v1, v8;
	[tilespmem:v3+s21+$0x0] =	vst.idx.add.f32.msk $0xffff, v4  }
0x2c3: {  	v3 =	vand.u32 $0x7FFFFFFF, v5;
	v4 =	vld [tilespmem:s3+$0x41B0]  }
0x2c4: {  	v5 =	vshrl.u32 v3, $0x11;
	v10 =	vld [tilespmem:s3+$0x61B0]  }
0x2c5: {  	v5 =	vand.u32 $0x3FF0, v5;
	v7 =	vsub.f32 v7, v9  }
0x2c6: {  	v5 =	vor.u32 v1, v5  }
0x2c7: {  	[tilespmem:v8+s20+$0x0] =	vst.idx.add.f32.msk $0xffff, v2;
	v7 =	vand.u32 $0x7FFFFFFF, v7  }
0x2c8: {  	[tilespmem:v8+s21+$0x0] =	vst.idx.add.f32.msk $0xffff, v6;
	v6 =	vshrl.u32 v7, $0x11  }
0x2c9: {  	v8 =	vld [tilespmem:s3+$0x4120];
	v6 =	vand.u32 $0x3FF0, v6;
	v4 =	vsub.f32 v4, v10  }
0x2ca: {  	s24 =	sand.u32 $0xFFFFFC00, s9;
	v9 =	vld [tilespmem:s3+$0x6120];
	v6 =	vor.u32 v1, v6  }
0x2cb: {  	s25 =	sadd.s32 $0x0, s24;
	[tilespmem:v5+s20+$0x0] =	vst.idx.add.f32.msk $0xffff, v2;
	v4 =	vand.u32 $0x7FFFFFFF, v4  }
0x2cc: {  	s0 =	sor.u32 $0x180, s25;
	[tilespmem:v5+s21+$0x0] =	vst.idx.add.f32.msk $0xffff, v3;
	v3 =	vshrl.u32 v4, $0x11  }
0x2cd: {  	v5 =	vld [tilespmem:s0+$0x4000];
	v3 =	vand.u32 $0x3FF0, v3  }
0x2ce: {  	v10 =	vld [tilespmem:s0+$0x6000];
	v3 =	vor.u32 v1, v3  }
0x2cf: {  	p2 =	por $0x0, $0x0;
	s0 =	simm.s32 $0x1;
	v8 =	vsub.f32 v8, v9;
	[tilespmem:v6+s20+$0x0] =	vst.idx.add.f32.msk $0xffff, v2  }
0x2d0: {  	s0 =	simm.s32 @!p2 $0x0;
	[tilespmem:v6+s21+$0x0] =	vst.idx.add.f32.msk $0xffff, v7  }
0x2d1: {  	s0 =	sshll.u32 s0, $0x6;
	v6 =	vand.u32 $0x7FFFFFFF, v8;
	v7 =	vld [tilespmem:s3+$0x4190]  }
0x2d2: {  	s4 =	sadd.s32 $0x0, s0;
	v8 =	vshrl.u32 v6, $0x11;
	v9 =	vld [tilespmem:s3+$0x6190]  }
0x2d3: {  	s0 =	sadd.s32 $0x30, s4;
	v8 =	vand.u32 $0x3FF0, v8;
	v5 =	vsub.f32 v5, v10;
	[tilespmem:v3+s20+$0x0] =	vst.idx.add.f32.msk $0xffff, v2  }
0x2d4: {  	s26 =	sor.u32 $0x200, s0;
	v8 =	vor.u32 v1, v8;
	[tilespmem:v3+s21+$0x0] =	vst.idx.add.f32.msk $0xffff, v4  }
0x2d5: {  	v3 =	vand.u32 $0x7FFFFFFF, v5;
	v4 =	vld [tilespmem:s26+$0x4000]  }
0x2d6: {  	v5 =	vshrl.u32 v3, $0x11;
	v10 =	vld [tilespmem:s26+$0x6000]  }
0x2d7: {  	v5 =	vand.u32 $0x3FF0, v5;
	v7 =	vsub.f32 v7, v9  }
0x2d8: {  	v5 =	vor.u32 v1, v5  }
0x2d9: {  	[tilespmem:v8+s20+$0x0] =	vst.idx.add.f32.msk $0xffff, v2;
	v7 =	vand.u32 $0x7FFFFFFF, v7  }
0x2da: {  	[tilespmem:v8+s21+$0x0] =	vst.idx.add.f32.msk $0xffff, v6;
	v6 =	vshrl.u32 v7, $0x11  }
0x2db: {  	v8 =	vld [tilespmem:s3+$0x41A0];
	v6 =	vand.u32 $0x3FF0, v6;
	v4 =	vsub.f32 v4, v10  }
0x2dc: {  	v9 =	vld [tilespmem:s3+$0x61A0];
	v6 =	vor.u32 v1, v6  }
0x2dd: {  	[tilespmem:v5+s20+$0x0] =	vst.idx.add.f32.msk $0xffff, v2;
	v4 =	vand.u32 $0x7FFFFFFF, v4  }
0x2de: {  	s28 =	sor.u32 $0x200, s4;
	[tilespmem:v5+s21+$0x0] =	vst.idx.add.f32.msk $0xffff, v3;
	v3 =	vshrl.u32 v4, $0x11  }
0x2df: {  	v5 =	vld [tilespmem:s28+$0x4000];
	v3 =	vand.u32 $0x3FF0, v3  }
0x2e0: {  	v10 =	vld [tilespmem:s28+$0x6000];
	v3 =	vor.u32 v1, v3  }
0x2e1: {  	s1 =	sadd.s32 $0x10, s4;
	v8 =	vsub.f32 v8, v9;
	[tilespmem:v6+s20+$0x0] =	vst.idx.add.f32.msk $0xffff, v2  }
0x2e2: {  	s29 =	sor.u32 $0x200, s1;
	[tilespmem:v6+s21+$0x0] =	vst.idx.add.f32.msk $0xffff, v7  }
0x2e3: {  	v6 =	vand.u32 $0x7FFFFFFF, v8;
	v7 =	vld [tilespmem:s29+$0x4000]  }
0x2e4: {  	v8 =	vshrl.u32 v6, $0x11;
	v9 =	vld [tilespmem:s29+$0x6000]  }
0x2e5: {  	v8 =	vand.u32 $0x3FF0, v8;
	v5 =	vsub.f32 v5, v10;
	[tilespmem:v3+s20+$0x0] =	vst.idx.add.f32.msk $0xffff, v2  }
0x2e6: {  	s30 =	sor.u32 $0x280, s0;
	v8 =	vor.u32 v1, v8;
	[tilespmem:v3+s21+$0x0] =	vst.idx.add.f32.msk $0xffff, v4  }
0x2e7: {  	v3 =	vand.u32 $0x7FFFFFFF, v5;
	v4 =	vld [tilespmem:s30+$0x4000]  }
0x2e8: {  	v5 =	vshrl.u32 v3, $0x11;
	v10 =	vld [tilespmem:s30+$0x6000]  }
0x2e9: {  	v5 =	vand.u32 $0x3FF0, v5;
	v7 =	vsub.f32 v7, v9  }
0x2ea: {  	v5 =	vor.u32 v1, v5  }
0x2eb: {  	s6 =	sadd.s32 $0x20, s4;
	[tilespmem:v8+s20+$0x0] =	vst.idx.add.f32.msk $0xffff, v2;
	v7 =	vand.u32 $0x7FFFFFFF, v7  }
0x2ec: {  	s5 =	sor.u32 $0x200, s6;
	[tilespmem:v8+s21+$0x0] =	vst.idx.add.f32.msk $0xffff, v6;
	v6 =	vshrl.u32 v7, $0x11  }
0x2ed: {  	v8 =	vld [tilespmem:s5+$0x4000];
	v6 =	vand.u32 $0x3FF0, v6;
	v4 =	vsub.f32 v4, v10  }
0x2ee: {  	v9 =	vld [tilespmem:s5+$0x6000];
	v6 =	vor.u32 v1, v6  }
0x2ef: {  	[tilespmem:v5+s20+$0x0] =	vst.idx.add.f32.msk $0xffff, v2;
	v4 =	vand.u32 $0x7FFFFFFF, v4  }
0x2f0: {  	s8 =	sor.u32 $0x280, s4;
	[tilespmem:v5+s21+$0x0] =	vst.idx.add.f32.msk $0xffff, v3;
	v3 =	vshrl.u32 v4, $0x11  }
0x2f1: {  	v5 =	vld [tilespmem:s8+$0x4000];
	v3 =	vand.u32 $0x3FF0, v3  }
0x2f2: {  	v10 =	vld [tilespmem:s8+$0x6000];
	v3 =	vor.u32 v1, v3  }
0x2f3: {  	v8 =	vsub.f32 v8, v9;
	[tilespmem:v6+s20+$0x0] =	vst.idx.add.f32.msk $0xffff, v2  }
0x2f4: {  	s10 =	sor.u32 $0x280, s1;
	[tilespmem:v6+s21+$0x0] =	vst.idx.add.f32.msk $0xffff, v7  }
0x2f5: {  	v6 =	vand.u32 $0x7FFFFFFF, v8;
	v7 =	vld [tilespmem:s10+$0x4000]  }
0x2f6: {  	v8 =	vshrl.u32 v6, $0x11;
	v9 =	vld [tilespmem:s10+$0x6000]  }
0x2f7: {  	v8 =	vand.u32 $0x3FF0, v8;
	v5 =	vsub.f32 v5, v10;
	[tilespmem:v3+s20+$0x0] =	vst.idx.add.f32.msk $0xffff, v2  }
0x2f8: {  	s11 =	sor.u32 $0x300, s0;
	v8 =	vor.u32 v1, v8;
	[tilespmem:v3+s21+$0x0] =	vst.idx.add.f32.msk $0xffff, v4  }
0x2f9: {  	v3 =	vand.u32 $0x7FFFFFFF, v5;
	v4 =	vld [tilespmem:s11+$0x4000]  }
0x2fa: {  	v5 =	vshrl.u32 v3, $0x11;
	v10 =	vld [tilespmem:s11+$0x6000]  }
0x2fb: {  	v5 =	vand.u32 $0x3FF0, v5;
	v7 =	vsub.f32 v7, v9  }
0x2fc: {  	v5 =	vor.u32 v1, v5  }
0x2fd: {  	[tilespmem:v8+s20+$0x0] =	vst.idx.add.f32.msk $0xffff, v2;
	v7 =	vand.u32 $0x7FFFFFFF, v7  }
0x2fe: {  	s12 =	sor.u32 $0x280, s6;
	[tilespmem:v8+s21+$0x0] =	vst.idx.add.f32.msk $0xffff, v6;
	v6 =	vshrl.u32 v7, $0x11  }
0x2ff: {  	v8 =	vld [tilespmem:s12+$0x4000];
	v6 =	vand.u32 $0x3FF0, v6;
	v4 =	vsub.f32 v4, v10  }
0x300: {  	v9 =	vld [tilespmem:s12+$0x6000];
	v6 =	vor.u32 v1, v6  }
0x301: {  	[tilespmem:v5+s20+$0x0] =	vst.idx.add.f32.msk $0xffff, v2;
	v4 =	vand.u32 $0x7FFFFFFF, v4  }
0x302: {  	s13 =	sor.u32 $0x300, s4;
	[tilespmem:v5+s21+$0x0] =	vst.idx.add.f32.msk $0xffff, v3;
	v3 =	vshrl.u32 v4, $0x11  }
0x303: {  	v5 =	vld [tilespmem:s13+$0x4000];
	v3 =	vand.u32 $0x3FF0, v3  }
0x304: {  	v10 =	vld [tilespmem:s13+$0x6000];
	v3 =	vor.u32 v1, v3  }
0x305: {  	v8 =	vsub.f32 v8, v9;
	[tilespmem:v6+s20+$0x0] =	vst.idx.add.f32.msk $0xffff, v2  }
0x306: {  	s14 =	sor.u32 $0x300, s1;
	[tilespmem:v6+s21+$0x0] =	vst.idx.add.f32.msk $0xffff, v7  }
0x307: {  	v6 =	vand.u32 $0x7FFFFFFF, v8;
	v7 =	vld [tilespmem:s14+$0x4000]  }
0x308: {  	v8 =	vshrl.u32 v6, $0x11;
	v9 =	vld [tilespmem:s14+$0x6000]  }
0x309: {  	v8 =	vand.u32 $0x3FF0, v8;
	v5 =	vsub.f32 v5, v10;
	[tilespmem:v3+s20+$0x0] =	vst.idx.add.f32.msk $0xffff, v2  }
0x30a: {  	s15 =	sor.u32 $0x380, s0;
	v8 =	vor.u32 v1, v8;
	[tilespmem:v3+s21+$0x0] =	vst.idx.add.f32.msk $0xffff, v4  }
0x30b: {  	v3 =	vand.u32 $0x7FFFFFFF, v5;
	v4 =	vld [tilespmem:s15+$0x4000]  }
0x30c: {  	v5 =	vshrl.u32 v3, $0x11;
	v10 =	vld [tilespmem:s15+$0x6000]  }
0x30d: {  	v5 =	vand.u32 $0x3FF0, v5;
	v7 =	vsub.f32 v7, v9  }
0x30e: {  	v5 =	vor.u32 v1, v5  }
0x30f: {  	[tilespmem:v8+s20+$0x0] =	vst.idx.add.f32.msk $0xffff, v2;
	v7 =	vand.u32 $0x7FFFFFFF, v7  }
0x310: {  	s16 =	sor.u32 $0x300, s6;
	[tilespmem:v8+s21+$0x0] =	vst.idx.add.f32.msk $0xffff, v6;
	v6 =	vshrl.u32 v7, $0x11  }
0x311: {  	v8 =	vld [tilespmem:s16+$0x4000];
	v6 =	vand.u32 $0x3FF0, v6;
	v4 =	vsub.f32 v4, v10  }
0x312: {  	v9 =	vld [tilespmem:s16+$0x6000];
	v6 =	vor.u32 v1, v6  }
0x313: {  	[tilespmem:v5+s20+$0x0] =	vst.idx.add.f32.msk $0xffff, v2;
	v4 =	vand.u32 $0x7FFFFFFF, v4  }
0x314: {  	s17 =	sor.u32 $0x380, s9;
	[tilespmem:v5+s21+$0x0] =	vst.idx.add.f32.msk $0xffff, v3;
	v3 =	vshrl.u32 v4, $0x11  }
0x315: {  	v5 =	vld [tilespmem:s17+$0x4000];
	v3 =	vand.u32 $0x3FF0, v3  }
0x316: {  	v10 =	vld [tilespmem:s17+$0x6000];
	v3 =	vor.u32 v1, v3  }
0x317: {  	v8 =	vsub.f32 v8, v9;
	[tilespmem:v6+s20+$0x0] =	vst.idx.add.f32.msk $0xffff, v2  }
0x318: {  	s18 =	sor.u32 $0x380, s1;
	[tilespmem:v6+s21+$0x0] =	vst.idx.add.f32.msk $0xffff, v7  }
0x319: {  	v6 =	vand.u32 $0x7FFFFFFF, v8;
	v7 =	vld [tilespmem:s18+$0x4000]  }
0x31a: {  	v8 =	vshrl.u32 v6, $0x11;
	v9 =	vld [tilespmem:s18+$0x6000]  }
0x31b: {  	v8 =	vand.u32 $0x3FF0, v8;
	v5 =	vsub.f32 v5, v10;
	[tilespmem:v3+s20+$0x0] =	vst.idx.add.f32.msk $0xffff, v2  }
0x31c: {  	v8 =	vor.u32 v1, v8;
	[tilespmem:v3+s21+$0x0] =	vst.idx.add.f32.msk $0xffff, v4  }
0x31d: {  	v3 =	vand.u32 $0x7FFFFFFF, v5;
	v4 =	vld [tilespmem:s3+$0x5030]  }
0x31e: {  	v5 =	vshrl.u32 v3, $0x11;
	v10 =	vld [tilespmem:s3+$0x7030]  }
0x31f: {  	v5 =	vand.u32 $0x3FF0, v5;
	v7 =	vsub.f32 v7, v9  }
0x320: {  	v5 =	vor.u32 v1, v5  }
0x321: {  	[tilespmem:v8+s20+$0x0] =	vst.idx.add.f32.msk $0xffff, v2;
	v7 =	vand.u32 $0x7FFFFFFF, v7  }
0x322: {  	s19 =	sor.u32 $0x380, s6;
	[tilespmem:v8+s21+$0x0] =	vst.idx.add.f32.msk $0xffff, v6;
	v6 =	vshrl.u32 v7, $0x11  }
0x323: {  	v8 =	vld [tilespmem:s19+$0x4000];
	v6 =	vand.u32 $0x3FF0, v6;
	v4 =	vsub.f32 v4, v10  }
0x324: {  	v9 =	vld [tilespmem:s19+$0x6000];
	v6 =	vor.u32 v1, v6  }
0x325: {  	[tilespmem:v5+s20+$0x0] =	vst.idx.add.f32.msk $0xffff, v2;
	v4 =	vand.u32 $0x7FFFFFFF, v4  }
0x326: {  	[tilespmem:v5+s21+$0x0] =	vst.idx.add.f32.msk $0xffff, v3;
	v3 =	vshrl.u32 v4, $0x11  }
0x327: {  	v5 =	vld [tilespmem:s3+$0x5000];
	v3 =	vand.u32 $0x3FF0, v3  }
0x328: {  	v10 =	vld [tilespmem:s3+$0x7000];
	v3 =	vor.u32 v1, v3  }
0x329: {  	v8 =	vsub.f32 v8, v9;
	[tilespmem:v6+s20+$0x0] =	vst.idx.add.f32.msk $0xffff, v2  }
0x32a: {  	[tilespmem:v6+s21+$0x0] =	vst.idx.add.f32.msk $0xffff, v7  }
0x32b: {  	v6 =	vand.u32 $0x7FFFFFFF, v8;
	v7 =	vld [tilespmem:s3+$0x5010]  }
0x32c: {  	v8 =	vshrl.u32 v6, $0x11;
	v9 =	vld [tilespmem:s3+$0x7010]  }
0x32d: {  	v8 =	vand.u32 $0x3FF0, v8;
	v5 =	vsub.f32 v5, v10;
	[tilespmem:v3+s20+$0x0] =	vst.idx.add.f32.msk $0xffff, v2  }
0x32e: {  	v8 =	vor.u32 v1, v8;
	[tilespmem:v3+s21+$0x0] =	vst.idx.add.f32.msk $0xffff, v4  }
0x32f: {  	v3 =	vand.u32 $0x7FFFFFFF, v5;
	v4 =	vld [tilespmem:s3+$0x50B0]  }
0x330: {  	v5 =	vshrl.u32 v3, $0x11;
	v10 =	vld [tilespmem:s3+$0x70B0]  }
0x331: {  	v5 =	vand.u32 $0x3FF0, v5;
	v7 =	vsub.f32 v7, v9  }
0x332: {  	v5 =	vor.u32 v1, v5  }
0x333: {  	[tilespmem:v8+s20+$0x0] =	vst.idx.add.f32.msk $0xffff, v2;
	v7 =	vand.u32 $0x7FFFFFFF, v7  }
0x334: {  	[tilespmem:v8+s21+$0x0] =	vst.idx.add.f32.msk $0xffff, v6;
	v6 =	vshrl.u32 v7, $0x11  }
0x335: {  	v8 =	vld [tilespmem:s3+$0x5020];
	v6 =	vand.u32 $0x3FF0, v6;
	v4 =	vsub.f32 v4, v10  }
0x336: {  	v9 =	vld [tilespmem:s3+$0x7020];
	v6 =	vor.u32 v1, v6  }
0x337: {  	[tilespmem:v5+s20+$0x0] =	vst.idx.add.f32.msk $0xffff, v2;
	v4 =	vand.u32 $0x7FFFFFFF, v4  }
0x338: {  	[tilespmem:v5+s21+$0x0] =	vst.idx.add.f32.msk $0xffff, v3;
	v3 =	vshrl.u32 v4, $0x11  }
0x339: {  	v5 =	vld [tilespmem:s3+$0x5080];
	v3 =	vand.u32 $0x3FF0, v3  }
0x33a: {  	v10 =	vld [tilespmem:s3+$0x7080];
	v3 =	vor.u32 v1, v3  }
0x33b: {  	v8 =	vsub.f32 v8, v9;
	[tilespmem:v6+s20+$0x0] =	vst.idx.add.f32.msk $0xffff, v2  }
0x33c: {  	[tilespmem:v6+s21+$0x0] =	vst.idx.add.f32.msk $0xffff, v7  }
0x33d: {  	v6 =	vand.u32 $0x7FFFFFFF, v8;
	v7 =	vld [tilespmem:s3+$0x5090]  }
0x33e: {  	v8 =	vshrl.u32 v6, $0x11;
	v9 =	vld [tilespmem:s3+$0x7090]  }
0x33f: {  	v8 =	vand.u32 $0x3FF0, v8;
	v5 =	vsub.f32 v5, v10;
	[tilespmem:v3+s20+$0x0] =	vst.idx.add.f32.msk $0xffff, v2  }
0x340: {  	v8 =	vor.u32 v1, v8;
	[tilespmem:v3+s21+$0x0] =	vst.idx.add.f32.msk $0xffff, v4  }
0x341: {  	v3 =	vand.u32 $0x7FFFFFFF, v5;
	v4 =	vld [tilespmem:s3+$0x5130]  }
0x342: {  	v5 =	vshrl.u32 v3, $0x11;
	v10 =	vld [tilespmem:s3+$0x7130]  }
0x343: {  	v5 =	vand.u32 $0x3FF0, v5;
	v7 =	vsub.f32 v7, v9  }
0x344: {  	v5 =	vor.u32 v1, v5  }
0x345: {  	[tilespmem:v8+s20+$0x0] =	vst.idx.add.f32.msk $0xffff, v2;
	v7 =	vand.u32 $0x7FFFFFFF, v7  }
0x346: {  	[tilespmem:v8+s21+$0x0] =	vst.idx.add.f32.msk $0xffff, v6;
	v6 =	vshrl.u32 v7, $0x11  }
0x347: {  	v8 =	vld [tilespmem:s3+$0x50A0];
	v6 =	vand.u32 $0x3FF0, v6;
	v4 =	vsub.f32 v4, v10  }
0x348: {  	v9 =	vld [tilespmem:s3+$0x70A0];
	v6 =	vor.u32 v1, v6  }
0x349: {  	[tilespmem:v5+s20+$0x0] =	vst.idx.add.f32.msk $0xffff, v2;
	v4 =	vand.u32 $0x7FFFFFFF, v4  }
0x34a: {  	[tilespmem:v5+s21+$0x0] =	vst.idx.add.f32.msk $0xffff, v3;
	v3 =	vshrl.u32 v4, $0x11  }
0x34b: {  	v5 =	vld [tilespmem:s3+$0x5100];
	v3 =	vand.u32 $0x3FF0, v3  }
0x34c: {  	v10 =	vld [tilespmem:s3+$0x7100];
	v3 =	vor.u32 v1, v3  }
0x34d: {  	v8 =	vsub.f32 v8, v9;
	[tilespmem:v6+s20+$0x0] =	vst.idx.add.f32.msk $0xffff, v2  }
0x34e: {  	[tilespmem:v6+s21+$0x0] =	vst.idx.add.f32.msk $0xffff, v7  }
0x34f: {  	v6 =	vand.u32 $0x7FFFFFFF, v8;
	v7 =	vld [tilespmem:s3+$0x5110]  }
0x350: {  	v8 =	vshrl.u32 v6, $0x11;
	v9 =	vld [tilespmem:s3+$0x7110]  }
0x351: {  	v8 =	vand.u32 $0x3FF0, v8;
	v5 =	vsub.f32 v5, v10;
	[tilespmem:v3+s20+$0x0] =	vst.idx.add.f32.msk $0xffff, v2  }
0x352: {  	v8 =	vor.u32 v1, v8;
	[tilespmem:v3+s21+$0x0] =	vst.idx.add.f32.msk $0xffff, v4  }
0x353: {  	v3 =	vand.u32 $0x7FFFFFFF, v5;
	v4 =	vld [tilespmem:s3+$0x51B0]  }
0x354: {  	v5 =	vshrl.u32 v3, $0x11;
	v10 =	vld [tilespmem:s3+$0x71B0]  }
0x355: {  	v5 =	vand.u32 $0x3FF0, v5;
	v7 =	vsub.f32 v7, v9  }
0x356: {  	v5 =	vor.u32 v1, v5  }
0x357: {  	[tilespmem:v8+s20+$0x0] =	vst.idx.add.f32.msk $0xffff, v2;
	v7 =	vand.u32 $0x7FFFFFFF, v7  }
0x358: {  	[tilespmem:v8+s21+$0x0] =	vst.idx.add.f32.msk $0xffff, v6;
	v6 =	vshrl.u32 v7, $0x11  }
0x359: {  	v8 =	vld [tilespmem:s3+$0x5120];
	v6 =	vand.u32 $0x3FF0, v6;
	v4 =	vsub.f32 v4, v10  }
0x35a: {  	v9 =	vld [tilespmem:s3+$0x7120];
	v6 =	vor.u32 v1, v6  }
0x35b: {  	[tilespmem:v5+s20+$0x0] =	vst.idx.add.f32.msk $0xffff, v2;
	v4 =	vand.u32 $0x7FFFFFFF, v4  }
0x35c: {  	s22 =	sor.u32 $0x1180, s25;
	[tilespmem:v5+s21+$0x0] =	vst.idx.add.f32.msk $0xffff, v3;
	v3 =	vshrl.u32 v4, $0x11  }
0x35d: {  	v5 =	vld [tilespmem:s22+$0x4000];
	v3 =	vand.u32 $0x3FF0, v3  }
0x35e: {  	v10 =	vld [tilespmem:s22+$0x6000];
	v3 =	vor.u32 v1, v3  }
0x35f: {  	v8 =	vsub.f32 v8, v9;
	[tilespmem:v6+s20+$0x0] =	vst.idx.add.f32.msk $0xffff, v2  }
0x360: {  	[tilespmem:v6+s21+$0x0] =	vst.idx.add.f32.msk $0xffff, v7  }
0x361: {  	v6 =	vand.u32 $0x7FFFFFFF, v8;
	v7 =	vld [tilespmem:s3+$0x5190]  }
0x362: {  	v8 =	vshrl.u32 v6, $0x11;
	v9 =	vld [tilespmem:s3+$0x7190]  }
0x363: {  	v8 =	vand.u32 $0x3FF0, v8;
	v5 =	vsub.f32 v5, v10;
	[tilespmem:v3+s20+$0x0] =	vst.idx.add.f32.msk $0xffff, v2  }
0x364: {  	s23 =	sor.u32 $0x1200, s0;
	v8 =	vor.u32 v1, v8;
	[tilespmem:v3+s21+$0x0] =	vst.idx.add.f32.msk $0xffff, v4  }
0x365: {  	v3 =	vand.u32 $0x7FFFFFFF, v5;
	v4 =	vld [tilespmem:s23+$0x4000]  }
0x366: {  	v5 =	vshrl.u32 v3, $0x11;
	v10 =	vld [tilespmem:s23+$0x6000]  }
0x367: {  	v5 =	vand.u32 $0x3FF0, v5;
	v7 =	vsub.f32 v7, v9  }
0x368: {  	v5 =	vor.u32 v1, v5  }
0x369: {  	[tilespmem:v8+s20+$0x0] =	vst.idx.add.f32.msk $0xffff, v2;
	v7 =	vand.u32 $0x7FFFFFFF, v7  }
0x36a: {  	[tilespmem:v8+s21+$0x0] =	vst.idx.add.f32.msk $0xffff, v6;
	v6 =	vshrl.u32 v7, $0x11  }
0x36b: {  	v8 =	vld [tilespmem:s3+$0x51A0];
	v6 =	vand.u32 $0x3FF0, v6;
	v4 =	vsub.f32 v4, v10  }
0x36c: {  	v9 =	vld [tilespmem:s3+$0x71A0];
	v6 =	vor.u32 v1, v6  }
0x36d: {  	[tilespmem:v5+s20+$0x0] =	vst.idx.add.f32.msk $0xffff, v2;
	v4 =	vand.u32 $0x7FFFFFFF, v4  }
0x36e: {  	s24 =	sor.u32 $0x1200, s4;
	[tilespmem:v5+s21+$0x0] =	vst.idx.add.f32.msk $0xffff, v3;
	v3 =	vshrl.u32 v4, $0x11  }
0x36f: {  	v5 =	vld [tilespmem:s24+$0x4000];
	v3 =	vand.u32 $0x3FF0, v3  }
0x370: {  	v10 =	vld [tilespmem:s24+$0x6000];
	v3 =	vor.u32 v1, v3  }
0x371: {  	v8 =	vsub.f32 v8, v9;
	[tilespmem:v6+s20+$0x0] =	vst.idx.add.f32.msk $0xffff, v2  }
0x372: {  	s25 =	sor.u32 $0x1200, s1;
	[tilespmem:v6+s21+$0x0] =	vst.idx.add.f32.msk $0xffff, v7  }
0x373: {  	v6 =	vand.u32 $0x7FFFFFFF, v8;
	v7 =	vld [tilespmem:s25+$0x4000]  }
0x374: {  	v8 =	vshrl.u32 v6, $0x11;
	v9 =	vld [tilespmem:s25+$0x6000]  }
0x375: {  	v8 =	vand.u32 $0x3FF0, v8;
	v5 =	vsub.f32 v5, v10;
	[tilespmem:v3+s20+$0x0] =	vst.idx.add.f32.msk $0xffff, v2  }
0x376: {  	s26 =	sor.u32 $0x1280, s0;
	v8 =	vor.u32 v1, v8;
	[tilespmem:v3+s21+$0x0] =	vst.idx.add.f32.msk $0xffff, v4  }
0x377: {  	v3 =	vand.u32 $0x7FFFFFFF, v5;
	v4 =	vld [tilespmem:s26+$0x4000]  }
0x378: {  	v5 =	vshrl.u32 v3, $0x11;
	v10 =	vld [tilespmem:s26+$0x6000]  }
0x379: {  	v5 =	vand.u32 $0x3FF0, v5;
	v7 =	vsub.f32 v7, v9  }
0x37a: {  	v5 =	vor.u32 v1, v5  }
0x37b: {  	[tilespmem:v8+s20+$0x0] =	vst.idx.add.f32.msk $0xffff, v2;
	v7 =	vand.u32 $0x7FFFFFFF, v7  }
0x37c: {  	s28 =	sor.u32 $0x1200, s6;
	[tilespmem:v8+s21+$0x0] =	vst.idx.add.f32.msk $0xffff, v6;
	v6 =	vshrl.u32 v7, $0x11  }
0x37d: {  	v8 =	vld [tilespmem:s28+$0x4000];
	v6 =	vand.u32 $0x3FF0, v6;
	v4 =	vsub.f32 v4, v10  }
0x37e: {  	v9 =	vld [tilespmem:s28+$0x6000];
	v6 =	vor.u32 v1, v6  }
0x37f: {  	[tilespmem:v5+s20+$0x0] =	vst.idx.add.f32.msk $0xffff, v2;
	v4 =	vand.u32 $0x7FFFFFFF, v4  }
0x380: {  	s29 =	sor.u32 $0x1280, s4;
	[tilespmem:v5+s21+$0x0] =	vst.idx.add.f32.msk $0xffff, v3;
	v3 =	vshrl.u32 v4, $0x11  }
0x381: {  	v5 =	vld [tilespmem:s29+$0x4000];
	v3 =	vand.u32 $0x3FF0, v3  }
0x382: {  	v10 =	vld [tilespmem:s29+$0x6000];
	v11 =	vor.u32 v1, v3  }
0x383: {  	[tilespmem:v6+s20+$0x0] =	vst.idx.add.f32.msk $0xffff, v2  }
0x384: {  	s30 =	sor.u32 $0x1280, s1;
	v3 =	vsub.f32 v8, v9;
	[tilespmem:v6+s21+$0x0] =	vst.idx.add.f32.msk $0xffff, v7  }
0x385: {  	v6 =	vld [tilespmem:s30+$0x4000]  }
0x386: {  	s7 =	sor.u32 $0x1300, s1;
	v3 =	vand.u32 $0x7FFFFFFF, v3;
	v7 =	vld [tilespmem:s30+$0x6000]  }
0x387: {  	s2 =	sor.u32 $0x1380, s6;
	s5 =	simm.s32 $0x0;
	s8 =	sor.u32 $0x1300, s4;
	v8 =	vshrl.u32 v3, $0x11;
	v5 =	vsub.f32 v5, v10;
	[tilespmem:v11+s20+$0x0] =	vst.idx.add.f32.msk $0xffff, v2  }
0x388: {  	s4 =	simm.s32 $0x0;
	s16 =	sor.u32 $0x1380, s1;
	s1 =	sor.u32 $0x1300, s0;
	v8 =	vand.u32 $0x3FF0, v8;
	[tilespmem:v11+s21+$0x0] =	vst.idx.add.f32.msk $0xffff, v4  }
0x389: {  	s13 =	sor.u32 $0x1280, s6;
	s14 =	sor.u32 $0x1300, s6;
	s6 =	simm.s32 $0x0;
	v8 =	vor.u32 v1, v8;
	v4 =	vand.u32 $0x7FFFFFFF, v5;
	v5 =	vld [tilespmem:s1+$0x4000]  }
.LBB2_8:
0x38a: {  	_ =	sdelay $0x2  }
0x38b: {  	s31 =	sadd.s32 $0x40, s31;
	v10 =	vld [tilespmem:s1+$0x6000];
	s9 =	sadd.s32 $0x40, s9;
	s4 =	sadd.s32 $0x200, s4  }
0x38c: {  	[tilespmem:v8+s20+$0x0] =	vst.idx.add.f32.msk $0xffff, v2;
	s29 =	sand.u32 $0xFFFFFC00, s4;
	s30 =	sand.u32 $0x40, s31;
	s3 =	sand.u32 $0xC00, s4  }
0x38d: {  	[dreg:$0x4] =	wrdreg s9;
	[tilespmem:v8+s21+$0x0] =	vst.idx.add.f32.msk $0xffff, v3;
	s10 =	sadd.s32 s29, s9;
	s9 =	sor.u32 s30, s3;
	v6 =	vsub.f32 v6, v7  }
0x38e: {  	v8 =	vld [tilespmem:s9+$0x4030]  }
0x38f: {  	v3 =	vand.u32 $0x7FFFFFFF, v6;
	v6 =	vld [tilespmem:s9+$0x6030]  }
0x390: {  	v9 =	vshrl.u32 v4, $0x11;
	v17 =	vld [tilespmem:s13+$0x6000];
	v5 =	vsub.f32 v5, v10  }
0x391: {  	v9 =	vand.u32 $0x3FF0, v9;
	v11 =	vld [tilespmem:s9+$0x4000]  }
0x392: {  	v12 =	vld [tilespmem:s9+$0x4010];
	v7 =	vor.u32 v1, v9;
	v5 =	vand.u32 $0x7FFFFFFF, v5  }
0x393: {  	v10 =	vld [tilespmem:s9+$0x6000];
	v14 =	vshrl.u32 v5, $0x11  }
0x394: {  	v13 =	vld [tilespmem:s9+$0x6010];
	v6 =	vsub.f32 v8, v6;
	v8 =	vand.u32 $0x3FF0, v14  }
0x395: {  	v15 =	vld [tilespmem:s9+$0x4020];
	v8 =	vor.u32 v1, v8  }
0x396: {  	v52 =	vld [tilespmem:s9+$0x6020];
	v6 =	vand.u32 $0x7FFFFFFF, v6  }
0x397: {  	[tilespmem:v7+s20+$0x0] =	vst.idx.add.f32.msk $0xffff, v2;
	v16 =	vshrl.u32 v6, $0x11  }
0x398: {  	v10 =	vsub.f32 v11, v10;
	v11 =	vld [tilespmem:s13+$0x4000];
	v53 =	vand.u32 $0x3FF0, v16  }
0x399: {  	v12 =	vsub.f32 v12, v13;
	[tilespmem:v7+s21+$0x0] =	vst.idx.add.f32.msk $0xffff, v4;
	v13 =	vor.u32 v1, v53  }
0x39a: {  	v10 =	vand.u32 $0x7FFFFFFF, v10;
	[tilespmem:v8+s20+$0x0] =	vst.idx.add.f32.msk $0xffff, v2  }
0x39b: {  	s0 =	sor.u32 $0x1380, s0;
	v54 =	vshrl.u32 v10, $0x11;
	[tilespmem:v8+s21+$0x0] =	vst.idx.add.f32.msk $0xffff, v5  }
0x39c: {  	v7 =	vand.u32 $0x7FFFFFFF, v12;
	v4 =	vand.u32 $0x3FF0, v54;
	v57 =	vld [tilespmem:s0+$0x4000]  }
0x39d: {  	v55 =	vsub.f32 v15, v52;
	v56 =	vshrl.u32 v7, $0x11;
	v4 =	vor.u32 v1, v4;
	v59 =	vld [tilespmem:s0+$0x6000]  }
0x39e: {  	v5 =	vand.u32 $0x3FF0, v56;
	[tilespmem:v13+s20+$0x0] =	vst.idx.add.f32.msk $0xffff, v2  }
0x39f: {  	v8 =	vand.u32 $0x7FFFFFFF, v55;
	v5 =	vor.u32 v1, v5;
	[tilespmem:v13+s21+$0x0] =	vst.idx.add.f32.msk $0xffff, v6  }
0x3a0: {  	v58 =	vshrl.u32 v8, $0x11;
	v13 =	vld [tilespmem:s9+$0x40B0]  }
0x3a1: {  	v14 =	vand.u32 $0x3FF0, v58;
	v60 =	vld [tilespmem:s9+$0x60B0]  }
0x3a2: {  	[tilespmem:v4+s20+$0x0] =	vst.idx.add.f32.msk $0xffff, v2;
	v14 =	vor.u32 v1, v14;
	v12 =	vsub.f32 v57, v59  }
0x3a3: {  	[tilespmem:v4+s21+$0x0] =	vst.idx.add.f32.msk $0xffff, v10  }
0x3a4: {  	[tilespmem:v5+s20+$0x0] =	vst.idx.add.f32.msk $0xffff, v2;
	v4 =	vand.u32 $0x7FFFFFFF, v12  }
0x3a5: {  	[tilespmem:v5+s21+$0x0] =	vst.idx.add.f32.msk $0xffff, v7;
	v5 =	vshrl.u32 v4, $0x11  }
0x3a6: {  	v10 =	vld [tilespmem:s9+$0x6080];
	v7 =	vsub.f32 v13, v60;
	v5 =	vand.u32 $0x3FF0, v5  }
0x3a7: {  	[tilespmem:v14+s20+$0x0] =	vst.idx.add.f32.msk $0xffff, v2;
	v5 =	vor.u32 v1, v5  }
0x3a8: {  	[tilespmem:v14+s21+$0x0] =	vst.idx.add.f32.msk $0xffff, v8;
	v7 =	vand.u32 $0x7FFFFFFF, v7  }
0x3a9: {  	v8 =	vld [tilespmem:s9+$0x4080];
	v61 =	vshrl.u32 v7, $0x11  }
0x3aa: {  	v62 =	vld [tilespmem:s9+$0x4090];
	v12 =	vand.u32 $0x3FF0, v61  }
0x3ab: {  	v63 =	vld [tilespmem:s9+$0x6090];
	v12 =	vor.u32 v1, v12  }
0x3ac: {  	v11 =	vsub.f32 v11, v17;
	[tilespmem:v5+s20+$0x0] =	vst.idx.add.f32.msk $0xffff, v2  }
0x3ad: {  	v9 =	vshrl.u32 v3, $0x11;
	[tilespmem:v5+s21+$0x0] =	vst.idx.add.f32.msk $0xffff, v4  }
0x3ae: {  	v9 =	vand.u32 $0x3FF0, v9;
	v11 =	vand.u32 $0x7FFFFFFF, v11;
	v4 =	vsub.f32 v8, v10;
	v5 =	vld [tilespmem:s9+$0x40A0]  }
0x3af: {  	v9 =	vor.u32 v1, v9;
	v6 =	vshrl.u32 v11, $0x11;
	v8 =	vld [tilespmem:s9+$0x60A0]  }
0x3b0: {  	v6 =	vand.u32 $0x3FF0, v6;
	v10 =	vsub.f32 v62, v63;
	v4 =	vand.u32 $0x7FFFFFFF, v4;
	[tilespmem:v12+s20+$0x0] =	vst.idx.add.f32.msk $0xffff, v2  }
0x3b1: {  	v6 =	vor.u32 v1, v6;
	v16 =	vshrl.u32 v4, $0x11;
	[tilespmem:v12+s21+$0x0] =	vst.idx.add.f32.msk $0xffff, v7  }
0x3b2: {  	v10 =	vand.u32 $0x7FFFFFFF, v10;
	v7 =	vand.u32 $0x3FF0, v16;
	v12 =	vld [tilespmem:s9+$0x4130]  }
0x3b3: {  	v17 =	vshrl.u32 v10, $0x11;
	v7 =	vor.u32 v1, v7;
	v18 =	vld [tilespmem:s9+$0x6130]  }
0x3b4: {  	[tilespmem:v9+s20+$0x0] =	vst.idx.add.f32.msk $0xffff, v2;
	v13 =	vand.u32 $0x3FF0, v17;
	v5 =	vsub.f32 v5, v8  }
0x3b5: {  	[tilespmem:v9+s21+$0x0] =	vst.idx.add.f32.msk $0xffff, v3;
	v8 =	vor.u32 v1, v13  }
0x3b6: {  	[tilespmem:v6+s20+$0x0] =	vst.idx.add.f32.msk $0xffff, v2;
	v3 =	vand.u32 $0x7FFFFFFF, v5  }
0x3b7: {  	[tilespmem:v6+s21+$0x0] =	vst.idx.add.f32.msk $0xffff, v11;
	v5 =	vshrl.u32 v3, $0x11  }
0x3b8: {  	v5 =	vand.u32 $0x3FF0, v5;
	[tilespmem:v7+s20+$0x0] =	vst.idx.add.f32.msk $0xffff, v2;
	v6 =	vsub.f32 v12, v18  }
0x3b9: {  	[tilespmem:v7+s21+$0x0] =	vst.idx.add.f32.msk $0xffff, v4;
	v4 =	vor.u32 v1, v5  }
0x3ba: {  	[tilespmem:v8+s20+$0x0] =	vst.idx.add.f32.msk $0xffff, v2;
	v5 =	vand.u32 $0x7FFFFFFF, v6  }
0x3bb: {  	[tilespmem:v8+s21+$0x0] =	vst.idx.add.f32.msk $0xffff, v10;
	v6 =	vshrl.u32 v5, $0x11  }
0x3bc: {  	v7 =	vld [tilespmem:s9+$0x4100];
	v6 =	vand.u32 $0x3FF0, v6  }
0x3bd: {  	v8 =	vld [tilespmem:s9+$0x6100];
	v6 =	vor.u32 v1, v6  }
0x3be: {  	[tilespmem:v4+s20+$0x0] =	vst.idx.add.f32.msk $0xffff, v2  }
0x3bf: {  	[tilespmem:v4+s21+$0x0] =	vst.idx.add.f32.msk $0xffff, v3  }
0x3c0: {  	v3 =	vld [tilespmem:s9+$0x4110]  }
0x3c1: {  	v4 =	vld [tilespmem:s9+$0x6110]  }
0x3c2: {  	v7 =	vsub.f32 v7, v8;
	[tilespmem:v6+s20+$0x0] =	vst.idx.add.f32.msk $0xffff, v2  }
0x3c3: {  	[tilespmem:v6+s21+$0x0] =	vst.idx.add.f32.msk $0xffff, v5  }
0x3c4: {  	v5 =	vand.u32 $0x7FFFFFFF, v7;
	v6 =	vld [tilespmem:s9+$0x41B0]  }
0x3c5: {  	v7 =	vshrl.u32 v5, $0x11;
	v8 =	vld [tilespmem:s9+$0x61B0]  }
0x3c6: {  	v9 =	vld [tilespmem:s9+$0x6120];
	v3 =	vsub.f32 v3, v4;
	v7 =	vand.u32 $0x3FF0, v7  }
0x3c7: {  	v4 =	vld [tilespmem:s9+$0x4120];
	v7 =	vor.u32 v1, v7  }
0x3c8: {  	v10 =	vld [tilespmem:s8+$0x4000];
	v3 =	vand.u32 $0x7FFFFFFF, v3  }
0x3c9: {  	v19 =	vld [tilespmem:s8+$0x6000];
	v11 =	vshrl.u32 v3, $0x11  }
0x3ca: {  	v20 =	vld [tilespmem:s7+$0x6000];
	v11 =	vand.u32 $0x3FF0, v11;
	v6 =	vsub.f32 v6, v8  }
0x3cb: {  	v8 =	vld [tilespmem:s7+$0x4000];
	v11 =	vor.u32 v1, v11  }
0x3cc: {  	v4 =	vsub.f32 v4, v9;
	[tilespmem:v7+s20+$0x0] =	vst.idx.add.f32.msk $0xffff, v2;
	v9 =	vand.u32 $0x7FFFFFFF, v6  }
0x3cd: {  	s1 =	sor.u32 $0x180, s10;
	[tilespmem:v7+s21+$0x0] =	vst.idx.add.f32.msk $0xffff, v5;
	v5 =	vshrl.u32 v9, $0x11  }
0x3ce: {  	v21 =	vand.u32 $0x7FFFFFFF, v4;
	v7 =	vld [tilespmem:s1+$0x4000];
	v4 =	vand.u32 $0x3FF0, v5  }
0x3cf: {  	v5 =	vsub.f32 v10, v19;
	v10 =	vld [tilespmem:s1+$0x6000];
	v4 =	vor.u32 v1, v4  }
0x3d0: {  	p2 =	por !p2, !p2;
	s0 =	simm.s32 $0x1;
	v6 =	vshrl.u32 v21, $0x11;
	[tilespmem:v11+s20+$0x0] =	vst.idx.add.f32.msk $0xffff, v2  }
0x3d1: {  	s0 =	simm.s32 @!p2 $0x0;
	v22 =	vand.u32 $0x3FF0, v6;
	v6 =	vand.u32 $0x7FFFFFFF, v5;
	v5 =	vsub.f32 v8, v20;
	[tilespmem:v11+s21+$0x0] =	vst.idx.add.f32.msk $0xffff, v3  }
0x3d2: {  	s0 =	sshll.u32 s0, $0x6;
	v3 =	vshrl.u32 v6, $0x11;
	v11 =	vld [tilespmem:s9+$0x4190]  }
0x3d3: {  	s8 =	sadd.s32 s0, s4;
	v8 =	vor.u32 v1, v22;
	v23 =	vand.u32 $0x3FF0, v3;
	v3 =	vand.u32 $0x7FFFFFFF, v5;
	v5 =	vld [tilespmem:s9+$0x6190]  }
0x3d4: {  	s0 =	sadd.s32 $0x30, s8;
	v7 =	vsub.f32 v7, v10;
	[tilespmem:v4+s20+$0x0] =	vst.idx.add.f32.msk $0xffff, v2  }
0x3d5: {  	s13 =	sor.u32 $0x200, s0;
	v24 =	vshrl.u32 v3, $0x11;
	[tilespmem:v4+s21+$0x0] =	vst.idx.add.f32.msk $0xffff, v9  }
0x3d6: {  	v10 =	vand.u32 $0x3FF0, v24;
	v7 =	vand.u32 $0x7FFFFFFF, v7;
	v9 =	vld [tilespmem:s13+$0x4000]  }
0x3d7: {  	v4 =	vor.u32 v1, v10;
	v10 =	vshrl.u32 v7, $0x11;
	v25 =	vld [tilespmem:s13+$0x6000]  }
0x3d8: {  	[tilespmem:v8+s20+$0x0] =	vst.idx.add.f32.msk $0xffff, v2;
	v10 =	vand.u32 $0x3FF0, v10;
	v5 =	vsub.f32 v11, v5  }
0x3d9: {  	[tilespmem:v8+s21+$0x0] =	vst.idx.add.f32.msk $0xffff, v21;
	v10 =	vor.u32 v1, v10  }
0x3da: {  	v8 =	vld [tilespmem:s9+$0x41A0];
	v5 =	vand.u32 $0x7FFFFFFF, v5  }
0x3db: {  	v14 =	vld [tilespmem:s9+$0x61A0];
	v11 =	vshrl.u32 v5, $0x11  }
0x3dc: {  	v26 =	vld [tilespmem:s14+$0x4000];
	v11 =	vand.u32 $0x3FF0, v11;
	v9 =	vsub.f32 v9, v25  }
0x3dd: {  	v27 =	vld [tilespmem:s14+$0x6000];
	v11 =	vor.u32 v1, v11  }
0x3de: {  	[tilespmem:v10+s20+$0x0] =	vst.idx.add.f32.msk $0xffff, v2;
	v9 =	vand.u32 $0x7FFFFFFF, v9  }
0x3df: {  	s3 =	sor.u32 $0x200, s8;
	[tilespmem:v10+s21+$0x0] =	vst.idx.add.f32.msk $0xffff, v7;
	v7 =	vshrl.u32 v9, $0x11  }
0x3e0: {  	v8 =	vsub.f32 v8, v14;
	v10 =	vld [tilespmem:s3+$0x4000];
	v7 =	vand.u32 $0x3FF0, v7  }
0x3e1: {  	v28 =	vld [tilespmem:s3+$0x6000];
	v7 =	vor.u32 v1, v7  }
0x3e2: {  	[dreg:$0x7] =	wrdreg s2;
	s2 =	sadd.s32 $0x10, s8;
	v8 =	vand.u32 $0x7FFFFFFF, v8;
	[tilespmem:v11+s20+$0x0] =	vst.idx.add.f32.msk $0xffff, v2  }
0x3e3: {  	[dreg:$0xc] =	wrdreg s5;
	s30 =	sadd.s32 $0x20, s8;
	s12 =	sor.u32 $0x200, s2;
	[tilespmem:v11+s21+$0x0] =	vst.idx.add.f32.msk $0xffff, v5;
	v5 =	vshrl.u32 v8, $0x11  }
0x3e4: {  	s5 =	sor.u32 $0x1180, s10;
	s23 =	sor.u32 $0x200, s30;
	s29 =	sor.u32 $0x280, s30;
	v11 =	vld [tilespmem:s12+$0x4000];
	v29 =	vand.u32 $0x3FF0, v5  }
0x3e5: {  	s19 =	sor.u32 $0x300, s30;
	s10 =	sor.u32 $0x380, s30;
	s15 =	sor.u32 $0x1280, s2;
	v30 =	vld [tilespmem:s12+$0x6000];
	v15 =	vor.u32 v1, v29  }
0x3e6: {  	s17 =	sor.u32 $0x1200, s30;
	[dreg:$0xb] =	wrdreg s15;
	s15 =	sor.u32 $0x1300, s30;
	v10 =	vsub.f32 v10, v28;
	[tilespmem:v7+s20+$0x0] =	vst.idx.add.f32.msk $0xffff, v2  }
0x3e7: {  	s1 =	sor.u32 $0x1380, s30;
	s13 =	sor.u32 $0x1280, s30;
	s30 =	sor.u32 $0x280, s0;
	[tilespmem:v7+s21+$0x0] =	vst.idx.add.f32.msk $0xffff, v9  }
0x3e8: {  	v9 =	vand.u32 $0x7FFFFFFF, v10;
	v10 =	vld [tilespmem:s30+$0x4000]  }
0x3e9: {  	v12 =	vor.u32 v1, v23;
	v33 =	vshrl.u32 v9, $0x11;
	v34 =	vld [tilespmem:s30+$0x6000]  }
0x3ea: {  	v14 =	vand.u32 $0x3FF0, v33;
	v11 =	vsub.f32 v11, v30;
	[tilespmem:v15+s20+$0x0] =	vst.idx.add.f32.msk $0xffff, v2  }
0x3eb: {  	v35 =	vor.u32 v1, v14;
	[tilespmem:v15+s21+$0x0] =	vst.idx.add.f32.msk $0xffff, v8  }
0x3ec: {  	v8 =	vand.u32 $0x7FFFFFFF, v11;
	v11 =	vld [tilespmem:s23+$0x4000]  }
0x3ed: {  	v36 =	vshrl.u32 v8, $0x11;
	v15 =	vld [tilespmem:s23+$0x6000]  }
0x3ee: {  	[tilespmem:v12+s20+$0x0] =	vst.idx.add.f32.msk $0xffff, v2;
	v14 =	vand.u32 $0x3FF0, v36;
	v10 =	vsub.f32 v10, v34  }
0x3ef: {  	[tilespmem:v12+s21+$0x0] =	vst.idx.add.f32.msk $0xffff, v6;
	v14 =	vor.u32 v1, v14  }
0x3f0: {  	[tilespmem:v35+s20+$0x0] =	vst.idx.add.f32.msk $0xffff, v2;
	v6 =	vand.u32 $0x7FFFFFFF, v10  }
0x3f1: {  	s26 =	sor.u32 $0x280, s8;
	[tilespmem:v35+s21+$0x0] =	vst.idx.add.f32.msk $0xffff, v9;
	v9 =	vshrl.u32 v6, $0x11  }
0x3f2: {  	v10 =	vld [tilespmem:s26+$0x4000];
	v11 =	vsub.f32 v11, v15;
	v9 =	vand.u32 $0x3FF0, v9  }
0x3f3: {  	v12 =	vld [tilespmem:s26+$0x6000];
	v9 =	vor.u32 v1, v9  }
0x3f4: {  	[tilespmem:v14+s20+$0x0] =	vst.idx.add.f32.msk $0xffff, v2;
	v11 =	vand.u32 $0x7FFFFFFF, v11  }
0x3f5: {  	s25 =	sor.u32 $0x280, s2;
	[tilespmem:v14+s21+$0x0] =	vst.idx.add.f32.msk $0xffff, v8;
	v8 =	vshrl.u32 v11, $0x11  }
0x3f6: {  	v37 =	vld [tilespmem:s25+$0x4000];
	v8 =	vand.u32 $0x3FF0, v8  }
0x3f7: {  	v14 =	vld [tilespmem:s25+$0x6000];
	v8 =	vor.u32 v1, v8  }
0x3f8: {  	v10 =	vsub.f32 v10, v12;
	[tilespmem:v9+s20+$0x0] =	vst.idx.add.f32.msk $0xffff, v2  }
0x3f9: {  	s12 =	sor.u32 $0x300, s0;
	[tilespmem:v9+s21+$0x0] =	vst.idx.add.f32.msk $0xffff, v6  }
0x3fa: {  	v13 =	vsub.f32 v26, v27;
	v6 =	vand.u32 $0x7FFFFFFF, v10;
	v9 =	vld [tilespmem:s12+$0x4000]  }
0x3fb: {  	v10 =	vshrl.u32 v6, $0x11;
	v38 =	vld [tilespmem:s12+$0x6000]  }
0x3fc: {  	v5 =	vand.u32 $0x7FFFFFFF, v13;
	v10 =	vand.u32 $0x3FF0, v10;
	v13 =	vsub.f32 v37, v14;
	[tilespmem:v8+s20+$0x0] =	vst.idx.add.f32.msk $0xffff, v2  }
0x3fd: {  	v10 =	vor.u32 v1, v10;
	[tilespmem:v8+s21+$0x0] =	vst.idx.add.f32.msk $0xffff, v11  }
0x3fe: {  	v8 =	vand.u32 $0x7FFFFFFF, v13;
	v11 =	vld [tilespmem:s29+$0x4000]  }
0x3ff: {  	v13 =	vshrl.u32 v8, $0x11;
	v39 =	vld [tilespmem:s29+$0x6000]  }
0x400: {  	[tilespmem:v4+s20+$0x0] =	vst.idx.add.f32.msk $0xffff, v2;
	v13 =	vand.u32 $0x3FF0, v13;
	v9 =	vsub.f32 v9, v38  }
0x401: {  	[tilespmem:v4+s21+$0x0] =	vst.idx.add.f32.msk $0xffff, v3;
	v40 =	vor.u32 v1, v13  }
0x402: {  	[tilespmem:v10+s20+$0x0] =	vst.idx.add.f32.msk $0xffff, v2;
	v3 =	vand.u32 $0x7FFFFFFF, v9  }
0x403: {  	s28 =	sor.u32 $0x300, s8;
	[tilespmem:v10+s21+$0x0] =	vst.idx.add.f32.msk $0xffff, v6;
	v4 =	vshrl.u32 v3, $0x11  }
0x404: {  	v6 =	vld [tilespmem:s28+$0x4000];
	v9 =	vsub.f32 v11, v39;
	v4 =	vand.u32 $0x3FF0, v4  }
0x405: {  	v10 =	vld [tilespmem:s28+$0x6000];
	v4 =	vor.u32 v1, v4  }
0x406: {  	[tilespmem:v40+s20+$0x0] =	vst.idx.add.f32.msk $0xffff, v2;
	v9 =	vand.u32 $0x7FFFFFFF, v9  }
0x407: {  	s22 =	sor.u32 $0x300, s2;
	[tilespmem:v40+s21+$0x0] =	vst.idx.add.f32.msk $0xffff, v8;
	v8 =	vshrl.u32 v9, $0x11  }
0x408: {  	v11 =	vld [tilespmem:s22+$0x4000];
	v8 =	vand.u32 $0x3FF0, v8  }
0x409: {  	v12 =	vld [tilespmem:s22+$0x6000];
	v8 =	vor.u32 v1, v8  }
0x40a: {  	v6 =	vsub.f32 v6, v10;
	[tilespmem:v4+s20+$0x0] =	vst.idx.add.f32.msk $0xffff, v2  }
0x40b: {  	s14 =	smov.u32 s15;
	s15 =	sor.u32 $0x380, s0;
	v31 =	vshrl.u32 v5, $0x11;
	[tilespmem:v4+s21+$0x0] =	vst.idx.add.f32.msk $0xffff, v3  }
0x40c: {  	v32 =	vand.u32 $0x3FF0, v31;
	v3 =	vand.u32 $0x7FFFFFFF, v6;
	v4 =	vld [tilespmem:s15+$0x4000]  }
0x40d: {  	v7 =	vor.u32 v1, v32;
	v6 =	vshrl.u32 v3, $0x11;
	v10 =	vld [tilespmem:s15+$0x6000]  }
0x40e: {  	v6 =	vand.u32 $0x3FF0, v6;
	v11 =	vsub.f32 v11, v12;
	[tilespmem:v8+s20+$0x0] =	vst.idx.add.f32.msk $0xffff, v2  }
0x40f: {  	v6 =	vor.u32 v1, v6;
	[tilespmem:v8+s21+$0x0] =	vst.idx.add.f32.msk $0xffff, v9  }
0x410: {  	v8 =	vand.u32 $0x7FFFFFFF, v11;
	v9 =	vld [tilespmem:s19+$0x4000]  }
0x411: {  	v11 =	vshrl.u32 v8, $0x11;
	v41 =	vld [tilespmem:s19+$0x6000]  }
0x412: {  	[tilespmem:v7+s20+$0x0] =	vst.idx.add.f32.msk $0xffff, v2;
	v11 =	vand.u32 $0x3FF0, v11;
	v4 =	vsub.f32 v4, v10  }
0x413: {  	[tilespmem:v7+s21+$0x0] =	vst.idx.add.f32.msk $0xffff, v5;
	v10 =	vor.u32 v1, v11  }
0x414: {  	s6 =	sadd.s32 $0x240, s6;
	[tilespmem:v6+s20+$0x0] =	vst.idx.add.f32.msk $0xffff, v2;
	v4 =	vand.u32 $0x7FFFFFFF, v4  }
0x415: {  	s22 =	sor.u32 $0x380, s6;
	[tilespmem:v6+s21+$0x0] =	vst.idx.add.f32.msk $0xffff, v3;
	v3 =	vshrl.u32 v4, $0x11  }
0x416: {  	v5 =	vld [tilespmem:s22+$0x4000];
	v6 =	vsub.f32 v9, v41;
	v3 =	vand.u32 $0x3FF0, v3  }
0x417: {  	v7 =	vld [tilespmem:s22+$0x6000];
	v3 =	vor.u32 v1, v3  }
0x418: {  	[tilespmem:v10+s20+$0x0] =	vst.idx.add.f32.msk $0xffff, v2;
	v6 =	vand.u32 $0x7FFFFFFF, v6  }
0x419: {  	[dreg:$0x6] =	wrdreg s5;
	s5 =	sor.u32 $0x380, s2;
	[tilespmem:v10+s21+$0x0] =	vst.idx.add.f32.msk $0xffff, v8;
	v8 =	vshrl.u32 v6, $0x11  }
0x41a: {  	v9 =	vld [tilespmem:s5+$0x4000];
	v8 =	vand.u32 $0x3FF0, v8  }
0x41b: {  	v10 =	vld [tilespmem:s5+$0x6000];
	v8 =	vor.u32 v1, v8  }
0x41c: {  	v5 =	vsub.f32 v5, v7;
	[tilespmem:v3+s20+$0x0] =	vst.idx.add.f32.msk $0xffff, v2  }
0x41d: {  	[tilespmem:v3+s21+$0x0] =	vst.idx.add.f32.msk $0xffff, v4  }
0x41e: {  	v3 =	vand.u32 $0x7FFFFFFF, v5;
	v4 =	vld [tilespmem:s9+$0x5030]  }
0x41f: {  	v5 =	vshrl.u32 v3, $0x11;
	v7 =	vld [tilespmem:s9+$0x7030]  }
0x420: {  	v5 =	vand.u32 $0x3FF0, v5;
	v9 =	vsub.f32 v9, v10;
	[tilespmem:v8+s20+$0x0] =	vst.idx.add.f32.msk $0xffff, v2  }
0x421: {  	v5 =	vor.u32 v1, v5;
	[tilespmem:v8+s21+$0x0] =	vst.idx.add.f32.msk $0xffff, v6  }
0x422: {  	s23 =	rddreg [dreg:$0xc];
	v6 =	vand.u32 $0x7FFFFFFF, v9;
	v8 =	vld [tilespmem:s10+$0x4000]  }
0x423: {  	s3 =	sor.u32 $0x1380, s23;
	v9 =	vshrl.u32 v6, $0x11;
	v10 =	vld [tilespmem:s10+$0x6000]  }
0x424: {  	v11 =	vld [tilespmem:s3+$0x6000];
	v9 =	vand.u32 $0x3FF0, v9;
	v4 =	vsub.f32 v4, v7  }
0x425: {  	v7 =	vld [tilespmem:s3+$0x4000];
	v9 =	vor.u32 v1, v9  }
0x426: {  	[tilespmem:v5+s20+$0x0] =	vst.idx.add.f32.msk $0xffff, v2;
	v4 =	vand.u32 $0x7FFFFFFF, v4  }
0x427: {  	[tilespmem:v5+s21+$0x0] =	vst.idx.add.f32.msk $0xffff, v3;
	v3 =	vshrl.u32 v4, $0x11  }
0x428: {  	v5 =	vld [tilespmem:s9+$0x5000];
	v8 =	vsub.f32 v8, v10;
	v3 =	vand.u32 $0x3FF0, v3  }
0x429: {  	v10 =	vld [tilespmem:s9+$0x7000];
	v42 =	vor.u32 v1, v3  }
0x42a: {  	[tilespmem:v9+s20+$0x0] =	vst.idx.add.f32.msk $0xffff, v2;
	v8 =	vand.u32 $0x7FFFFFFF, v8  }
0x42b: {  	[tilespmem:v9+s21+$0x0] =	vst.idx.add.f32.msk $0xffff, v6;
	v6 =	vshrl.u32 v8, $0x11  }
0x42c: {  	v3 =	vsub.f32 v7, v11;
	v7 =	vld [tilespmem:s9+$0x5010];
	v6 =	vand.u32 $0x3FF0, v6  }
0x42d: {  	v9 =	vld [tilespmem:s9+$0x7010];
	v11 =	vor.u32 v1, v6  }
0x42e: {  	v5 =	vsub.f32 v5, v10;
	[tilespmem:v42+s20+$0x0] =	vst.idx.add.f32.msk $0xffff, v2  }
0x42f: {  	[tilespmem:v42+s21+$0x0] =	vst.idx.add.f32.msk $0xffff, v4  }
0x430: {  	v4 =	vand.u32 $0x7FFFFFFF, v5;
	v5 =	vld [tilespmem:s9+$0x50B0]  }
0x431: {  	v10 =	vshrl.u32 v4, $0x11;
	v12 =	vld [tilespmem:s9+$0x70B0]  }
0x432: {  	v10 =	vand.u32 $0x3FF0, v10;
	v7 =	vsub.f32 v7, v9;
	[tilespmem:v11+s20+$0x0] =	vst.idx.add.f32.msk $0xffff, v2  }
0x433: {  	v9 =	vor.u32 v1, v10;
	[tilespmem:v11+s21+$0x0] =	vst.idx.add.f32.msk $0xffff, v8  }
0x434: {  	v7 =	vand.u32 $0x7FFFFFFF, v7;
	v8 =	vld [tilespmem:s9+$0x5020]  }
0x435: {  	v10 =	vshrl.u32 v7, $0x11;
	v11 =	vld [tilespmem:s9+$0x7020]  }
0x436: {  	v43 =	vld [tilespmem:s16+$0x4000];
	v10 =	vand.u32 $0x3FF0, v10;
	v5 =	vsub.f32 v5, v12  }
0x437: {  	v44 =	vld [tilespmem:s16+$0x6000];
	v10 =	vor.u32 v1, v10  }
0x438: {  	[tilespmem:v9+s20+$0x0] =	vst.idx.add.f32.msk $0xffff, v2;
	v5 =	vand.u32 $0x7FFFFFFF, v5  }
0x439: {  	[tilespmem:v9+s21+$0x0] =	vst.idx.add.f32.msk $0xffff, v4;
	v4 =	vshrl.u32 v5, $0x11  }
0x43a: {  	v9 =	vld [tilespmem:s9+$0x5080];
	v8 =	vsub.f32 v8, v11;
	v4 =	vand.u32 $0x3FF0, v4  }
0x43b: {  	v11 =	vld [tilespmem:s9+$0x7080];
	v45 =	vor.u32 v1, v4  }
0x43c: {  	[tilespmem:v10+s20+$0x0] =	vst.idx.add.f32.msk $0xffff, v2;
	v8 =	vand.u32 $0x7FFFFFFF, v8  }
0x43d: {  	[tilespmem:v10+s21+$0x0] =	vst.idx.add.f32.msk $0xffff, v7;
	v7 =	vshrl.u32 v8, $0x11  }
0x43e: {  	v10 =	vld [tilespmem:s9+$0x5090];
	v7 =	vand.u32 $0x3FF0, v7  }
0x43f: {  	v46 =	vld [tilespmem:s9+$0x7090];
	v47 =	vor.u32 v1, v7  }
0x440: {  	v9 =	vsub.f32 v9, v11;
	[tilespmem:v45+s20+$0x0] =	vst.idx.add.f32.msk $0xffff, v2  }
0x441: {  	[tilespmem:v45+s21+$0x0] =	vst.idx.add.f32.msk $0xffff, v5  }
0x442: {  	v5 =	vand.u32 $0x7FFFFFFF, v9;
	v9 =	vld [tilespmem:s9+$0x5130]  }
0x443: {  	v11 =	vshrl.u32 v5, $0x11;
	v14 =	vld [tilespmem:s9+$0x7130]  }
0x444: {  	v11 =	vand.u32 $0x3FF0, v11;
	v10 =	vsub.f32 v10, v46;
	[tilespmem:v47+s20+$0x0] =	vst.idx.add.f32.msk $0xffff, v2  }
0x445: {  	v11 =	vor.u32 v1, v11;
	[tilespmem:v47+s21+$0x0] =	vst.idx.add.f32.msk $0xffff, v8  }
0x446: {  	v8 =	vand.u32 $0x7FFFFFFF, v10;
	v10 =	vld [tilespmem:s9+$0x50A0]  }
0x447: {  	s25 =	rddreg [dreg:$0x7];
	v48 =	vshrl.u32 v8, $0x11;
	v13 =	vld [tilespmem:s9+$0x70A0]  }
0x448: {  	v49 =	vld [tilespmem:s25+$0x4000];
	v12 =	vand.u32 $0x3FF0, v48;
	v9 =	vsub.f32 v9, v14  }
0x449: {  	v50 =	vld [tilespmem:s25+$0x6000];
	v12 =	vor.u32 v1, v12  }
0x44a: {  	[tilespmem:v11+s20+$0x0] =	vst.idx.add.f32.msk $0xffff, v2;
	v9 =	vand.u32 $0x7FFFFFFF, v9  }
0x44b: {  	[tilespmem:v11+s21+$0x0] =	vst.idx.add.f32.msk $0xffff, v5;
	v5 =	vshrl.u32 v9, $0x11  }
0x44c: {  	v11 =	vld [tilespmem:s9+$0x5100];
	v10 =	vsub.f32 v10, v13;
	v5 =	vand.u32 $0x3FF0, v5  }
0x44d: {  	v51 =	vld [tilespmem:s9+$0x7100];
	v52 =	vor.u32 v1, v5  }
0x44e: {  	[tilespmem:v12+s20+$0x0] =	vst.idx.add.f32.msk $0xffff, v2;
	v10 =	vand.u32 $0x7FFFFFFF, v10  }
0x44f: {  	[tilespmem:v12+s21+$0x0] =	vst.idx.add.f32.msk $0xffff, v8;
	v8 =	vshrl.u32 v10, $0x11  }
0x450: {  	v12 =	vld [tilespmem:s9+$0x5110];
	v8 =	vand.u32 $0x3FF0, v8  }
0x451: {  	v53 =	vld [tilespmem:s9+$0x7110];
	v54 =	vor.u32 v1, v8  }
0x452: {  	v3 =	vand.u32 $0x7FFFFFFF, v3;
	v11 =	vsub.f32 v11, v51;
	[tilespmem:v52+s20+$0x0] =	vst.idx.add.f32.msk $0xffff, v2  }
0x453: {  	v6 =	vshrl.u32 v3, $0x11;
	[tilespmem:v52+s21+$0x0] =	vst.idx.add.f32.msk $0xffff, v9  }
0x454: {  	v6 =	vand.u32 $0x3FF0, v6;
	v9 =	vand.u32 $0x7FFFFFFF, v11;
	v11 =	vld [tilespmem:s9+$0x51B0]  }
0x455: {  	v6 =	vor.u32 v1, v6;
	v55 =	vshrl.u32 v9, $0x11;
	v16 =	vld [tilespmem:s9+$0x71B0]  }
0x456: {  	v13 =	vand.u32 $0x3FF0, v55;
	v12 =	vsub.f32 v12, v53;
	[tilespmem:v54+s20+$0x0] =	vst.idx.add.f32.msk $0xffff, v2  }
0x457: {  	v13 =	vor.u32 v1, v13;
	[tilespmem:v54+s21+$0x0] =	vst.idx.add.f32.msk $0xffff, v10  }
0x458: {  	v10 =	vand.u32 $0x7FFFFFFF, v12;
	v56 =	vld [tilespmem:s9+$0x5120]  }
0x459: {  	v57 =	vshrl.u32 v10, $0x11;
	v15 =	vld [tilespmem:s9+$0x7120]  }
0x45a: {  	[tilespmem:v6+s20+$0x0] =	vst.idx.add.f32.msk $0xffff, v2;
	v14 =	vand.u32 $0x3FF0, v57;
	v11 =	vsub.f32 v11, v16  }
0x45b: {  	[tilespmem:v6+s21+$0x0] =	vst.idx.add.f32.msk $0xffff, v3;
	v14 =	vor.u32 v1, v14  }
0x45c: {  	[tilespmem:v13+s20+$0x0] =	vst.idx.add.f32.msk $0xffff, v2;
	v3 =	vand.u32 $0x7FFFFFFF, v11  }
0x45d: {  	s26 =	rddreg [dreg:$0x6];
	[tilespmem:v13+s21+$0x0] =	vst.idx.add.f32.msk $0xffff, v9;
	v6 =	vshrl.u32 v3, $0x11  }
0x45e: {  	v9 =	vld [tilespmem:s26+$0x4000];
	v11 =	vsub.f32 v56, v15;
	v6 =	vand.u32 $0x3FF0, v6  }
0x45f: {  	v58 =	vld [tilespmem:s26+$0x6000];
	v6 =	vor.u32 v1, v6  }
0x460: {  	[tilespmem:v14+s20+$0x0] =	vst.idx.add.f32.msk $0xffff, v2;
	v11 =	vand.u32 $0x7FFFFFFF, v11  }
0x461: {  	[tilespmem:v14+s21+$0x0] =	vst.idx.add.f32.msk $0xffff, v10;
	v10 =	vshrl.u32 v11, $0x11  }
0x462: {  	v4 =	vsub.f32 v43, v44;
	v59 =	vld [tilespmem:s9+$0x5190];
	v10 =	vand.u32 $0x3FF0, v10  }
0x463: {  	v14 =	vld [tilespmem:s9+$0x7190];
	v10 =	vor.u32 v1, v10  }
0x464: {  	v4 =	vand.u32 $0x7FFFFFFF, v4;
	v9 =	vsub.f32 v9, v58;
	[tilespmem:v6+s20+$0x0] =	vst.idx.add.f32.msk $0xffff, v2  }
0x465: {  	s28 =	sor.u32 $0x1200, s0;
	v7 =	vshrl.u32 v4, $0x11;
	[tilespmem:v6+s21+$0x0] =	vst.idx.add.f32.msk $0xffff, v3  }
0x466: {  	v7 =	vand.u32 $0x3FF0, v7;
	v3 =	vand.u32 $0x7FFFFFFF, v9;
	v6 =	vld [tilespmem:s28+$0x4000]  }
0x467: {  	v7 =	vor.u32 v1, v7;
	v9 =	vshrl.u32 v3, $0x11;
	v60 =	vld [tilespmem:s28+$0x6000]  }
0x468: {  	v9 =	vand.u32 $0x3FF0, v9;
	v13 =	vsub.f32 v59, v14;
	[tilespmem:v10+s20+$0x0] =	vst.idx.add.f32.msk $0xffff, v2  }
0x469: {  	v9 =	vor.u32 v1, v9;
	[tilespmem:v10+s21+$0x0] =	vst.idx.add.f32.msk $0xffff, v11  }
0x46a: {  	v10 =	vand.u32 $0x7FFFFFFF, v13;
	v11 =	vld [tilespmem:s9+$0x51A0]  }
0x46b: {  	v13 =	vshrl.u32 v10, $0x11;
	v61 =	vld [tilespmem:s9+$0x71A0]  }
0x46c: {  	[tilespmem:v7+s20+$0x0] =	vst.idx.add.f32.msk $0xffff, v2;
	v13 =	vand.u32 $0x3FF0, v13;
	v6 =	vsub.f32 v6, v60  }
0x46d: {  	[tilespmem:v7+s21+$0x0] =	vst.idx.add.f32.msk $0xffff, v4;
	v62 =	vor.u32 v1, v13  }
0x46e: {  	[tilespmem:v9+s20+$0x0] =	vst.idx.add.f32.msk $0xffff, v2;
	v4 =	vand.u32 $0x7FFFFFFF, v6  }
0x46f: {  	s11 =	sor.u32 $0x1200, s8;
	[tilespmem:v9+s21+$0x0] =	vst.idx.add.f32.msk $0xffff, v3;
	v3 =	vshrl.u32 v4, $0x11  }
0x470: {  	v6 =	vld [tilespmem:s11+$0x4000];
	v7 =	vsub.f32 v11, v61;
	v3 =	vand.u32 $0x3FF0, v3  }
0x471: {  	v9 =	vld [tilespmem:s11+$0x6000];
	v3 =	vor.u32 v1, v3  }
0x472: {  	[tilespmem:v62+s20+$0x0] =	vst.idx.add.f32.msk $0xffff, v2;
	v7 =	vand.u32 $0x7FFFFFFF, v7  }
0x473: {  	s18 =	sor.u32 $0x1200, s2;
	[tilespmem:v62+s21+$0x0] =	vst.idx.add.f32.msk $0xffff, v10;
	v10 =	vshrl.u32 v7, $0x11  }
0x474: {  	v5 =	vsub.f32 v49, v50;
	v11 =	vld [tilespmem:s18+$0x4000];
	v10 =	vand.u32 $0x3FF0, v10  }
0x475: {  	v12 =	vld [tilespmem:s18+$0x6000];
	v10 =	vor.u32 v1, v10  }
0x476: {  	v5 =	vand.u32 $0x7FFFFFFF, v5;
	v6 =	vsub.f32 v6, v9;
	[tilespmem:v3+s20+$0x0] =	vst.idx.add.f32.msk $0xffff, v2  }
0x477: {  	s29 =	sor.u32 $0x1280, s0;
	v8 =	vshrl.u32 v5, $0x11;
	[tilespmem:v3+s21+$0x0] =	vst.idx.add.f32.msk $0xffff, v4  }
0x478: {  	v8 =	vand.u32 $0x3FF0, v8;
	v3 =	vand.u32 $0x7FFFFFFF, v6;
	v4 =	vld [tilespmem:s29+$0x4000]  }
0x479: {  	v8 =	vor.u32 v1, v8;
	v6 =	vshrl.u32 v3, $0x11;
	v9 =	vld [tilespmem:s29+$0x6000]  }
0x47a: {  	v6 =	vand.u32 $0x3FF0, v6;
	v11 =	vsub.f32 v11, v12;
	[tilespmem:v10+s20+$0x0] =	vst.idx.add.f32.msk $0xffff, v2  }
0x47b: {  	v6 =	vor.u32 v1, v6;
	[tilespmem:v10+s21+$0x0] =	vst.idx.add.f32.msk $0xffff, v7  }
0x47c: {  	v7 =	vand.u32 $0x7FFFFFFF, v11;
	v10 =	vld [tilespmem:s17+$0x4000]  }
0x47d: {  	v11 =	vshrl.u32 v7, $0x11;
	v63 =	vld [tilespmem:s17+$0x6000]  }
0x47e: {  	[tilespmem:v8+s20+$0x0] =	vst.idx.add.f32.msk $0xffff, v2;
	v11 =	vand.u32 $0x3FF0, v11;
	v4 =	vsub.f32 v4, v9  }
0x47f: {  	[tilespmem:v8+s21+$0x0] =	vst.idx.add.f32.msk $0xffff, v5;
	v9 =	vor.u32 v1, v11  }
0x480: {  	[tilespmem:v6+s20+$0x0] =	vst.idx.add.f32.msk $0xffff, v2;
	v4 =	vand.u32 $0x7FFFFFFF, v4  }
0x481: {  	s24 =	sor.u32 $0x1280, s8;
	[tilespmem:v6+s21+$0x0] =	vst.idx.add.f32.msk $0xffff, v3;
	v3 =	vshrl.u32 v4, $0x11  }
0x482: {  	v5 =	vld [tilespmem:s24+$0x4000];
	v3 =	vand.u32 $0x3FF0, v3  }
0x483: {  	v6 =	vsub.f32 v10, v63;
	v10 =	vld [tilespmem:s24+$0x6000];
	v11 =	vor.u32 v1, v3  }
0x484: {  	[tilespmem:v9+s20+$0x0] =	vst.idx.add.f32.msk $0xffff, v2  }
0x485: {  	p3 =	slt.u32 s31, $0x1C0;
	s30 =	rddreg [dreg:$0xb];
	v3 =	vand.u32 $0x7FFFFFFF, v6;
	[tilespmem:v9+s21+$0x0] =	vst.idx.add.f32.msk $0xffff, v7  }
.Ltmp5:
0x486: {  	v7 =	vshrl.u32 v3, $0x11;
	v6 =	vld [tilespmem:s30+$0x4000];
	(pc) =	sbr.rel @p3 .LBB2_8-.Ltmp5, $4  }
0x487: {  	v8 =	vand.u32 $0x3FF0, v7;
	v7 =	vld [tilespmem:s30+$0x6000]  }
0x488: {  	s7 =	sor.u32 $0x1300, s2;
	s2 =	sor.u32 $0x1380, s2;
	v5 =	vsub.f32 v5, v10;
	[tilespmem:v11+s20+$0x0] =	vst.idx.add.f32.msk $0xffff, v2  }
0x489: {  	s16 =	smov.u32 s2;
	s2 =	smov.u32 s1;
	s1 =	sor.u32 $0x1300, s0;
	[tilespmem:v11+s21+$0x0] =	vst.idx.add.f32.msk $0xffff, v4  }
0x48a: {  	s8 =	sor.u32 $0x1300, s8;
	s5 =	smov.u32 s6;
	s9 =	rddreg [dreg:$0x4];
	v8 =	vor.u32 v1, v8;
	v4 =	vand.u32 $0x7FFFFFFF, v5;
	v5 =	vld [tilespmem:s1+$0x4000]  }
0x48b: {  	_ =	sdelay $0x3  }
0x48c: {  	[tilespmem:v8+s20+$0x0] =	vst.idx.add.f32.msk $0xffff, v2  }
0x48d: {  	[tilespmem:v8+s21+$0x0] =	vst.idx.add.f32.msk $0xffff, v3  }
0x48e: {  	v3 =	vld [tilespmem:s13+$0x4000]  }
0x48f: {  	v8 =	vld [tilespmem:s13+$0x6000]  }
0x490: {  	v6 =	vsub.f32 v6, v7  }
0x491: {  	v42 =	vshrl.u32 v4, $0x11  }
0x492: {  	v7 =	vand.u32 $0x3FF0, v42;
	v6 =	vand.u32 $0x7FFFFFFF, v6  }
0x493: {  	v7 =	vor.u32 v1, v7;
	v43 =	vshrl.u32 v6, $0x11  }
0x494: {  	v3 =	vsub.f32 v3, v8;
	v8 =	vand.u32 $0x3FF0, v43  }
0x495: {  	v8 =	vor.u32 v1, v8;
	_ =	sdelay $0x1  }
0x496: {  	v10 =	vld [tilespmem:s1+$0x6000];
	v3 =	vand.u32 $0x7FFFFFFF, v3  }
0x497: {  	[tilespmem:v7+s20+$0x0] =	vst.idx.add.f32.msk $0xffff, v2;
	v9 =	vshrl.u32 v3, $0x11  }
0x498: {  	[tilespmem:v7+s21+$0x0] =	vst.idx.add.f32.msk $0xffff, v4;
	v9 =	vand.u32 $0x3FF0, v9  }
0x499: {  	v9 =	vor.u32 v1, v9;
	[tilespmem:v8+s20+$0x0] =	vst.idx.add.f32.msk $0xffff, v2  }
0x49a: {  	[tilespmem:v8+s21+$0x0] =	vst.idx.add.f32.msk $0xffff, v6  }
0x49b: {  	v6 =	vld [tilespmem:s7+$0x4000]  }
0x49c: {  	v44 =	vld [tilespmem:s7+$0x6000]  }
0x49d: {  	v5 =	vsub.f32 v5, v10;
	v4 =	vld [tilespmem:s8+$0x6000]  }
0x49e: {  	[tilespmem:v9+s20+$0x0] =	vst.idx.add.f32.msk $0xffff, v2  }
0x49f: {  	v5 =	vand.u32 $0x7FFFFFFF, v5;
	[tilespmem:v9+s21+$0x0] =	vst.idx.add.f32.msk $0xffff, v3  }
0x4a0: {  	v46 =	vshrl.u32 v5, $0x11;
	v3 =	vld [tilespmem:s8+$0x4000]  }
0x4a1: {  	v9 =	vand.u32 $0x3FF0, v46;
	v45 =	vld [tilespmem:s14+$0x4000];
	v6 =	vsub.f32 v6, v44  }
0x4a2: {  	v47 =	vld [tilespmem:s14+$0x6000];
	v48 =	vor.u32 v1, v9  }
0x4a3: {  	v6 =	vand.u32 $0x7FFFFFFF, v6  }
0x4a4: {  	v50 =	vshrl.u32 v6, $0x11  }
0x4a5: {  	v3 =	vsub.f32 v3, v4;
	v9 =	vand.u32 $0x3FF0, v50  }
0x4a6: {  	v51 =	vor.u32 v1, v9  }
0x4a7: {  	v8 =	vsub.f32 v45, v47;
	[tilespmem:v48+s20+$0x0] =	vst.idx.add.f32.msk $0xffff, v2;
	v3 =	vand.u32 $0x7FFFFFFF, v3  }
0x4a8: {  	s0 =	sor.u32 $0x1380, s0;
	[tilespmem:v48+s21+$0x0] =	vst.idx.add.f32.msk $0xffff, v5;
	v49 =	vshrl.u32 v3, $0x11  }
0x4a9: {  	v8 =	vand.u32 $0x7FFFFFFF, v8;
	v53 =	vld [tilespmem:s0+$0x4000];
	v7 =	vand.u32 $0x3FF0, v49  }
0x4aa: {  	v54 =	vld [tilespmem:s0+$0x6000];
	v52 =	vshrl.u32 v8, $0x11;
	v7 =	vor.u32 v1, v7  }
0x4ab: {  	v5 =	vand.u32 $0x3FF0, v52;
	[tilespmem:v51+s20+$0x0] =	vst.idx.add.f32.msk $0xffff, v2  }
0x4ac: {  	v5 =	vor.u32 v1, v5;
	[tilespmem:v51+s21+$0x0] =	vst.idx.add.f32.msk $0xffff, v6  }
0x4ad: {  	v56 =	vld [tilespmem:s16+$0x4000]  }
0x4ae: {  	v6 =	vld [tilespmem:s16+$0x6000]  }
0x4af: {  	[tilespmem:v7+s20+$0x0] =	vst.idx.add.f32.msk $0xffff, v2  }
0x4b0: {  	[tilespmem:v7+s21+$0x0] =	vst.idx.add.f32.msk $0xffff, v3  }
0x4b1: {  	[tilespmem:v5+s20+$0x0] =	vst.idx.add.f32.msk $0xffff, v2  }
0x4b2: {  	s31 =	sor.u32 $0x1380, s5;
	[tilespmem:v5+s21+$0x0] =	vst.idx.add.f32.msk $0xffff, v8  }
0x4b3: {  	v3 =	vld [tilespmem:s31+$0x4000]  }
0x4b4: {  	v55 =	vld [tilespmem:s31+$0x6000]  }
0x4b5: {  	v57 =	vsub.f32 v53, v54;
	v8 =	vld [tilespmem:s2+$0x4000]  }
0x4b6: {  	v58 =	vld [tilespmem:s2+$0x6000]  }
0x4b7: {  	v7 =	vand.u32 $0x7FFFFFFF, v57;
	v5 =	vsub.f32 v56, v6  }
0x4b8: {  	v59 =	vshrl.u32 v7, $0x11  }
0x4b9: {  	v4 =	vand.u32 $0x3FF0, v59;
	v5 =	vand.u32 $0x7FFFFFFF, v5;
	v3 =	vsub.f32 v3, v55  }
0x4ba: {  	v4 =	vor.u32 v1, v4;
	v61 =	vshrl.u32 v5, $0x11  }
0x4bb: {  	v8 =	vsub.f32 v8, v58;
	v9 =	vand.u32 $0x3FF0, v61;
	v3 =	vand.u32 $0x7FFFFFFF, v3  }
0x4bc: {  	v9 =	vor.u32 v1, v9;
	v60 =	vshrl.u32 v3, $0x11  }
0x4bd: {  	v8 =	vand.u32 $0x7FFFFFFF, v8;
	v6 =	vand.u32 $0x3FF0, v60  }
0x4be: {  	v62 =	vshrl.u32 v8, $0x11;
	v6 =	vor.u32 v1, v6  }
0x4bf: {  	[tilespmem:v4+s20+$0x0] =	vst.idx.add.f32.msk $0xffff, v2;
	v10 =	vand.u32 $0x3FF0, v62  }
0x4c0: {  	[tilespmem:v4+s21+$0x0] =	vst.idx.add.f32.msk $0xffff, v7;
	v63 =	vor.u32 v1, v10  }
0x4c1: {  	[tilespmem:v9+s20+$0x0] =	vst.idx.add.f32.msk $0xffff, v2  }
.Ltmp6:
0x4c2: {  	[tilespmem:v9+s21+$0x0] =	vst.idx.add.f32.msk $0xffff, v5;
	(pc) =	sbr.rel @p1 .LBB2_10-.Ltmp6, $4  }
0x4c3: {  	[tilespmem:v6+s20+$0x0] =	vst.idx.add.f32.msk $0xffff, v2  }
0x4c4: {  	[tilespmem:v6+s21+$0x0] =	vst.idx.add.f32.msk $0xffff, v3  }
0x4c5: {  	[tilespmem:v63+s20+$0x0] =	vst.idx.add.f32.msk $0xffff, v2  }
0x4c6: {  	[tilespmem:v63+s21+$0x0] =	vst.idx.add.f32.msk $0xffff, v8  }
0x4c7: {  	s0 =	rddreg [dreg:$0x13]  }
0x4c8: {  	s1 =	rddreg [dreg:$0x19]  }
0x4c9: {  	s0 =	sadd.s32 s1, s0  }
0x4ca: {  	s28 =	rddreg [dreg:$0x0];
	s0 =	sshrl.u32 s0, $0x3  }
0x4cb: {  	s2 =	simm.s32 $0x0;
	s3 =	simm.s32 $0x4000;
	s1 =	sadd.s32 s28, s0  }
0x4cc: {  	[tilespmem:s3], [sflag:$0x2] =	stream.linear.gather [hbm4b:s1+s2], $0x2000, $0x38;
	[tilespmem:$0x18100] =	vst v63  }
.Ltmp7:
0x4cd: {  	s29 =	rddreg [dreg:$0x1];
	(pc) =	sbr.rel .LBB2_5-.Ltmp7, $4  }
0x4ce: {  	s30 =	simm.s32 $0x6000;
	s31 =	rddreg [dreg:$0x18];
	s0 =	sadd.s32 s29, s0  }
0x4cf: {  	[tilespmem:s30], [sflag:$0x2] =	stream.linear.gather [hbm4b:s0+s2], $0x2000, $0x38;
	[tilespmem:$0x18100] =	vst v63  }
0x4d0: {  	s0 =	sadd.s32 $0x1, s31  }
0x4d1: {  	s5 =	simm.s32 $0x0;
	[dreg:$0x18] =	wrdreg s0  }
.LBB2_10:
0x4d2: {  	s2 =	simm.f32 $0.0e+00;
	s4 =	simm.s32 $0x0;
	s0 =	simm.s32 $0x7F  }
0x4d3: {  	s3 =	simm.s32 $0x0;
	s7 =	simm.f32 $0.0e+00;
	s1 =	simm.s32 $0x0  }
0x4d4: {  	s5 =	simm.f32 $0.0e+00;
	s6 =	simm.f32 $0.0e+00;
	s23 =	rddreg [dreg:$0x17]  }
.LBB2_11:
0x4d5: {  	s8 =	sshra.s32 s3, $0x2  }
0x4d6: {  	v3 =	vld [tilespmem:s8+$0xFF00];
	_ =	sdelay $0x1  }
0x4d7: {  	v4 =	vld [tilespmem:s8+$0xFF10];
	_ =	sdelay $0x1  }
0x4d8: {  	v6 =	vld [tilespmem:s8+$0xFF20]  }
0x4d9: {  	v3 =	vadd.f32 $0.0e+00, v3  }
0x4da: {  	v8 =	vld [tilespmem:s8+$0xFF30]  }
0x4db: {  	v5 =	vld [tilespmem:s8+$0x17F00];
	v3 =	vadd.f32 v4, v3  }
0x4dc: {  	v9 =	vld [tilespmem:s8+$0xFF40]  }
0x4dd: {  	v7 =	vld [tilespmem:s8+$0x17F10];
	v3 =	vadd.f32 v6, v3  }
0x4de: {  	v41 =	vld [tilespmem:s8+$0xFF50]  }
0x4df: {  	v39 =	vld [tilespmem:s8+$0x17F20];
	v3 =	vadd.f32 v8, v3  }
0x4e0: {  	v43 =	vld [tilespmem:s8+$0xFF60]  }
0x4e1: {  	v40 =	vld [tilespmem:s8+$0x17F30];
	v5 =	vadd.f32 $0.0e+00, v5;
	v3 =	vadd.f32 v9, v3  }
0x4e2: {  	v45 =	vld [tilespmem:s8+$0xFF70]  }
0x4e3: {  	v42 =	vld [tilespmem:s8+$0x17F40];
	v5 =	vadd.f32 v7, v5;
	v3 =	vadd.f32 v41, v3  }
0x4e4: {  	v47 =	vld [tilespmem:s8+$0xFF80]  }
0x4e5: {  	v44 =	vld [tilespmem:s8+$0x17F50];
	v4 =	vadd.f32 v39, v5;
	v3 =	vadd.f32 v43, v3  }
0x4e6: {  	v49 =	vld [tilespmem:s8+$0xFF90]  }
0x4e7: {  	v46 =	vld [tilespmem:s8+$0x17F60];
	v4 =	vadd.f32 v40, v4;
	v3 =	vadd.f32 v45, v3  }
0x4e8: {  	v51 =	vld [tilespmem:s8+$0xFFA0]  }
0x4e9: {  	v48 =	vld [tilespmem:s8+$0x17F70];
	v4 =	vadd.f32 v42, v4;
	v3 =	vadd.f32 v47, v3  }
0x4ea: {  	v53 =	vld [tilespmem:s8+$0xFFB0]  }
0x4eb: {  	v50 =	vld [tilespmem:s8+$0x17F80];
	v4 =	vadd.f32 v44, v4;
	v3 =	vadd.f32 v49, v3  }
0x4ec: {  	v55 =	vld [tilespmem:s8+$0xFFC0]  }
0x4ed: {  	v52 =	vld [tilespmem:s8+$0x17F90];
	v4 =	vadd.f32 v46, v4;
	v3 =	vadd.f32 v51, v3  }
0x4ee: {  	v57 =	vld [tilespmem:s8+$0xFFD0]  }
0x4ef: {  	v54 =	vld [tilespmem:s8+$0x17FA0];
	v4 =	vadd.f32 v48, v4;
	v3 =	vadd.f32 v53, v3  }
0x4f0: {  	v59 =	vld [tilespmem:s8+$0xFFE0]  }
0x4f1: {  	v56 =	vld [tilespmem:s8+$0x17FB0];
	v4 =	vadd.f32 v50, v4;
	v3 =	vadd.f32 v55, v3  }
0x4f2: {  	v61 =	vld [tilespmem:s8+$0xFFF0]  }
0x4f3: {  	v4 =	vadd.f32 v52, v4;
	v3 =	vadd.f32 v57, v3  }
0x4f4: {  	v58 =	vld [tilespmem:s8+$0x17FC0]  }
0x4f5: {  	v4 =	vadd.f32 v54, v4;
	v3 =	vadd.f32 v59, v3  }
0x4f6: {  	v60 =	vld [tilespmem:s8+$0x17FD0]  }
0x4f7: {  	v4 =	vadd.f32 v56, v4;
	v3 =	vadd.f32 v61, v3  }
0x4f8: {  	v62 =	vld [tilespmem:s8+$0x17FE0]  }
0x4f9: {  	v4 =	vadd.f32 v58, v4;
	(xrf2) =	vadd.scan.msk.f32 $0xffff, v3  }
0x4fa: {  	v63 =	vld [tilespmem:s8+$0x17FF0]  }
0x4fb: {  	v4 =	vadd.f32 v60, v4;
	_ =	sdelay $0x1  }
0x4fc: {  	v4 =	vadd.f32 v62, v4;
	_ =	sdelay $0x1  }
0x4fd: {  	v3 =	vadd.f32 v63, v4;
	_ =	sdelay $0x1  }
0x4fe: {  	(xrf2) =	vadd.scan.msk.f32 $0xffff, v3;
	_ =	sdelay $0x1  }
0x4ff: {  	v3, _, _ =	vpop (xrf2)  }
0x500: {  	(v2sf) =	vpush v3, $0xF;
	_ =	sdelay $0x6  }
0x501: {  	v3, _, _ =	vpop (xrf2)  }
0x502: {  	(v2sf) =	vpush v3, $0xF;
	_ =	sdelay $0x6  }
0x503: {  	s31 =	spop (v2sf)  }
0x504: {  	s8 =	sadd.f32 s31, s6;
	_ =	sdelay $0x1  }
0x505: {  	p2 =	sgt.u32 s4, $0x7E;
	p1 =	sge.f32 s8, s23  }
0x506: {  	p3 =	sge.f32 @!p2 s8, s23  }
0x507: {  	s1 =	smov.u32 @p1 s0  }
0x508: {  	s7 =	smov.u32 @p1 s6;
	s2 =	smov.u32 @p1 s5;
	p1 =	por p2, p3  }
.Ltmp8:
0x509: {  	_ = 	snop;
	(pc) =	sbr.rel @!p1 .LBB2_11-.Ltmp8, $4  }
0x50a: {  	s9 =	spop (v2sf)  }
0x50b: {  	s9 =	sadd.f32 s9, s5  }
0x50c: {  	s4 =	sadd.s32 $0x1, s4;
	s3 =	sadd.s32 $0xFFFFFC00, s3  }
0x50d: {  	s0 =	sadd.s32 $0xFFFFFFFF, s0;
	s5 =	smov.u32 s9;
	s6 =	smov.u32 s8  }
0x50e: {  	s0 =	sshll.u32 s1, $0xA  }
0x50f: {  	s0 =	sshra.s32 s0, $0x2  }
0x510: {  	s6 =	sadd.s32 $0x8000, s0  }
0x511: {  	v4 =	vmov s6;
	_ =	sdelay $0x3  }
0x512: {  	s26 =	simm.s32 $0xF0  }
0x513: {  	s4 =	sadd.s32 $0x10000, s0;
	v5 =	vld.idx.msk [tilespmem:v4+s26+$0x0 ss:$0x1], $0xffff  }
0x514: {  	v3 =	vmov s4;
	_ =	sdelay $0x2  }
0x515: {  	s28 =	simm.s32 $0xE0  }
0x516: {  	(xrf2) =	vadd.scan.msk.f32 $0xffff, v5;
	v5 =	vld.idx.msk [tilespmem:v4+s28+$0x0 ss:$0x1], $0xffff  }
0x517: {  	v6 =	vld.idx.msk [tilespmem:v3+s26+$0x0 ss:$0x1], $0xffff;
	_ =	sdelay $0x3  }
0x518: {  	(xrf2) =	vadd.scan.msk.f32 $0xffff, v5  }
0x519: {  	(xrf2) =	vadd.scan.msk.f32 $0xffff, v6;
	_ =	sdelay $0x6  }
0x51a: {  	s29 =	simm.s32 $0xD0;
	v5, _, _ =	vpop (xrf2)  }
0x51b: {  	(v2sf) =	vpush v5, $0xF;
	v5 =	vld.idx.msk [tilespmem:v4+s29+$0x0 ss:$0x1], $0xffff  }
0x51c: {  	s30 =	simm.s32 $0xC0;
	v7 =	vld.idx.msk [tilespmem:v3+s28+$0x0 ss:$0x1], $0xffff;
	v6, _, _ =	vpop (xrf2)  }
0x51d: {  	v9 =	vld.idx.msk [tilespmem:v4+s30+$0x0 ss:$0x1], $0xffff;
	v8, _, _ =	vpop (xrf2)  }
0x51e: {  	(v2sf) =	vpush v8, $0xF;
	v8 =	vld.idx.msk [tilespmem:v3+s29+$0x0 ss:$0x1], $0xffff  }
0x51f: {  	(v2sf) =	vpush v6, $0xF  }
0x520: {  	(xrf2) =	vadd.scan.msk.f32 $0xffff, v5  }
0x521: {  	(xrf2) =	vadd.scan.msk.f32 $0xffff, v7  }
0x522: {  	s31 =	simm.s32 $0xB0;
	(xrf2) =	vadd.scan.msk.f32 $0xffff, v9  }
0x523: {  	v5 =	vld.idx.msk [tilespmem:v4+s31+$0x0 ss:$0x1], $0xffff;
	(xrf2) =	vadd.scan.msk.f32 $0xffff, v8;
	_ =	sdelay $0x4  }
0x524: {  	(xrf2) =	vadd.scan.msk.f32 $0xffff, v5;
	v5 =	vld.idx.msk [tilespmem:v3+s30+$0x0 ss:$0x1], $0xffff;
	_ =	sdelay $0x1  }
0x525: {  	v7, _, _ =	vpop (xrf2)  }
0x526: {  	v62, _, _ =	vpop (xrf2)  }
0x527: {  	s11 =	spop (v2sf);
	(v2sf) =	vpush v62, $0xF;
	v63, _, _ =	vpop (xrf2)  }
0x528: {  	s13 =	simm.s32 $0xA0;
	(xrf2) =	vadd.scan.msk.f32 $0xffff, v5;
	s14 =	spop (v2sf);
	(v2sf) =	vpush v7, $0xF;
	v5, _, _ =	vpop (xrf2)  }
0x529: {  	v6 =	vld.idx.msk [tilespmem:v4+s13+$0x0 ss:$0x1], $0xffff;
	s10 =	spop (v2sf);
	(v2sf) =	vpush v5, $0xF  }
0x52a: {  	v8 =	vld.idx.msk [tilespmem:v3+s31+$0x0 ss:$0x1], $0xffff;
	s8 =	sadd.f32 s11, s7;
	(v2sf) =	vpush v63, $0xF;
	_ =	sdelay $0x1  }
0x52b: {  	s5 =	sshllo.u32 s1, $0x4;
	p1 =	por $0x0, $0x0;
	p2 =	sge.f32 s8, s23  }
0x52c: {  	s3 =	simm.s32 $0x0;
	s1 =	simm.f32 $0.0e+00;
	p3 =	por !p1, !p1  }
0x52d: {  	s12 =	simm.s32 $0x90;
	s0 =	simm.f32 $1.000000000e+00;
	(xrf2) =	vadd.scan.msk.f32 $0xffff, v6;
	p3 =	por !p2, !p3  }
0x52e: {  	s4 =	simm.f32 $0.0e+00;
	s6 =	simm.f32 $0.0e+00;
	(xrf2) =	vadd.scan.msk.f32 $0xffff, v8;
	p3 =	por !p3, !p3;
	v7 =	vld.idx.msk [tilespmem:v3+s13+$0x0 ss:$0x1], $0xffff  }
0x52f: {  	s13 =	simm.s32 $0x200;
	s4 =	smov.u32 @p3 s14;
	v5 =	vld.idx.msk [tilespmem:v4+s12+$0x0 ss:$0x1], $0xffff;
	s9 =	sadd.f32 s10, s8  }
0x530: {  	s3 =	smov.u32 @p3 s5;
	v6, _, _ =	vpop (xrf2);
	s6 =	smov.u32 @p3 s7;
	s7 =	sadd.f32 s14, s2  }
.LBB2_13:
0x531: {  	p4 =	sne.s32 s13, $0x0;
	p1 =	por p1, p2;
	p2 =	sge.f32 s9, s23  }
0x532: {  	s14 =	smov.u32 s12;
	s15 =	smov.u32 s8;
	s8 =	smov.u32 s9  }
0x533: {  	s1 =	smov.u32 @p3 s2;
	s0 =	smov.u32 @p3 s11;
	v8, _, _ =	vpop (xrf2);
	p5 =	por !p1, !p1  }
.Ltmp9:
0x534: {  	s12 =	sshra.s32 s13, $0x2;
	(xrf2) =	vadd.scan.msk.f32 $0xffff, v5;
	(v2sf) =	vpush v8, $0xF;
	p3 =	por !p2, !p5;
	(pc) =	sbr.rel @p4 .LBB2_13-.Ltmp9, $4  }
0x535: {  	s11 =	smov.u32 s10;
	v5 =	vld.idx.msk [tilespmem:v4+s12+$0x0 ss:$0x1], $0xffff;
	(v2sf) =	vpush v6, $0xF;
	p3 =	por !p3, !p3;
	s16 =	spop (v2sf)  }
0x536: {  	s5 =	sadd.s32 $0xFFFFFFFF, s5;
	s10 =	spop (v2sf);
	s4 =	smov.u32 @p3 s16  }
0x537: {  	s2 =	smov.u32 s7;
	s3 =	smov.u32 @p3 s5;
	v6, _, _ =	vpop (xrf2);
	(xrf2) =	vadd.scan.msk.f32 $0xffff, v7;
	s9 =	sadd.f32 s10, s9  }
0x538: {  	s13 =	sadd.s32 $0xFFFFFFC0, s13;
	s6 =	smov.u32 @p3 s15;
	s7 =	sadd.f32 s16, s7;
	v7 =	vld.idx.msk [tilespmem:v3+s14+$0x0 ss:$0x1], $0xffff  }
0x539: {  	_ =	sdelay $0x2  }
0x53a: {  	(xrf2) =	vadd.scan.msk.f32 $0xffff, v5  }
0x53b: {  	(xrf2) =	vadd.scan.msk.f32 $0xffff, v7;
	_ =	sdelay $0x5  }
0x53c: {  	v4, _, _ =	vpop (xrf2)  }
0x53d: {  	(v2sf) =	vpush v4, $0xF;
	v59, _, _ =	vpop (xrf2)  }
0x53e: {  	(v2sf) =	vpush v6, $0xF;
	v60, _, _ =	vpop (xrf2)  }
0x53f: {  	(v2sf) =	vpush v60, $0xF;
	v61, _, _ =	vpop (xrf2)  }
0x540: {  	(v2sf) =	vpush v59, $0xF;
	v62, _, _ =	vpop (xrf2)  }
0x541: {  	(v2sf) =	vpush v62, $0xF  }
0x542: {  	(v2sf) =	vpush v61, $0xF  }
0x543: {  	p4 =	sge.f32 s9, s23;
	p5 =	por p1, p2;
	v3 =	vld.idx.msk [tilespmem:v3+s12+$0x0 ss:$0x1], $0xffff  }
0x544: {  	s14 =	spop (v2sf);
	s1 =	smov.u32 @p3 s2;
	p1 =	por !p5, !p5  }
0x545: {  	s0 =	smov.u32 @p3 s11;
	s15 =	spop (v2sf);
	p1 =	por !p4, !p1  }
0x546: {  	s17 =	sadd.f32 s15, s9;
	p3 =	por p5, p4;
	p1 =	por !p1, !p1  }
0x547: {  	s5 =	sadd.s32 $0xFFFFFFFF, s5;
	p4 =	por !p3, !p3;
	s4 =	smov.u32 @p1 s14  }
0x548: {  	s6 =	smov.u32 @p1 s8;
	s14 =	sadd.f32 s14, s7;
	p2 =	sge.f32 s17, s23;
	(xrf2) =	vadd.scan.msk.f32 $0xffff, v3  }
0x549: {  	s1 =	smov.u32 @p1 s7;
	s0 =	smov.u32 @p1 s10;
	s3 =	smov.u32 @p1 s5  }
0x54a: {  	s5 =	sadd.s32 $0xFFFFFFFF, s5;
	p4 =	por !p2, !p4;
	s16 =	spop (v2sf)  }
0x54b: {  	p2 =	por p3, p2;
	p5 =	por !p4, !p4;
	s13 =	spop (v2sf)  }
0x54c: {  	p3 =	por !p2, !p2;
	s12 =	sadd.f32 s13, s17;
	s18 =	spop (v2sf)  }
0x54d: {  	s6 =	smov.u32 @p5 s9;
	s1 =	smov.u32 @p5 s14;
	s11 =	spop (v2sf)  }
0x54e: {  	s0 =	smov.u32 @p5 s15;
	s8 =	sadd.f32 s11, s12;
	s19 =	spop (v2sf)  }
0x54f: {  	s3 =	smov.u32 @p5 s5;
	p1 =	sge.f32 s12, s23;
	s7 =	spop (v2sf)  }
0x550: {  	s5 =	sadd.s32 $0xFFFFFFFF, s5;
	s10 =	sadd.f32 s7, s8;
	s22 =	spop (v2sf)  }
0x551: {  	s4 =	smov.u32 @p5 s16;
	p6 =	sge.f32 s8, s23;
	s2 =	spop (v2sf)  }
0x552: {  	v3, _, _ =	vpop (xrf2);
	p2 =	por p2, p1;
	p0 =	sge.f32 s10, s23;
	s25 =	sadd.f32 s2, s10  }
0x553: {  	p1 =	por !p1, !p3;
	(v2sf) =	vpush v3, $0xF;
	p3 =	por p2, p6;
	p2 =	por !p2, !p2  }
0x554: {  	p5 =	por !p3, !p3;
	p3 =	por p3, p0;
	p4 =	sge.f32 s25, s23  }
0x555: {  	s16 =	sadd.f32 s16, s14;
	p2 =	por !p6, !p2;
	p3 =	por !p3, !p3  }
0x556: {  	p0 =	por !p0, !p5;
	p6 =	por !p4, !p3;
	p4 =	por !p1, !p1  }
0x557: {  	p3 =	por !p2, !p2;
	s3 =	smov.u32 @p4 s5;
	s5 =	sadd.s32 $0xFFFFFFFF, s5  }
0x558: {  	p2 =	por !p0, !p0;
	s3 =	smov.u32 @p3 s5;
	s5 =	sadd.s32 $0xFFFFFFFF, s5  }
0x559: {  	p1 =	por !p6, !p6;
	s3 =	smov.u32 @p2 s5;
	s5 =	sadd.s32 $0xFFFFFFFF, s5  }
0x55a: {  	s3 =	smov.u32 @p1 s5;
	s5 =	sadd.f32 s18, s16  }
0x55b: {  	s3 =	sshll.u32 s3, $0x15  }
0x55c: {  	s9 =	sadd.f32 s19, s5;
	s26 =	sadd.s32 $0x200000, s3  }
0x55d: {  	s6 =	smov.u32 @p4 s17;
	s1 =	smov.u32 @p4 s16;
	v3 =	vmov s3;
	v63 =	vmov s26  }
0x55e: {  	s4 =	smov.u32 @p4 s18;
	s1 =	smov.u32 @p3 s5;
	v3 =	vbroadcast v3, $0x0;
	s3 =	sadd.f32 s22, s9;
	v4 =	vbroadcast v63, $0x0  }
0x55f: {  	s0 =	smov.u32 @p4 s13;
	s6 =	smov.u32 @p3 s12;
	s1 =	smov.u32 @p2 s9  }
0x560: {  	vm1 =	veq.s32 v1, $0x0;
	s0 =	smov.u32 @p3 s11;
	s6 =	smov.u32 @p2 s8;
	s1 =	smov.u32 @p1 s3;
	v3 =	vsel vm0, v4, v3  }
0x561: {  	s4 =	smov.u32 @p3 s19;
	s0 =	smov.u32 @p2 s7;
	s6 =	smov.u32 @p1 s10;
	v3 =	vsel vm1, s1, v3;
	vm1 =	veq.s32 v1, $0x1  }
0x562: {  	s4 =	smov.u32 @p2 s22;
	s0 =	smov.u32 @p1 s2;
	s1 =	spop (v2sf);
	v3 =	vsel vm1, s6, v3;
	vm1 =	veq.s32 v1, $0x2  }
0x563: {  	s4 =	smov.u32 @p1 s1;
	v3 =	vsel vm1, s0, v3;
	vm1 =	veq.s32 v1, $0x3  }
0x564: {  	s28 =	simm.s32 $0x0;
	v3 =	vsel vm1, s4, v3  }
0x565: {  	s29 =	rddreg [dreg:$0x14];
	s30 =	simm.s32 $0x18000;
	s3 =	simm.s32 $0x3;
	[tilespmem:$0x18000] =	vst v3  }
0x566: {  	[hbm4b:s29+s28] =	stream.linear.scatter [tilespmem:s30], [sflag:$0x3], $0x80, $0x38;
	[tilespmem:$0x18100] =	vst v63  }
.Ltmp10:
0x567: {  	_ =	swait.ge [sflag:s3], $0x80;
	(pc) =	sbr.rel .LBB2_15-.Ltmp10, $4  }
0x568: {  	s31 =	sld [smem:$0x7FD]  }
0x569: {  	[sflag:s3] =	ssyncset.done $0x0;
	s1 =	rddreg [dreg:$0x15]  }
0x56a: {  	s4 =	rddreg [dreg:$0x16];
	[sflag:s3] =	ssyncadd.s32 $0xFFFFFF80  }
0x56b: {  	s2 =	simm.s32 $0x18080;
	s9 =	rddreg [dreg:$0x2];
	p1 =	seq.s32 s31, $0x1  }
.LBB2_16:
0x56c: {  	_ =	sfence.sel $0x180000  }
0x56d: {  	[bflag:$0x0] =	sbarrier.arrive $0xFFFF  }
0x56e: {  	_ =	strace $0x90000047  }
0x56f: {  	s0 =	stileid.u32;
	[bflag:$0x2] =	sbarrier.arrive $0xFFFF  }
0x570: {  	p0 =	sne.s32 s0, $0x0;
	s0 =	rddreg [dreg:$0x3]  }
0x571: {  	s0 =	sadd.s32 @!p0 $0x100000, s0  }
0x572: {  	[sflag:s0] =	ssyncadd.tile.s32 @!p0 $0x1;
	_ =	shalt  }
.Lfunc_end2:
_tile_overlayer_lowered:
.L_overlay_start_2:
0x573: {  	(tag) =	ssettag $0x2  }
0x574: {  	s0 =	rddreg [dreg:$0x0];
	s2 =	stileid.u32  }
0x575: {  	s1 =	rddreg [dreg:$0x1];
	p0 =	sne.s32 s2, $0x0  }
0x576: {  	s3 =	rddreg [dreg:$0x2];
	[bflag:$0x3] =	sbarrier.arrive $0xFFFF;
	s2 =	simm.s32 @!p0 $0x1C03  }
0x577: {  	[timem:s3], [sflag:s2] =	dma.local @!p0 [hbm:s0], s1  }
0x578: {  	s0 =	simm.s32 @!p0 $0x3  }
0x579: {  	_ =	swait.ge @!p0 [sflag:s0], s1  }
0x57a: {  	s1 =	ssub.s32 @!p0 $0x0, s1;
	[sflag:s0] =	ssyncset.done @!p0 $0x0  }
0x57b: {  	[sflag:s0] =	ssyncadd.s32 @!p0 s1  }
0x57c: {  	[bflag:$0x3] =	sbarrier.arrive $0xFFFF  }
0x57d: {  	_ =	shalt  }

</sc_bundles>
